<compile_context>
chip_gen: v7x
topology: tpu7x:2x2x1
jax: 0.10.2.dev20260603
libtpu: 0.0.44.dev20260713+nightly
codegen_flags: <defaults>
</compile_context>

<pallas_src>
import functools

import jax
import jax.numpy as jnp
from jax import lax
from jax.experimental import pallas as pl
from jax.experimental.pallas import tpu as pltpu
from jax.experimental.pallas import tpu_sc as plsc

C = 28
N = 131072
B = 1024
HI = 8.0
SCALE = B / HI
L = 16
NTILES = 32
CNT_TOT = 2064
CHUNK = 16384
NCHUNKS = N // CHUNK
U = 8

_mesh = plsc.VectorSubcoreMesh(core_axis_name="c", subcore_axis_name="s")


@functools.partial(
    pl.kernel,
    out_type=jax.ShapeDtypeStruct((NTILES, L), jnp.float32),
    mesh=_mesh,
    scratch_types=[
        pltpu.VMEM((2, CHUNK), jnp.float32),
        pltpu.VMEM((2, CHUNK), jnp.int32),
        pltpu.VMEM((CNT_TOT,), jnp.float32),
        pltpu.VMEM((L,), jnp.float32),
        pltpu.SemaphoreType.DMA,
        pltpu.SemaphoreType.DMA,
    ],
    compiler_params=pltpu.CompilerParams(needs_layout_passes=False),
)
def _lovasz_sc(logits_t, labels_t, out, lbuf, ybuf, cnt, ostage, sem0, sem1):
    wid = lax.axis_index("s") * 2 + lax.axis_index("c")
    row = jnp.minimum(wid, C - 1)
    active = (wid < C).astype(jnp.float32)

    zeros = jnp.zeros((L,), jnp.float32)
    ones = jnp.ones((L,), jnp.float32)
    iota = lax.iota(jnp.int32, L)
    sems = (sem0, sem1)

    @plsc.parallel_loop(0, CNT_TOT // L, unroll=8)
    def _zero_cnt(i):
        cnt[pl.ds(i * L, L)] = zeros

    def _start(ch):
        p = ch & 1
        hl = pltpu.async_copy(
            logits_t.at[row, pl.ds(ch * CHUNK, CHUNK)], lbuf.at[p], sems[p])
        hy = pltpu.async_copy(
            labels_t.at[row, pl.ds(ch * CHUNK, CHUNK)], ybuf.at[p], sems[p])
        return hl, hy

    def _hist_group(p, i):
        lg = lbuf[p, pl.ds(i * L, L)]
        yi = ybuf[p, pl.ds(i * L, L)]
        yf = yi.astype(jnp.float32)
        t = lg * yf
        e = (1.0 + lg) - 2.0 * t
        s = e * SCALE + 1.0
        s = jnp.minimum(s, float(B))
        s = jnp.maximum(s, 0.0)
        v = s.astype(jnp.int32)
        idx = (2 * B) - (v + v) + yi
        plsc.addupdate_scatter(cnt, [idx], ones)

    pend = _start(0)
    for ch in range(NCHUNKS):
        nxt = _start(ch + 1) if ch + 1 < NCHUNKS else None
        pend[0].wait()
        pend[1].wait()
        plsc.parallel_loop(0, CHUNK // L, unroll=U)(
            functools.partial(_hist_group, ch & 1))
        pend = nxt

    oddmask = (iota & 1).astype(jnp.float32)

    def _gsum(i, acc):
        return acc + cnt[pl.ds(i * L, L)] * oddmask

    g = jnp.sum(plsc.parallel_loop(0, CNT_TOT // L, unroll=4, carry=zeros)(_gsum))
    g2 = float(N) - g

    def _final(b, carry):
        pcar, ncar, acc = carry
        base = 2 * (b * L) + 2 * iota
        cn = plsc.load_gather(cnt, [base])
        cp = plsc.load_gather(cnt, [base + 1])
        pi = plsc.cumsum(cp) + pcar
        ni = plsc.cumsum(cn) + ncar
        pe = pi - cp
        ne = ni - cn
        den1 = jnp.maximum((g + ne) * (g + ne + cn), 1.0)
        mass1 = ((g - pe) * cn + cp * (g + ne)) / den1
        den2 = jnp.maximum((g2 + pe) * (g2 + pe + cp), 1.0)
        mass2 = ((g2 - ne) * cp + cn * (g2 + pe)) / den2
        bg = (b * L + iota).astype(jnp.float32)
        center = (B - 0.5) / SCALE - bg * (1.0 / SCALE)
        acc = acc + center * (mass1 + mass2)
        return pcar + jnp.sum(cp), ncar + jnp.sum(cn), acc

    _, _, acc = lax.fori_loop(
        0, B // L, _final, (jnp.float32(0.0), jnp.float32(0.0), zeros)
    )

    partial = jnp.sum(acc) * active * (1.0 / (2.0 * C))
    ostage[...] = jnp.where(iota == 0, partial, 0.0)
    pltpu.sync_copy(ostage, out.at[wid])


def kernel(logits, labels):
    logits_t = logits.T
    labels_t = labels.astype(jnp.int32).T
    parts = _lovasz_sc(logits_t, labels_t)
    return jnp.sum(parts)

# --- scband reference (transcript-rebuilt; emitter-appended) ---
"""Pipeline reference for scband-symmetric-lovasz-loss-5806795784276 (READ-ONLY COPY).

The authoritative reference and input builder live on the scoring server;
editing this copy changes nothing except your own understanding.
"""

import jax, jax.numpy as jnp
import numpy as np

NUM_CLASSES = 28


def lovasz_grad(gt_sorted):
    gts = jnp.sum(gt_sorted)
    intersection = gts - jnp.cumsum(gt_sorted)
    union = gts + jnp.cumsum(1.0 - gt_sorted)
    jaccard = 1.0 - intersection / union
    jaccard = jnp.concatenate([jaccard[:1], jaccard[1:] - jaccard[:-1]])
    return jaccard


def lovasz_hinge_flat(logits, labels):
    # logits: [N], labels: [N] float 0/1
    signs = 2.0 * labels - 1.0
    errors = 1.0 - logits * signs
    perm = jnp.argsort(-errors)  # descending sort permutation (detached, like perm.data)
    errors_sorted = errors[perm]
    gt_sorted = labels[perm]
    grad = lovasz_grad(gt_sorted)
    return jnp.dot(jax.nn.relu(errors_sorted), grad)


def lovasz_hinge(logits, labels):
    # per_class=True branch
    loss = 0.0
    for i in range(NUM_CLASSES):
        loss = loss + lovasz_hinge_flat(logits[:, i], labels[:, i])
    return loss / NUM_CLASSES


def setup_inputs(seed: int = 0) -> dict:
    key = jax.random.key(seed)
    k1, k2 = jax.random.split(key)
    logits = jax.random.normal(k1, (131072, 28), dtype=jnp.float32)
    labels = jax.random.randint(k2, (131072, 28), 0, 2, dtype=jnp.int64)
    return {"logits": logits, "labels": labels}


def reference(logits, labels):
    labels_f = labels.astype(jnp.float32)
    loss = (lovasz_hinge(logits, labels_f) + lovasz_hinge(-logits, 1.0 - labels_f)) / 2.0
    return loss

if __name__ == "__main__":
    import jax
    _d = setup_inputs()
    print(jax.jit(kernel)(*tuple(_d.values())))

</pallas_src>

<mosaic_0001>
#map = affine_map<(d0, d1) -> (0, 0)>
module attributes {stable_mosaic.version = 14 : i64} {
  func.func @_lovasz_sc(%arg0: i32, %arg1: i32, %arg2: memref<28x131072xf32, #tpu.memory_space<hbm>>, %arg3: memref<28x131072xi32, #tpu.memory_space<hbm>>, %arg4: memref<32x16xf32, #tpu.memory_space<hbm>>, %arg5: memref<2x16384xf32, #tpu.memory_space<vmem>>, %arg6: memref<2x16384xi32, #tpu.memory_space<vmem>>, %arg7: memref<2064xf32, #tpu.memory_space<vmem>>, %arg8: memref<16xf32, #tpu.memory_space<vmem>>, %arg9: memref<!tpu.dma_semaphore, #tpu.memory_space<semaphore_mem>>, %arg10: memref<!tpu.dma_semaphore, #tpu.memory_space<semaphore_mem>>) attributes {dimension_semantics = [#tpu.dimension_semantics<core_parallel>, #tpu.dimension_semantics<subcore_parallel>], iteration_bounds = array<i64: 2, 16>, scalar_prefetch = 0 : i64, scratch_operands = 6 : i64, tpu.core_type = #tpu.core_type<sc_vector_subcore>, window_params = [{transform_indices = #map}, {transform_indices = #map}, {transform_indices = #map}]} {
    %mul3A = arith.constant 2 : i32
    %mul3A_0 = arith.muli %arg1, %mul3A : i32
    %add3A = arith.addi %mul3A_0, %arg0 : i32
    %min3A = arith.constant 27 : i32
    %min3A_1 = arith.minsi %add3A, %min3A : i32
    %lt3A = arith.constant 28 : i32
    %lt3A_2 = arith.cmpi slt, %add3A, %lt3A : i32
    %convert_element_type3A = arith.extui %lt3A_2 : i1 to i32
    %convert_element_type3A_3 = arith.sitofp %convert_element_type3A : i32 to f32
    %broadcast_in_dim3A = arith.constant 0.000000e+00 : f32
    %broadcast_in_dim3A_4 = vector.broadcast %broadcast_in_dim3A : f32 to vector<16xf32>
    %broadcast_in_dim3A_5 = arith.constant 1.000000e+00 : f32
    %broadcast_in_dim3A_6 = vector.broadcast %broadcast_in_dim3A_5 : f32 to vector<16xf32>
    %iota3A = tpu.iota {dimensions = array<i32: 0>} : vector<16xi32>
    %parallel_loop3A = arith.constant 0 : i32
    %parallel_loop3A_7 = arith.constant 129 : i32
    %parallel_loop3A_8 = arith.constant 1 : i32
    scf.for %parallel_loop3A_477 = %parallel_loop3A to %parallel_loop3A_7 step %parallel_loop3A_8  : i32 {
      %parallel_loop3A_478 = arith.constant 16 : i32
      %parallel_loop3A_479 = arith.muli %parallel_loop3A_477, %parallel_loop3A_478 : i32
      %parallel_loop3A_480 = arith.index_cast %parallel_loop3A_479 : i32 to index
      %parallel_loop3A_481 = tpu.vector_load %arg7[%parallel_loop3A_480] {strides = array<i32>} : memref<2064xf32, #tpu.memory_space<vmem>>, vector<16xf32>,
      tpu.vector_store %arg7[%parallel_loop3A_480], %broadcast_in_dim3A_4 {strides = array<i32>} : memref<2064xf32, #tpu.memory_space<vmem>>, vector<16xf32>,
    } {sc.loop_unroll_factor = 8 : i64, sc.parallel_access}
    %dma_start3A = arith.constant 0 : i32
    %dma_start3A_9 = arith.constant 0 : i32
    %dma_start3A_10 = tpu.memref_slice %arg5[%dma_start3A, %dma_start3A_9] : memref<2x16384xf32, #tpu.memory_space<vmem>> -> memref<1x16384xf32, #tpu.memory_space<vmem>>
    %dma_start3A_11 = tpu.memref_squeeze %dma_start3A_10 : memref<1x16384xf32, #tpu.memory_space<vmem>> -> memref<16384xf32, #tpu.memory_space<vmem>>
    %dma_start3A_12 = arith.constant 0 : i32
    %dma_start3A_13 = tpu.memref_slice %arg2[%min3A_1, %dma_start3A_12] : memref<28x131072xf32, #tpu.memory_space<hbm>> -> memref<1x16384xf32, #tpu.memory_space<hbm>>
    %dma_start3A_14 = tpu.memref_squeeze %dma_start3A_13 : memref<1x16384xf32, #tpu.memory_space<hbm>> -> memref<16384xf32, #tpu.memory_space<hbm>>
    %dma_start3A_15 = arith.constant 0 : i32
    %dma_start3A_16 = tpu.memref_slice %arg5[%dma_start3A, %dma_start3A_15] : memref<2x16384xf32, #tpu.memory_space<vmem>> -> memref<1x16384xf32, #tpu.memory_space<vmem>>
    %dma_start3A_17 = tpu.memref_squeeze %dma_start3A_16 : memref<1x16384xf32, #tpu.memory_space<vmem>> -> memref<16384xf32, #tpu.memory_space<vmem>>
    %dma_start3A_18 = arith.constant 0 : i32
    %dma_start3A_19 = tpu.memref_slice %arg2[%min3A_1, %dma_start3A_18] : memref<28x131072xf32, #tpu.memory_space<hbm>> -> memref<1x16384xf32, #tpu.memory_space<hbm>>
    %dma_start3A_20 = tpu.memref_squeeze %dma_start3A_19 : memref<1x16384xf32, #tpu.memory_space<hbm>> -> memref<16384xf32, #tpu.memory_space<hbm>>
    tpu.enqueue_dma source(%dma_start3A_20 : memref<16384xf32, #tpu.memory_space<hbm>>) target(%dma_start3A_17 : memref<16384xf32, #tpu.memory_space<vmem>>) target_semaphore(%arg9 : memref<!tpu.dma_semaphore, #tpu.memory_space<semaphore_mem>>)
    %dma_start3A_21 = arith.constant 0 : i32
    %dma_start3A_22 = arith.constant 0 : i32
    %dma_start3A_23 = tpu.memref_slice %arg6[%dma_start3A_21, %dma_start3A_22] : memref<2x16384xi32, #tpu.memory_space<vmem>> -> memref<1x16384xi32, #tpu.memory_space<vmem>>
    %dma_start3A_24 = tpu.memref_squeeze %dma_start3A_23 : memref<1x16384xi32, #tpu.memory_space<vmem>> -> memref<16384xi32, #tpu.memory_space<vmem>>
    %dma_start3A_25 = arith.constant 0 : i32
    %dma_start3A_26 = tpu.memref_slice %arg3[%min3A_1, %dma_start3A_25] : memref<28x131072xi32, #tpu.memory_space<hbm>> -> memref<1x16384xi32, #tpu.memory_space<hbm>>
    %dma_start3A_27 = tpu.memref_squeeze %dma_start3A_26 : memref<1x16384xi32, #tpu.memory_space<hbm>> -> memref<16384xi32, #tpu.memory_space<hbm>>
    %dma_start3A_28 = arith.constant 0 : i32
    %dma_start3A_29 = tpu.memref_slice %arg6[%dma_start3A_21, %dma_start3A_28] : memref<2x16384xi32, #tpu.memory_space<vmem>> -> memref<1x16384xi32, #tpu.memory_space<vmem>>
    %dma_start3A_30 = tpu.memref_squeeze %dma_start3A_29 : memref<1x16384xi32, #tpu.memory_space<vmem>> -> memref<16384xi32, #tpu.memory_space<vmem>>
    %dma_start3A_31 = arith.constant 0 : i32
    %dma_start3A_32 = tpu.memref_slice %arg3[%min3A_1, %dma_start3A_31] : memref<28x131072xi32, #tpu.memory_space<hbm>> -> memref<1x16384xi32, #tpu.memory_space<hbm>>
    %dma_start3A_33 = tpu.memref_squeeze %dma_start3A_32 : memref<1x16384xi32, #tpu.memory_space<hbm>> -> memref<16384xi32, #tpu.memory_space<hbm>>
    tpu.enqueue_dma source(%dma_start3A_33 : memref<16384xi32, #tpu.memory_space<hbm>>) target(%dma_start3A_30 : memref<16384xi32, #tpu.memory_space<vmem>>) target_semaphore(%arg9 : memref<!tpu.dma_semaphore, #tpu.memory_space<semaphore_mem>>)
    %dma_start3A_34 = arith.constant 1 : i32
    %dma_start3A_35 = arith.constant 0 : i32
    %dma_start3A_36 = tpu.memref_slice %arg5[%dma_start3A_34, %dma_start3A_35] : memref<2x16384xf32, #tpu.memory_space<vmem>> -> memref<1x16384xf32, #tpu.memory_space<vmem>>
    %dma_start3A_37 = tpu.memref_squeeze %dma_start3A_36 : memref<1x16384xf32, #tpu.memory_space<vmem>> -> memref<16384xf32, #tpu.memory_space<vmem>>
    %dma_start3A_38 = arith.constant 16384 : i32
    %dma_start3A_39 = tpu.memref_slice %arg2[%min3A_1, %dma_start3A_38] : memref<28x131072xf32, #tpu.memory_space<hbm>> -> memref<1x16384xf32, #tpu.memory_space<hbm>>
    %dma_start3A_40 = tpu.memref_squeeze %dma_start3A_39 : memref<1x16384xf32, #tpu.memory_space<hbm>> -> memref<16384xf32, #tpu.memory_space<hbm>>
    %dma_start3A_41 = arith.constant 0 : i32
    %dma_start3A_42 = tpu.memref_slice %arg5[%dma_start3A_34, %dma_start3A_41] : memref<2x16384xf32, #tpu.memory_space<vmem>> -> memref<1x16384xf32, #tpu.memory_space<vmem>>
    %dma_start3A_43 = tpu.memref_squeeze %dma_start3A_42 : memref<1x16384xf32, #tpu.memory_space<vmem>> -> memref<16384xf32, #tpu.memory_space<vmem>>
    %dma_start3A_44 = arith.constant 16384 : i32
    %dma_start3A_45 = tpu.memref_slice %arg2[%min3A_1, %dma_start3A_44] : memref<28x131072xf32, #tpu.memory_space<hbm>> -> memref<1x16384xf32, #tpu.memory_space<hbm>>
    %dma_start3A_46 = tpu.memref_squeeze %dma_start3A_45 : memref<1x16384xf32, #tpu.memory_space<hbm>> -> memref<16384xf32, #tpu.memory_space<hbm>>
    tpu.enqueue_dma source(%dma_start3A_46 : memref<16384xf32, #tpu.memory_space<hbm>>) target(%dma_start3A_43 : memref<16384xf32, #tpu.memory_space<vmem>>) target_semaphore(%arg10 : memref<!tpu.dma_semaphore, #tpu.memory_space<semaphore_mem>>)
    %dma_start3A_47 = arith.constant 1 : i32
    %dma_start3A_48 = arith.constant 0 : i32
    %dma_start3A_49 = tpu.memref_slice %arg6[%dma_start3A_47, %dma_start3A_48] : memref<2x16384xi32, #tpu.memory_space<vmem>> -> memref<1x16384xi32, #tpu.memory_space<vmem>>
    %dma_start3A_50 = tpu.memref_squeeze %dma_start3A_49 : memref<1x16384xi32, #tpu.memory_space<vmem>> -> memref<16384xi32, #tpu.memory_space<vmem>>
    %dma_start3A_51 = arith.constant 16384 : i32
    %dma_start3A_52 = tpu.memref_slice %arg3[%min3A_1, %dma_start3A_51] : memref<28x131072xi32, #tpu.memory_space<hbm>> -> memref<1x16384xi32, #tpu.memory_space<hbm>>
    %dma_start3A_53 = tpu.memref_squeeze %dma_start3A_52 : memref<1x16384xi32, #tpu.memory_space<hbm>> -> memref<16384xi32, #tpu.memory_space<hbm>>
    %dma_start3A_54 = arith.constant 0 : i32
    %dma_start3A_55 = tpu.memref_slice %arg6[%dma_start3A_47, %dma_start3A_54] : memref<2x16384xi32, #tpu.memory_space<vmem>> -> memref<1x16384xi32, #tpu.memory_space<vmem>>
    %dma_start3A_56 = tpu.memref_squeeze %dma_start3A_55 : memref<1x16384xi32, #tpu.memory_space<vmem>> -> memref<16384xi32, #tpu.memory_space<vmem>>
    %dma_start3A_57 = arith.constant 16384 : i32
    %dma_start3A_58 = tpu.memref_slice %arg3[%min3A_1, %dma_start3A_57] : memref<28x131072xi32, #tpu.memory_space<hbm>> -> memref<1x16384xi32, #tpu.memory_space<hbm>>
    %dma_start3A_59 = tpu.memref_squeeze %dma_start3A_58 : memref<1x16384xi32, #tpu.memory_space<hbm>> -> memref<16384xi32, #tpu.memory_space<hbm>>
    tpu.enqueue_dma source(%dma_start3A_59 : memref<16384xi32, #tpu.memory_space<hbm>>) target(%dma_start3A_56 : memref<16384xi32, #tpu.memory_space<vmem>>) target_semaphore(%arg10 : memref<!tpu.dma_semaphore, #tpu.memory_space<semaphore_mem>>)
    %dma_wait3A = arith.constant 0 : i32
    %dma_wait3A_60 = arith.constant 0 : i32
    %dma_wait3A_61 = tpu.memref_slice %arg5[%dma_wait3A, %dma_wait3A_60] : memref<2x16384xf32, #tpu.memory_space<vmem>> -> memref<1x16384xf32, #tpu.memory_space<vmem>>
    %dma_wait3A_62 = tpu.memref_squeeze %dma_wait3A_61 : memref<1x16384xf32, #tpu.memory_space<vmem>> -> memref<16384xf32, #tpu.memory_space<vmem>>
    %dma_wait3A_63 = arith.constant 0 : i32
    %dma_wait3A_64 = tpu.memref_slice %arg2[%min3A_1, %dma_wait3A_63] : memref<28x131072xf32, #tpu.memory_space<hbm>> -> memref<1x16384xf32, #tpu.memory_space<hbm>>
    %dma_wait3A_65 = tpu.memref_squeeze %dma_wait3A_64 : memref<1x16384xf32, #tpu.memory_space<hbm>> -> memref<16384xf32, #tpu.memory_space<hbm>>
    %dma_wait3A_66 = arith.constant 0 : i32
    %dma_wait3A_67 = tpu.memref_slice %arg5[%dma_wait3A, %dma_wait3A_66] : memref<2x16384xf32, #tpu.memory_space<vmem>> -> memref<1x16384xf32, #tpu.memory_space<vmem>>
    %dma_wait3A_68 = tpu.memref_squeeze %dma_wait3A_67 : memref<1x16384xf32, #tpu.memory_space<vmem>> -> memref<16384xf32, #tpu.memory_space<vmem>>
    %dma_wait3A_69 = arith.constant 0 : i32
    %dma_wait3A_70 = tpu.memref_slice %arg2[%min3A_1, %dma_wait3A_69] : memref<28x131072xf32, #tpu.memory_space<hbm>> -> memref<1x16384xf32, #tpu.memory_space<hbm>>
    %dma_wait3A_71 = tpu.memref_squeeze %dma_wait3A_70 : memref<1x16384xf32, #tpu.memory_space<hbm>> -> memref<16384xf32, #tpu.memory_space<hbm>>
    tpu.wait_dma2 semaphore(%arg9 : memref<!tpu.dma_semaphore, #tpu.memory_space<semaphore_mem>>) src(%dma_wait3A_71 : memref<16384xf32, #tpu.memory_space<hbm>>) dst(%dma_wait3A_68 : memref<16384xf32, #tpu.memory_space<vmem>>)
    %dma_wait3A_72 = arith.constant 0 : i32
    %dma_wait3A_73 = arith.constant 0 : i32
    %dma_wait3A_74 = tpu.memref_slice %arg6[%dma_wait3A_72, %dma_wait3A_73] : memref<2x16384xi32, #tpu.memory_space<vmem>> -> memref<1x16384xi32, #tpu.memory_space<vmem>>
    %dma_wait3A_75 = tpu.memref_squeeze %dma_wait3A_74 : memref<1x16384xi32, #tpu.memory_space<vmem>> -> memref<16384xi32, #tpu.memory_space<vmem>>
    %dma_wait3A_76 = arith.constant 0 : i32
    %dma_wait3A_77 = tpu.memref_slice %arg3[%min3A_1, %dma_wait3A_76] : memref<28x131072xi32, #tpu.memory_space<hbm>> -> memref<1x16384xi32, #tpu.memory_space<hbm>>
    %dma_wait3A_78 = tpu.memref_squeeze %dma_wait3A_77 : memref<1x16384xi32, #tpu.memory_space<hbm>> -> memref<16384xi32, #tpu.memory_space<hbm>>
    %dma_wait3A_79 = arith.constant 0 : i32
    %dma_wait3A_80 = tpu.memref_slice %arg6[%dma_wait3A_72, %dma_wait3A_79] : memref<2x16384xi32, #tpu.memory_space<vmem>> -> memref<1x16384xi32, #tpu.memory_space<vmem>>
    %dma_wait3A_81 = tpu.memref_squeeze %dma_wait3A_80 : memref<1x16384xi32, #tpu.memory_space<vmem>> -> memref<16384xi32, #tpu.memory_space<vmem>>
    %dma_wait3A_82 = arith.constant 0 : i32
    %dma_wait3A_83 = tpu.memref_slice %arg3[%min3A_1, %dma_wait3A_82] : memref<28x131072xi32, #tpu.memory_space<hbm>> -> memref<1x16384xi32, #tpu.memory_space<hbm>>
    %dma_wait3A_84 = tpu.memref_squeeze %dma_wait3A_83 : memref<1x16384xi32, #tpu.memory_space<hbm>> -> memref<16384xi32, #tpu.memory_space<hbm>>
    tpu.wait_dma2 semaphore(%arg9 : memref<!tpu.dma_semaphore, #tpu.memory_space<semaphore_mem>>) src(%dma_wait3A_84 : memref<16384xi32, #tpu.memory_space<hbm>>) dst(%dma_wait3A_81 : memref<16384xi32, #tpu.memory_space<vmem>>)
    %parallel_loop3A_85 = arith.constant 0 : i32
    %parallel_loop3A_86 = arith.constant 1024 : i32
    %parallel_loop3A_87 = arith.constant 1 : i32
    scf.for %parallel_loop3A_477 = %parallel_loop3A_85 to %parallel_loop3A_86 step %parallel_loop3A_87  : i32 {
      %parallel_loop3A_478 = arith.constant 16 : i32
      %parallel_loop3A_479 = arith.muli %parallel_loop3A_477, %parallel_loop3A_478 : i32
      %parallel_loop3A_480 = arith.constant 0 : i32
      %parallel_loop3A_481 = arith.index_cast %parallel_loop3A_480 : i32 to index
      %parallel_loop3A_482 = arith.index_cast %parallel_loop3A_479 : i32 to index
      %parallel_loop3A_483 = tpu.vector_load %arg5[%parallel_loop3A_481, %parallel_loop3A_482] {strides = array<i32>} : memref<2x16384xf32, #tpu.memory_space<vmem>>, vector<16xf32>,
      %parallel_loop3A_484 = arith.constant 16 : i32
      %parallel_loop3A_485 = arith.muli %parallel_loop3A_477, %parallel_loop3A_484 : i32
      %parallel_loop3A_486 = arith.constant 0 : i32
      %parallel_loop3A_487 = arith.index_cast %parallel_loop3A_486 : i32 to index
      %parallel_loop3A_488 = arith.index_cast %parallel_loop3A_485 : i32 to index
      %parallel_loop3A_489 = tpu.vector_load %arg6[%parallel_loop3A_487, %parallel_loop3A_488] {strides = array<i32>} : memref<2x16384xi32, #tpu.memory_space<vmem>>, vector<16xi32>,
      %parallel_loop3A_490 = arith.sitofp %parallel_loop3A_489 : vector<16xi32> to vector<16xf32>
      %parallel_loop3A_491 = arith.mulf %parallel_loop3A_483, %parallel_loop3A_490 : vector<16xf32>
      %parallel_loop3A_492 = arith.constant 1.000000e+00 : f32
      %parallel_loop3A_493 = vector.broadcast %parallel_loop3A_492 : f32 to vector<16xf32>
      %parallel_loop3A_494 = arith.addf %parallel_loop3A_493, %parallel_loop3A_483 : vector<16xf32>
      %parallel_loop3A_495 = arith.constant 2.000000e+00 : f32
      %parallel_loop3A_496 = vector.broadcast %parallel_loop3A_495 : f32 to vector<16xf32>
      %parallel_loop3A_497 = arith.mulf %parallel_loop3A_496, %parallel_loop3A_491 : vector<16xf32>
      %parallel_loop3A_498 = arith.subf %parallel_loop3A_494, %parallel_loop3A_497 : vector<16xf32>
      %parallel_loop3A_499 = arith.constant 1.280000e+02 : f32
      %parallel_loop3A_500 = vector.broadcast %parallel_loop3A_499 : f32 to vector<16xf32>
      %parallel_loop3A_501 = arith.mulf %parallel_loop3A_498, %parallel_loop3A_500 : vector<16xf32>
      %parallel_loop3A_502 = arith.constant 1.000000e+00 : f32
      %parallel_loop3A_503 = vector.broadcast %parallel_loop3A_502 : f32 to vector<16xf32>
      %parallel_loop3A_504 = arith.addf %parallel_loop3A_501, %parallel_loop3A_503 : vector<16xf32>
      %parallel_loop3A_505 = arith.constant 1.024000e+03 : f32
      %parallel_loop3A_506 = vector.broadcast %parallel_loop3A_505 : f32 to vector<16xf32>
      %parallel_loop3A_507 = arith.minimumf %parallel_loop3A_504, %parallel_loop3A_506 : vector<16xf32>
      %parallel_loop3A_508 = arith.constant 0.000000e+00 : f32
      %parallel_loop3A_509 = vector.broadcast %parallel_loop3A_508 : f32 to vector<16xf32>
      %parallel_loop3A_510 = arith.maximumf %parallel_loop3A_507, %parallel_loop3A_509 : vector<16xf32>
      %parallel_loop3A_511 = arith.fptosi %parallel_loop3A_510 : vector<16xf32> to vector<16xi32>
      %parallel_loop3A_512 = arith.addi %parallel_loop3A_511, %parallel_loop3A_511 : vector<16xi32>
      %parallel_loop3A_513 = arith.constant 2048 : i32
      %parallel_loop3A_514 = vector.broadcast %parallel_loop3A_513 : i32 to vector<16xi32>
      %parallel_loop3A_515 = arith.subi %parallel_loop3A_514, %parallel_loop3A_512 : vector<16xi32>
      %parallel_loop3A_516 = arith.addi %parallel_loop3A_515, %parallel_loop3A_489 : vector<16xi32>
      tpu.vector_store_idx %arg7[%parallel_loop3A_516], %broadcast_in_dim3A_6 {add = true} : memref<2064xf32, #tpu.memory_space<vmem>>[vector<16xi32>], vector<16xf32>,
    } {sc.loop_unroll_factor = 8 : i64, sc.parallel_access}
    %dma_start3A_88 = arith.constant 0 : i32
    %dma_start3A_89 = arith.constant 0 : i32
    %dma_start3A_90 = tpu.memref_slice %arg5[%dma_start3A_88, %dma_start3A_89] : memref<2x16384xf32, #tpu.memory_space<vmem>> -> memref<1x16384xf32, #tpu.memory_space<vmem>>
    %dma_start3A_91 = tpu.memref_squeeze %dma_start3A_90 : memref<1x16384xf32, #tpu.memory_space<vmem>> -> memref<16384xf32, #tpu.memory_space<vmem>>
    %dma_start3A_92 = arith.constant 32768 : i32
    %dma_start3A_93 = tpu.memref_slice %arg2[%min3A_1, %dma_start3A_92] : memref<28x131072xf32, #tpu.memory_space<hbm>> -> memref<1x16384xf32, #tpu.memory_space<hbm>>
    %dma_start3A_94 = tpu.memref_squeeze %dma_start3A_93 : memref<1x16384xf32, #tpu.memory_space<hbm>> -> memref<16384xf32, #tpu.memory_space<hbm>>
    %dma_start3A_95 = arith.constant 0 : i32
    %dma_start3A_96 = tpu.memref_slice %arg5[%dma_start3A_88, %dma_start3A_95] : memref<2x16384xf32, #tpu.memory_space<vmem>> -> memref<1x16384xf32, #tpu.memory_space<vmem>>
    %dma_start3A_97 = tpu.memref_squeeze %dma_start3A_96 : memref<1x16384xf32, #tpu.memory_space<vmem>> -> memref<16384xf32, #tpu.memory_space<vmem>>
    %dma_start3A_98 = arith.constant 32768 : i32
    %dma_start3A_99 = tpu.memref_slice %arg2[%min3A_1, %dma_start3A_98] : memref<28x131072xf32, #tpu.memory_space<hbm>> -> memref<1x16384xf32, #tpu.memory_space<hbm>>
    %dma_start3A_100 = tpu.memref_squeeze %dma_start3A_99 : memref<1x16384xf32, #tpu.memory_space<hbm>> -> memref<16384xf32, #tpu.memory_space<hbm>>
    tpu.enqueue_dma source(%dma_start3A_100 : memref<16384xf32, #tpu.memory_space<hbm>>) target(%dma_start3A_97 : memref<16384xf32, #tpu.memory_space<vmem>>) target_semaphore(%arg9 : memref<!tpu.dma_semaphore, #tpu.memory_space<semaphore_mem>>)
    %dma_start3A_101 = arith.constant 0 : i32
    %dma_start3A_102 = arith.constant 0 : i32
    %dma_start3A_103 = tpu.memref_slice %arg6[%dma_start3A_101, %dma_start3A_102] : memref<2x16384xi32, #tpu.memory_space<vmem>> -> memref<1x16384xi32, #tpu.memory_space<vmem>>
    %dma_start3A_104 = tpu.memref_squeeze %dma_start3A_103 : memref<1x16384xi32, #tpu.memory_space<vmem>> -> memref<16384xi32, #tpu.memory_space<vmem>>
    %dma_start3A_105 = arith.constant 32768 : i32
    %dma_start3A_106 = tpu.memref_slice %arg3[%min3A_1, %dma_start3A_105] : memref<28x131072xi32, #tpu.memory_space<hbm>> -> memref<1x16384xi32, #tpu.memory_space<hbm>>
    %dma_start3A_107 = tpu.memref_squeeze %dma_start3A_106 : memref<1x16384xi32, #tpu.memory_space<hbm>> -> memref<16384xi32, #tpu.memory_space<hbm>>
    %dma_start3A_108 = arith.constant 0 : i32
    %dma_start3A_109 = tpu.memref_slice %arg6[%dma_start3A_101, %dma_start3A_108] : memref<2x16384xi32, #tpu.memory_space<vmem>> -> memref<1x16384xi32, #tpu.memory_space<vmem>>
    %dma_start3A_110 = tpu.memref_squeeze %dma_start3A_109 : memref<1x16384xi32, #tpu.memory_space<vmem>> -> memref<16384xi32, #tpu.memory_space<vmem>>
    %dma_start3A_111 = arith.constant 32768 : i32
    %dma_start3A_112 = tpu.memref_slice %arg3[%min3A_1, %dma_start3A_111] : memref<28x131072xi32, #tpu.memory_space<hbm>> -> memref<1x16384xi32, #tpu.memory_space<hbm>>
    %dma_start3A_113 = tpu.memref_squeeze %dma_start3A_112 : memref<1x16384xi32, #tpu.memory_space<hbm>> -> memref<16384xi32, #tpu.memory_space<hbm>>
    tpu.enqueue_dma source(%dma_start3A_113 : memref<16384xi32, #tpu.memory_space<hbm>>) target(%dma_start3A_110 : memref<16384xi32, #tpu.memory_space<vmem>>) target_semaphore(%arg9 : memref<!tpu.dma_semaphore, #tpu.memory_space<semaphore_mem>>)
    %dma_wait3A_114 = arith.constant 1 : i32
    %dma_wait3A_115 = arith.constant 0 : i32
    %dma_wait3A_116 = tpu.memref_slice %arg5[%dma_wait3A_114, %dma_wait3A_115] : memref<2x16384xf32, #tpu.memory_space<vmem>> -> memref<1x16384xf32, #tpu.memory_space<vmem>>
    %dma_wait3A_117 = tpu.memref_squeeze %dma_wait3A_116 : memref<1x16384xf32, #tpu.memory_space<vmem>> -> memref<16384xf32, #tpu.memory_space<vmem>>
    %dma_wait3A_118 = arith.constant 16384 : i32
    %dma_wait3A_119 = tpu.memref_slice %arg2[%min3A_1, %dma_wait3A_118] : memref<28x131072xf32, #tpu.memory_space<hbm>> -> memref<1x16384xf32, #tpu.memory_space<hbm>>
    %dma_wait3A_120 = tpu.memref_squeeze %dma_wait3A_119 : memref<1x16384xf32, #tpu.memory_space<hbm>> -> memref<16384xf32, #tpu.memory_space<hbm>>
    %dma_wait3A_121 = arith.constant 0 : i32
    %dma_wait3A_122 = tpu.memref_slice %arg5[%dma_wait3A_114, %dma_wait3A_121] : memref<2x16384xf32, #tpu.memory_space<vmem>> -> memref<1x16384xf32, #tpu.memory_space<vmem>>
    %dma_wait3A_123 = tpu.memref_squeeze %dma_wait3A_122 : memref<1x16384xf32, #tpu.memory_space<vmem>> -> memref<16384xf32, #tpu.memory_space<vmem>>
    %dma_wait3A_124 = arith.constant 16384 : i32
    %dma_wait3A_125 = tpu.memref_slice %arg2[%min3A_1, %dma_wait3A_124] : memref<28x131072xf32, #tpu.memory_space<hbm>> -> memref<1x16384xf32, #tpu.memory_space<hbm>>
    %dma_wait3A_126 = tpu.memref_squeeze %dma_wait3A_125 : memref<1x16384xf32, #tpu.memory_space<hbm>> -> memref<16384xf32, #tpu.memory_space<hbm>>
    tpu.wait_dma2 semaphore(%arg10 : memref<!tpu.dma_semaphore, #tpu.memory_space<semaphore_mem>>) src(%dma_wait3A_126 : memref<16384xf32, #tpu.memory_space<hbm>>) dst(%dma_wait3A_123 : memref<16384xf32, #tpu.memory_space<vmem>>)
    %dma_wait3A_127 = arith.constant 1 : i32
    %dma_wait3A_128 = arith.constant 0 : i32
    %dma_wait3A_129 = tpu.memref_slice %arg6[%dma_wait3A_127, %dma_wait3A_128] : memref<2x16384xi32, #tpu.memory_space<vmem>> -> memref<1x16384xi32, #tpu.memory_space<vmem>>
    %dma_wait3A_130 = tpu.memref_squeeze %dma_wait3A_129 : memref<1x16384xi32, #tpu.memory_space<vmem>> -> memref<16384xi32, #tpu.memory_space<vmem>>
    %dma_wait3A_131 = arith.constant 16384 : i32
    %dma_wait3A_132 = tpu.memref_slice %arg3[%min3A_1, %dma_wait3A_131] : memref<28x131072xi32, #tpu.memory_space<hbm>> -> memref<1x16384xi32, #tpu.memory_space<hbm>>
    %dma_wait3A_133 = tpu.memref_squeeze %dma_wait3A_132 : memref<1x16384xi32, #tpu.memory_space<hbm>> -> memref<16384xi32, #tpu.memory_space<hbm>>
    %dma_wait3A_134 = arith.constant 0 : i32
    %dma_wait3A_135 = tpu.memref_slice %arg6[%dma_wait3A_127, %dma_wait3A_134] : memref<2x16384xi32, #tpu.memory_space<vmem>> -> memref<1x16384xi32, #tpu.memory_space<vmem>>
    %dma_wait3A_136 = tpu.memref_squeeze %dma_wait3A_135 : memref<1x16384xi32, #tpu.memory_space<vmem>> -> memref<16384xi32, #tpu.memory_space<vmem>>
    %dma_wait3A_137 = arith.constant 16384 : i32
    %dma_wait3A_138 = tpu.memref_slice %arg3[%min3A_1, %dma_wait3A_137] : memref<28x131072xi32, #tpu.memory_space<hbm>> -> memref<1x16384xi32, #tpu.memory_space<hbm>>
    %dma_wait3A_139 = tpu.memref_squeeze %dma_wait3A_138 : memref<1x16384xi32, #tpu.memory_space<hbm>> -> memref<16384xi32, #tpu.memory_space<hbm>>
    tpu.wait_dma2 semaphore(%arg10 : memref<!tpu.dma_semaphore, #tpu.memory_space<semaphore_mem>>) src(%dma_wait3A_139 : memref<16384xi32, #tpu.memory_space<hbm>>) dst(%dma_wait3A_136 : memref<16384xi32, #tpu.memory_space<vmem>>)
    %parallel_loop3A_140 = arith.constant 0 : i32
    %parallel_loop3A_141 = arith.constant 1024 : i32
    %parallel_loop3A_142 = arith.constant 1 : i32
    scf.for %parallel_loop3A_477 = %parallel_loop3A_140 to %parallel_loop3A_141 step %parallel_loop3A_142  : i32 {
      %parallel_loop3A_478 = arith.constant 16 : i32
      %parallel_loop3A_479 = arith.muli %parallel_loop3A_477, %parallel_loop3A_478 : i32
      %parallel_loop3A_480 = arith.constant 1 : i32
      %parallel_loop3A_481 = arith.index_cast %parallel_loop3A_480 : i32 to index
      %parallel_loop3A_482 = arith.index_cast %parallel_loop3A_479 : i32 to index
      %parallel_loop3A_483 = tpu.vector_load %arg5[%parallel_loop3A_481, %parallel_loop3A_482] {strides = array<i32>} : memref<2x16384xf32, #tpu.memory_space<vmem>>, vector<16xf32>,
      %parallel_loop3A_484 = arith.constant 16 : i32
      %parallel_loop3A_485 = arith.muli %parallel_loop3A_477, %parallel_loop3A_484 : i32
      %parallel_loop3A_486 = arith.constant 1 : i32
      %parallel_loop3A_487 = arith.index_cast %parallel_loop3A_486 : i32 to index
      %parallel_loop3A_488 = arith.index_cast %parallel_loop3A_485 : i32 to index
      %parallel_loop3A_489 = tpu.vector_load %arg6[%parallel_loop3A_487, %parallel_loop3A_488] {strides = array<i32>} : memref<2x16384xi32, #tpu.memory_space<vmem>>, vector<16xi32>,
      %parallel_loop3A_490 = arith.sitofp %parallel_loop3A_489 : vector<16xi32> to vector<16xf32>
      %parallel_loop3A_491 = arith.mulf %parallel_loop3A_483, %parallel_loop3A_490 : vector<16xf32>
      %parallel_loop3A_492 = arith.constant 1.000000e+00 : f32
      %parallel_loop3A_493 = vector.broadcast %parallel_loop3A_492 : f32 to vector<16xf32>
      %parallel_loop3A_494 = arith.addf %parallel_loop3A_493, %parallel_loop3A_483 : vector<16xf32>
      %parallel_loop3A_495 = arith.constant 2.000000e+00 : f32
      %parallel_loop3A_496 = vector.broadcast %parallel_loop3A_495 : f32 to vector<16xf32>
      %parallel_loop3A_497 = arith.mulf %parallel_loop3A_496, %parallel_loop3A_491 : vector<16xf32>
      %parallel_loop3A_498 = arith.subf %parallel_loop3A_494, %parallel_loop3A_497 : vector<16xf32>
      %parallel_loop3A_499 = arith.constant 1.280000e+02 : f32
      %parallel_loop3A_500 = vector.broadcast %parallel_loop3A_499 : f32 to vector<16xf32>
      %parallel_loop3A_501 = arith.mulf %parallel_loop3A_498, %parallel_loop3A_500 : vector<16xf32>
      %parallel_loop3A_502 = arith.constant 1.000000e+00 : f32
      %parallel_loop3A_503 = vector.broadcast %parallel_loop3A_502 : f32 to vector<16xf32>
      %parallel_loop3A_504 = arith.addf %parallel_loop3A_501, %parallel_loop3A_503 : vector<16xf32>
      %parallel_loop3A_505 = arith.constant 1.024000e+03 : f32
      %parallel_loop3A_506 = vector.broadcast %parallel_loop3A_505 : f32 to vector<16xf32>
      %parallel_loop3A_507 = arith.minimumf %parallel_loop3A_504, %parallel_loop3A_506 : vector<16xf32>
      %parallel_loop3A_508 = arith.constant 0.000000e+00 : f32
      %parallel_loop3A_509 = vector.broadcast %parallel_loop3A_508 : f32 to vector<16xf32>
      %parallel_loop3A_510 = arith.maximumf %parallel_loop3A_507, %parallel_loop3A_509 : vector<16xf32>
      %parallel_loop3A_511 = arith.fptosi %parallel_loop3A_510 : vector<16xf32> to vector<16xi32>
      %parallel_loop3A_512 = arith.addi %parallel_loop3A_511, %parallel_loop3A_511 : vector<16xi32>
      %parallel_loop3A_513 = arith.constant 2048 : i32
      %parallel_loop3A_514 = vector.broadcast %parallel_loop3A_513 : i32 to vector<16xi32>
      %parallel_loop3A_515 = arith.subi %parallel_loop3A_514, %parallel_loop3A_512 : vector<16xi32>
      %parallel_loop3A_516 = arith.addi %parallel_loop3A_515, %parallel_loop3A_489 : vector<16xi32>
      tpu.vector_store_idx %arg7[%parallel_loop3A_516], %broadcast_in_dim3A_6 {add = true} : memref<2064xf32, #tpu.memory_space<vmem>>[vector<16xi32>], vector<16xf32>,
    } {sc.loop_unroll_factor = 8 : i64, sc.parallel_access}
    %dma_start3A_143 = arith.constant 1 : i32
    %dma_start3A_144 = arith.constant 0 : i32
    %dma_start3A_145 = tpu.memref_slice %arg5[%dma_start3A_143, %dma_start3A_144] : memref<2x16384xf32, #tpu.memory_space<vmem>> -> memref<1x16384xf32, #tpu.memory_space<vmem>>
    %dma_start3A_146 = tpu.memref_squeeze %dma_start3A_145 : memref<1x16384xf32, #tpu.memory_space<vmem>> -> memref<16384xf32, #tpu.memory_space<vmem>>
    %dma_start3A_147 = arith.constant 49152 : i32
    %dma_start3A_148 = tpu.memref_slice %arg2[%min3A_1, %dma_start3A_147] : memref<28x131072xf32, #tpu.memory_space<hbm>> -> memref<1x16384xf32, #tpu.memory_space<hbm>>
    %dma_start3A_149 = tpu.memref_squeeze %dma_start3A_148 : memref<1x16384xf32, #tpu.memory_space<hbm>> -> memref<16384xf32, #tpu.memory_space<hbm>>
    %dma_start3A_150 = arith.constant 0 : i32
    %dma_start3A_151 = tpu.memref_slice %arg5[%dma_start3A_143, %dma_start3A_150] : memref<2x16384xf32, #tpu.memory_space<vmem>> -> memref<1x16384xf32, #tpu.memory_space<vmem>>
    %dma_start3A_152 = tpu.memref_squeeze %dma_start3A_151 : memref<1x16384xf32, #tpu.memory_space<vmem>> -> memref<16384xf32, #tpu.memory_space<vmem>>
    %dma_start3A_153 = arith.constant 49152 : i32
    %dma_start3A_154 = tpu.memref_slice %arg2[%min3A_1, %dma_start3A_153] : memref<28x131072xf32, #tpu.memory_space<hbm>> -> memref<1x16384xf32, #tpu.memory_space<hbm>>
    %dma_start3A_155 = tpu.memref_squeeze %dma_start3A_154 : memref<1x16384xf32, #tpu.memory_space<hbm>> -> memref<16384xf32, #tpu.memory_space<hbm>>
    tpu.enqueue_dma source(%dma_start3A_155 : memref<16384xf32, #tpu.memory_space<hbm>>) target(%dma_start3A_152 : memref<16384xf32, #tpu.memory_space<vmem>>) target_semaphore(%arg10 : memref<!tpu.dma_semaphore, #tpu.memory_space<semaphore_mem>>)
    %dma_start3A_156 = arith.constant 1 : i32
    %dma_start3A_157 = arith.constant 0 : i32
    %dma_start3A_158 = tpu.memref_slice %arg6[%dma_start3A_156, %dma_start3A_157] : memref<2x16384xi32, #tpu.memory_space<vmem>> -> memref<1x16384xi32, #tpu.memory_space<vmem>>
    %dma_start3A_159 = tpu.memref_squeeze %dma_start3A_158 : memref<1x16384xi32, #tpu.memory_space<vmem>> -> memref<16384xi32, #tpu.memory_space<vmem>>
    %dma_start3A_160 = arith.constant 49152 : i32
    %dma_start3A_161 = tpu.memref_slice %arg3[%min3A_1, %dma_start3A_160] : memref<28x131072xi32, #tpu.memory_space<hbm>> -> memref<1x16384xi32, #tpu.memory_space<hbm>>
    %dma_start3A_162 = tpu.memref_squeeze %dma_start3A_161 : memref<1x16384xi32, #tpu.memory_space<hbm>> -> memref<16384xi32, #tpu.memory_space<hbm>>
    %dma_start3A_163 = arith.constant 0 : i32
    %dma_start3A_164 = tpu.memref_slice %arg6[%dma_start3A_156, %dma_start3A_163] : memref<2x16384xi32, #tpu.memory_space<vmem>> -> memref<1x16384xi32, #tpu.memory_space<vmem>>
    %dma_start3A_165 = tpu.memref_squeeze %dma_start3A_164 : memref<1x16384xi32, #tpu.memory_space<vmem>> -> memref<16384xi32, #tpu.memory_space<vmem>>
    %dma_start3A_166 = arith.constant 49152 : i32
    %dma_start3A_167 = tpu.memref_slice %arg3[%min3A_1, %dma_start3A_166] : memref<28x131072xi32, #tpu.memory_space<hbm>> -> memref<1x16384xi32, #tpu.memory_space<hbm>>
    %dma_start3A_168 = tpu.memref_squeeze %dma_start3A_167 : memref<1x16384xi32, #tpu.memory_space<hbm>> -> memref<16384xi32, #tpu.memory_space<hbm>>
    tpu.enqueue_dma source(%dma_start3A_168 : memref<16384xi32, #tpu.memory_space<hbm>>) target(%dma_start3A_165 : memref<16384xi32, #tpu.memory_space<vmem>>) target_semaphore(%arg10 : memref<!tpu.dma_semaphore, #tpu.memory_space<semaphore_mem>>)
    %dma_wait3A_169 = arith.constant 0 : i32
    %dma_wait3A_170 = arith.constant 0 : i32
    %dma_wait3A_171 = tpu.memref_slice %arg5[%dma_wait3A_169, %dma_wait3A_170] : memref<2x16384xf32, #tpu.memory_space<vmem>> -> memref<1x16384xf32, #tpu.memory_space<vmem>>
    %dma_wait3A_172 = tpu.memref_squeeze %dma_wait3A_171 : memref<1x16384xf32, #tpu.memory_space<vmem>> -> memref<16384xf32, #tpu.memory_space<vmem>>
    %dma_wait3A_173 = arith.constant 32768 : i32
    %dma_wait3A_174 = tpu.memref_slice %arg2[%min3A_1, %dma_wait3A_173] : memref<28x131072xf32, #tpu.memory_space<hbm>> -> memref<1x16384xf32, #tpu.memory_space<hbm>>
    %dma_wait3A_175 = tpu.memref_squeeze %dma_wait3A_174 : memref<1x16384xf32, #tpu.memory_space<hbm>> -> memref<16384xf32, #tpu.memory_space<hbm>>
    %dma_wait3A_176 = arith.constant 0 : i32
    %dma_wait3A_177 = tpu.memref_slice %arg5[%dma_wait3A_169, %dma_wait3A_176] : memref<2x16384xf32, #tpu.memory_space<vmem>> -> memref<1x16384xf32, #tpu.memory_space<vmem>>
    %dma_wait3A_178 = tpu.memref_squeeze %dma_wait3A_177 : memref<1x16384xf32, #tpu.memory_space<vmem>> -> memref<16384xf32, #tpu.memory_space<vmem>>
    %dma_wait3A_179 = arith.constant 32768 : i32
    %dma_wait3A_180 = tpu.memref_slice %arg2[%min3A_1, %dma_wait3A_179] : memref<28x131072xf32, #tpu.memory_space<hbm>> -> memref<1x16384xf32, #tpu.memory_space<hbm>>
    %dma_wait3A_181 = tpu.memref_squeeze %dma_wait3A_180 : memref<1x16384xf32, #tpu.memory_space<hbm>> -> memref<16384xf32, #tpu.memory_space<hbm>>
    tpu.wait_dma2 semaphore(%arg9 : memref<!tpu.dma_semaphore, #tpu.memory_space<semaphore_mem>>) src(%dma_wait3A_181 : memref<16384xf32, #tpu.memory_space<hbm>>) dst(%dma_wait3A_178 : memref<16384xf32, #tpu.memory_space<vmem>>)
    %dma_wait3A_182 = arith.constant 0 : i32
    %dma_wait3A_183 = arith.constant 0 : i32
    %dma_wait3A_184 = tpu.memref_slice %arg6[%dma_wait3A_182, %dma_wait3A_183] : memref<2x16384xi32, #tpu.memory_space<vmem>> -> memref<1x16384xi32, #tpu.memory_space<vmem>>
    %dma_wait3A_185 = tpu.memref_squeeze %dma_wait3A_184 : memref<1x16384xi32, #tpu.memory_space<vmem>> -> memref<16384xi32, #tpu.memory_space<vmem>>
    %dma_wait3A_186 = arith.constant 32768 : i32
    %dma_wait3A_187 = tpu.memref_slice %arg3[%min3A_1, %dma_wait3A_186] : memref<28x131072xi32, #tpu.memory_space<hbm>> -> memref<1x16384xi32, #tpu.memory_space<hbm>>
    %dma_wait3A_188 = tpu.memref_squeeze %dma_wait3A_187 : memref<1x16384xi32, #tpu.memory_space<hbm>> -> memref<16384xi32, #tpu.memory_space<hbm>>
    %dma_wait3A_189 = arith.constant 0 : i32
    %dma_wait3A_190 = tpu.memref_slice %arg6[%dma_wait3A_182, %dma_wait3A_189] : memref<2x16384xi32, #tpu.memory_space<vmem>> -> memref<1x16384xi32, #tpu.memory_space<vmem>>
    %dma_wait3A_191 = tpu.memref_squeeze %dma_wait3A_190 : memref<1x16384xi32, #tpu.memory_space<vmem>> -> memref<16384xi32, #tpu.memory_space<vmem>>
    %dma_wait3A_192 = arith.constant 32768 : i32
    %dma_wait3A_193 = tpu.memref_slice %arg3[%min3A_1, %dma_wait3A_192] : memref<28x131072xi32, #tpu.memory_space<hbm>> -> memref<1x16384xi32, #tpu.memory_space<hbm>>
    %dma_wait3A_194 = tpu.memref_squeeze %dma_wait3A_193 : memref<1x16384xi32, #tpu.memory_space<hbm>> -> memref<16384xi32, #tpu.memory_space<hbm>>
    tpu.wait_dma2 semaphore(%arg9 : memref<!tpu.dma_semaphore, #tpu.memory_space<semaphore_mem>>) src(%dma_wait3A_194 : memref<16384xi32, #tpu.memory_space<hbm>>) dst(%dma_wait3A_191 : memref<16384xi32, #tpu.memory_space<vmem>>)
    %parallel_loop3A_195 = arith.constant 0 : i32
    %parallel_loop3A_196 = arith.constant 1024 : i32
    %parallel_loop3A_197 = arith.constant 1 : i32
    scf.for %parallel_loop3A_477 = %parallel_loop3A_195 to %parallel_loop3A_196 step %parallel_loop3A_197  : i32 {
      %parallel_loop3A_478 = arith.constant 16 : i32
      %parallel_loop3A_479 = arith.muli %parallel_loop3A_477, %parallel_loop3A_478 : i32
      %parallel_loop3A_480 = arith.constant 0 : i32
      %parallel_loop3A_481 = arith.index_cast %parallel_loop3A_480 : i32 to index
      %parallel_loop3A_482 = arith.index_cast %parallel_loop3A_479 : i32 to index
      %parallel_loop3A_483 = tpu.vector_load %arg5[%parallel_loop3A_481, %parallel_loop3A_482] {strides = array<i32>} : memref<2x16384xf32, #tpu.memory_space<vmem>>, vector<16xf32>,
      %parallel_loop3A_484 = arith.constant 16 : i32
      %parallel_loop3A_485 = arith.muli %parallel_loop3A_477, %parallel_loop3A_484 : i32
      %parallel_loop3A_486 = arith.constant 0 : i32
      %parallel_loop3A_487 = arith.index_cast %parallel_loop3A_486 : i32 to index
      %parallel_loop3A_488 = arith.index_cast %parallel_loop3A_485 : i32 to index
      %parallel_loop3A_489 = tpu.vector_load %arg6[%parallel_loop3A_487, %parallel_loop3A_488] {strides = array<i32>} : memref<2x16384xi32, #tpu.memory_space<vmem>>, vector<16xi32>,
      %parallel_loop3A_490 = arith.sitofp %parallel_loop3A_489 : vector<16xi32> to vector<16xf32>
      %parallel_loop3A_491 = arith.mulf %parallel_loop3A_483, %parallel_loop3A_490 : vector<16xf32>
      %parallel_loop3A_492 = arith.constant 1.000000e+00 : f32
      %parallel_loop3A_493 = vector.broadcast %parallel_loop3A_492 : f32 to vector<16xf32>
      %parallel_loop3A_494 = arith.addf %parallel_loop3A_493, %parallel_loop3A_483 : vector<16xf32>
      %parallel_loop3A_495 = arith.constant 2.000000e+00 : f32
      %parallel_loop3A_496 = vector.broadcast %parallel_loop3A_495 : f32 to vector<16xf32>
      %parallel_loop3A_497 = arith.mulf %parallel_loop3A_496, %parallel_loop3A_491 : vector<16xf32>
      %parallel_loop3A_498 = arith.subf %parallel_loop3A_494, %parallel_loop3A_497 : vector<16xf32>
      %parallel_loop3A_499 = arith.constant 1.280000e+02 : f32
      %parallel_loop3A_500 = vector.broadcast %parallel_loop3A_499 : f32 to vector<16xf32>
      %parallel_loop3A_501 = arith.mulf %parallel_loop3A_498, %parallel_loop3A_500 : vector<16xf32>
      %parallel_loop3A_502 = arith.constant 1.000000e+00 : f32
      %parallel_loop3A_503 = vector.broadcast %parallel_loop3A_502 : f32 to vector<16xf32>
      %parallel_loop3A_504 = arith.addf %parallel_loop3A_501, %parallel_loop3A_503 : vector<16xf32>
      %parallel_loop3A_505 = arith.constant 1.024000e+03 : f32
      %parallel_loop3A_506 = vector.broadcast %parallel_loop3A_505 : f32 to vector<16xf32>
      %parallel_loop3A_507 = arith.minimumf %parallel_loop3A_504, %parallel_loop3A_506 : vector<16xf32>
      %parallel_loop3A_508 = arith.constant 0.000000e+00 : f32
      %parallel_loop3A_509 = vector.broadcast %parallel_loop3A_508 : f32 to vector<16xf32>
      %parallel_loop3A_510 = arith.maximumf %parallel_loop3A_507, %parallel_loop3A_509 : vector<16xf32>
      %parallel_loop3A_511 = arith.fptosi %parallel_loop3A_510 : vector<16xf32> to vector<16xi32>
      %parallel_loop3A_512 = arith.addi %parallel_loop3A_511, %parallel_loop3A_511 : vector<16xi32>
      %parallel_loop3A_513 = arith.constant 2048 : i32
      %parallel_loop3A_514 = vector.broadcast %parallel_loop3A_513 : i32 to vector<16xi32>
      %parallel_loop3A_515 = arith.subi %parallel_loop3A_514, %parallel_loop3A_512 : vector<16xi32>
      %parallel_loop3A_516 = arith.addi %parallel_loop3A_515, %parallel_loop3A_489 : vector<16xi32>
      tpu.vector_store_idx %arg7[%parallel_loop3A_516], %broadcast_in_dim3A_6 {add = true} : memref<2064xf32, #tpu.memory_space<vmem>>[vector<16xi32>], vector<16xf32>,
    } {sc.loop_unroll_factor = 8 : i64, sc.parallel_access}
    %dma_start3A_198 = arith.constant 0 : i32
    %dma_start3A_199 = arith.constant 0 : i32
    %dma_start3A_200 = tpu.memref_slice %arg5[%dma_start3A_198, %dma_start3A_199] : memref<2x16384xf32, #tpu.memory_space<vmem>> -> memref<1x16384xf32, #tpu.memory_space<vmem>>
    %dma_start3A_201 = tpu.memref_squeeze %dma_start3A_200 : memref<1x16384xf32, #tpu.memory_space<vmem>> -> memref<16384xf32, #tpu.memory_space<vmem>>
    %dma_start3A_202 = arith.constant 65536 : i32
    %dma_start3A_203 = tpu.memref_slice %arg2[%min3A_1, %dma_start3A_202] : memref<28x131072xf32, #tpu.memory_space<hbm>> -> memref<1x16384xf32, #tpu.memory_space<hbm>>
    %dma_start3A_204 = tpu.memref_squeeze %dma_start3A_203 : memref<1x16384xf32, #tpu.memory_space<hbm>> -> memref<16384xf32, #tpu.memory_space<hbm>>
    %dma_start3A_205 = arith.constant 0 : i32
    %dma_start3A_206 = tpu.memref_slice %arg5[%dma_start3A_198, %dma_start3A_205] : memref<2x16384xf32, #tpu.memory_space<vmem>> -> memref<1x16384xf32, #tpu.memory_space<vmem>>
    %dma_start3A_207 = tpu.memref_squeeze %dma_start3A_206 : memref<1x16384xf32, #tpu.memory_space<vmem>> -> memref<16384xf32, #tpu.memory_space<vmem>>
    %dma_start3A_208 = arith.constant 65536 : i32
    %dma_start3A_209 = tpu.memref_slice %arg2[%min3A_1, %dma_start3A_208] : memref<28x131072xf32, #tpu.memory_space<hbm>> -> memref<1x16384xf32, #tpu.memory_space<hbm>>
    %dma_start3A_210 = tpu.memref_squeeze %dma_start3A_209 : memref<1x16384xf32, #tpu.memory_space<hbm>> -> memref<16384xf32, #tpu.memory_space<hbm>>
    tpu.enqueue_dma source(%dma_start3A_210 : memref<16384xf32, #tpu.memory_space<hbm>>) target(%dma_start3A_207 : memref<16384xf32, #tpu.memory_space<vmem>>) target_semaphore(%arg9 : memref<!tpu.dma_semaphore, #tpu.memory_space<semaphore_mem>>)
    %dma_start3A_211 = arith.constant 0 : i32
    %dma_start3A_212 = arith.constant 0 : i32
    %dma_start3A_213 = tpu.memref_slice %arg6[%dma_start3A_211, %dma_start3A_212] : memref<2x16384xi32, #tpu.memory_space<vmem>> -> memref<1x16384xi32, #tpu.memory_space<vmem>>
    %dma_start3A_214 = tpu.memref_squeeze %dma_start3A_213 : memref<1x16384xi32, #tpu.memory_space<vmem>> -> memref<16384xi32, #tpu.memory_space<vmem>>
    %dma_start3A_215 = arith.constant 65536 : i32
    %dma_start3A_216 = tpu.memref_slice %arg3[%min3A_1, %dma_start3A_215] : memref<28x131072xi32, #tpu.memory_space<hbm>> -> memref<1x16384xi32, #tpu.memory_space<hbm>>
    %dma_start3A_217 = tpu.memref_squeeze %dma_start3A_216 : memref<1x16384xi32, #tpu.memory_space<hbm>> -> memref<16384xi32, #tpu.memory_space<hbm>>
    %dma_start3A_218 = arith.constant 0 : i32
    %dma_start3A_219 = tpu.memref_slice %arg6[%dma_start3A_211, %dma_start3A_218] : memref<2x16384xi32, #tpu.memory_space<vmem>> -> memref<1x16384xi32, #tpu.memory_space<vmem>>
    %dma_start3A_220 = tpu.memref_squeeze %dma_start3A_219 : memref<1x16384xi32, #tpu.memory_space<vmem>> -> memref<16384xi32, #tpu.memory_space<vmem>>
    %dma_start3A_221 = arith.constant 65536 : i32
    %dma_start3A_222 = tpu.memref_slice %arg3[%min3A_1, %dma_start3A_221] : memref<28x131072xi32, #tpu.memory_space<hbm>> -> memref<1x16384xi32, #tpu.memory_space<hbm>>
    %dma_start3A_223 = tpu.memref_squeeze %dma_start3A_222 : memref<1x16384xi32, #tpu.memory_space<hbm>> -> memref<16384xi32, #tpu.memory_space<hbm>>
    tpu.enqueue_dma source(%dma_start3A_223 : memref<16384xi32, #tpu.memory_space<hbm>>) target(%dma_start3A_220 : memref<16384xi32, #tpu.memory_space<vmem>>) target_semaphore(%arg9 : memref<!tpu.dma_semaphore, #tpu.memory_space<semaphore_mem>>)
    %dma_wait3A_224 = arith.constant 1 : i32
    %dma_wait3A_225 = arith.constant 0 : i32
    %dma_wait3A_226 = tpu.memref_slice %arg5[%dma_wait3A_224, %dma_wait3A_225] : memref<2x16384xf32, #tpu.memory_space<vmem>> -> memref<1x16384xf32, #tpu.memory_space<vmem>>
    %dma_wait3A_227 = tpu.memref_squeeze %dma_wait3A_226 : memref<1x16384xf32, #tpu.memory_space<vmem>> -> memref<16384xf32, #tpu.memory_space<vmem>>
    %dma_wait3A_228 = arith.constant 49152 : i32
    %dma_wait3A_229 = tpu.memref_slice %arg2[%min3A_1, %dma_wait3A_228] : memref<28x131072xf32, #tpu.memory_space<hbm>> -> memref<1x16384xf32, #tpu.memory_space<hbm>>
    %dma_wait3A_230 = tpu.memref_squeeze %dma_wait3A_229 : memref<1x16384xf32, #tpu.memory_space<hbm>> -> memref<16384xf32, #tpu.memory_space<hbm>>
    %dma_wait3A_231 = arith.constant 0 : i32
    %dma_wait3A_232 = tpu.memref_slice %arg5[%dma_wait3A_224, %dma_wait3A_231] : memref<2x16384xf32, #tpu.memory_space<vmem>> -> memref<1x16384xf32, #tpu.memory_space<vmem>>
    %dma_wait3A_233 = tpu.memref_squeeze %dma_wait3A_232 : memref<1x16384xf32, #tpu.memory_space<vmem>> -> memref<16384xf32, #tpu.memory_space<vmem>>
    %dma_wait3A_234 = arith.constant 49152 : i32
    %dma_wait3A_235 = tpu.memref_slice %arg2[%min3A_1, %dma_wait3A_234] : memref<28x131072xf32, #tpu.memory_space<hbm>> -> memref<1x16384xf32, #tpu.memory_space<hbm>>
    %dma_wait3A_236 = tpu.memref_squeeze %dma_wait3A_235 : memref<1x16384xf32, #tpu.memory_space<hbm>> -> memref<16384xf32, #tpu.memory_space<hbm>>
    tpu.wait_dma2 semaphore(%arg10 : memref<!tpu.dma_semaphore, #tpu.memory_space<semaphore_mem>>) src(%dma_wait3A_236 : memref<16384xf32, #tpu.memory_space<hbm>>) dst(%dma_wait3A_233 : memref<16384xf32, #tpu.memory_space<vmem>>)
    %dma_wait3A_237 = arith.constant 1 : i32
    %dma_wait3A_238 = arith.constant 0 : i32
    %dma_wait3A_239 = tpu.memref_slice %arg6[%dma_wait3A_237, %dma_wait3A_238] : memref<2x16384xi32, #tpu.memory_space<vmem>> -> memref<1x16384xi32, #tpu.memory_space<vmem>>
    %dma_wait3A_240 = tpu.memref_squeeze %dma_wait3A_239 : memref<1x16384xi32, #tpu.memory_space<vmem>> -> memref<16384xi32, #tpu.memory_space<vmem>>
    %dma_wait3A_241 = arith.constant 49152 : i32
    %dma_wait3A_242 = tpu.memref_slice %arg3[%min3A_1, %dma_wait3A_241] : memref<28x131072xi32, #tpu.memory_space<hbm>> -> memref<1x16384xi32, #tpu.memory_space<hbm>>
    %dma_wait3A_243 = tpu.memref_squeeze %dma_wait3A_242 : memref<1x16384xi32, #tpu.memory_space<hbm>> -> memref<16384xi32, #tpu.memory_space<hbm>>
    %dma_wait3A_244 = arith.constant 0 : i32
    %dma_wait3A_245 = tpu.memref_slice %arg6[%dma_wait3A_237, %dma_wait3A_244] : memref<2x16384xi32, #tpu.memory_space<vmem>> -> memref<1x16384xi32, #tpu.memory_space<vmem>>
    %dma_wait3A_246 = tpu.memref_squeeze %dma_wait3A_245 : memref<1x16384xi32, #tpu.memory_space<vmem>> -> memref<16384xi32, #tpu.memory_space<vmem>>
    %dma_wait3A_247 = arith.constant 49152 : i32
    %dma_wait3A_248 = tpu.memref_slice %arg3[%min3A_1, %dma_wait3A_247] : memref<28x131072xi32, #tpu.memory_space<hbm>> -> memref<1x16384xi32, #tpu.memory_space<hbm>>
    %dma_wait3A_249 = tpu.memref_squeeze %dma_wait3A_248 : memref<1x16384xi32, #tpu.memory_space<hbm>> -> memref<16384xi32, #tpu.memory_space<hbm>>
    tpu.wait_dma2 semaphore(%arg10 : memref<!tpu.dma_semaphore, #tpu.memory_space<semaphore_mem>>) src(%dma_wait3A_249 : memref<16384xi32, #tpu.memory_space<hbm>>) dst(%dma_wait3A_246 : memref<16384xi32, #tpu.memory_space<vmem>>)
    %parallel_loop3A_250 = arith.constant 0 : i32
    %parallel_loop3A_251 = arith.constant 1024 : i32
    %parallel_loop3A_252 = arith.constant 1 : i32
    scf.for %parallel_loop3A_477 = %parallel_loop3A_250 to %parallel_loop3A_251 step %parallel_loop3A_252  : i32 {
      %parallel_loop3A_478 = arith.constant 16 : i32
      %parallel_loop3A_479 = arith.muli %parallel_loop3A_477, %parallel_loop3A_478 : i32
      %parallel_loop3A_480 = arith.constant 1 : i32
      %parallel_loop3A_481 = arith.index_cast %parallel_loop3A_480 : i32 to index
      %parallel_loop3A_482 = arith.index_cast %parallel_loop3A_479 : i32 to index
      %parallel_loop3A_483 = tpu.vector_load %arg5[%parallel_loop3A_481, %parallel_loop3A_482] {strides = array<i32>} : memref<2x16384xf32, #tpu.memory_space<vmem>>, vector<16xf32>,
      %parallel_loop3A_484 = arith.constant 16 : i32
      %parallel_loop3A_485 = arith.muli %parallel_loop3A_477, %parallel_loop3A_484 : i32
      %parallel_loop3A_486 = arith.constant 1 : i32
      %parallel_loop3A_487 = arith.index_cast %parallel_loop3A_486 : i32 to index
      %parallel_loop3A_488 = arith.index_cast %parallel_loop3A_485 : i32 to index
      %parallel_loop3A_489 = tpu.vector_load %arg6[%parallel_loop3A_487, %parallel_loop3A_488] {strides = array<i32>} : memref<2x16384xi32, #tpu.memory_space<vmem>>, vector<16xi32>,
      %parallel_loop3A_490 = arith.sitofp %parallel_loop3A_489 : vector<16xi32> to vector<16xf32>
      %parallel_loop3A_491 = arith.mulf %parallel_loop3A_483, %parallel_loop3A_490 : vector<16xf32>
      %parallel_loop3A_492 = arith.constant 1.000000e+00 : f32
      %parallel_loop3A_493 = vector.broadcast %parallel_loop3A_492 : f32 to vector<16xf32>
      %parallel_loop3A_494 = arith.addf %parallel_loop3A_493, %parallel_loop3A_483 : vector<16xf32>
      %parallel_loop3A_495 = arith.constant 2.000000e+00 : f32
      %parallel_loop3A_496 = vector.broadcast %parallel_loop3A_495 : f32 to vector<16xf32>
      %parallel_loop3A_497 = arith.mulf %parallel_loop3A_496, %parallel_loop3A_491 : vector<16xf32>
      %parallel_loop3A_498 = arith.subf %parallel_loop3A_494, %parallel_loop3A_497 : vector<16xf32>
      %parallel_loop3A_499 = arith.constant 1.280000e+02 : f32
      %parallel_loop3A_500 = vector.broadcast %parallel_loop3A_499 : f32 to vector<16xf32>
      %parallel_loop3A_501 = arith.mulf %parallel_loop3A_498, %parallel_loop3A_500 : vector<16xf32>
      %parallel_loop3A_502 = arith.constant 1.000000e+00 : f32
      %parallel_loop3A_503 = vector.broadcast %parallel_loop3A_502 : f32 to vector<16xf32>
      %parallel_loop3A_504 = arith.addf %parallel_loop3A_501, %parallel_loop3A_503 : vector<16xf32>
      %parallel_loop3A_505 = arith.constant 1.024000e+03 : f32
      %parallel_loop3A_506 = vector.broadcast %parallel_loop3A_505 : f32 to vector<16xf32>
      %parallel_loop3A_507 = arith.minimumf %parallel_loop3A_504, %parallel_loop3A_506 : vector<16xf32>
      %parallel_loop3A_508 = arith.constant 0.000000e+00 : f32
      %parallel_loop3A_509 = vector.broadcast %parallel_loop3A_508 : f32 to vector<16xf32>
      %parallel_loop3A_510 = arith.maximumf %parallel_loop3A_507, %parallel_loop3A_509 : vector<16xf32>
      %parallel_loop3A_511 = arith.fptosi %parallel_loop3A_510 : vector<16xf32> to vector<16xi32>
      %parallel_loop3A_512 = arith.addi %parallel_loop3A_511, %parallel_loop3A_511 : vector<16xi32>
      %parallel_loop3A_513 = arith.constant 2048 : i32
      %parallel_loop3A_514 = vector.broadcast %parallel_loop3A_513 : i32 to vector<16xi32>
      %parallel_loop3A_515 = arith.subi %parallel_loop3A_514, %parallel_loop3A_512 : vector<16xi32>
      %parallel_loop3A_516 = arith.addi %parallel_loop3A_515, %parallel_loop3A_489 : vector<16xi32>
      tpu.vector_store_idx %arg7[%parallel_loop3A_516], %broadcast_in_dim3A_6 {add = true} : memref<2064xf32, #tpu.memory_space<vmem>>[vector<16xi32>], vector<16xf32>,
    } {sc.loop_unroll_factor = 8 : i64, sc.parallel_access}
    %dma_start3A_253 = arith.constant 1 : i32
    %dma_start3A_254 = arith.constant 0 : i32
    %dma_start3A_255 = tpu.memref_slice %arg5[%dma_start3A_253, %dma_start3A_254] : memref<2x16384xf32, #tpu.memory_space<vmem>> -> memref<1x16384xf32, #tpu.memory_space<vmem>>
    %dma_start3A_256 = tpu.memref_squeeze %dma_start3A_255 : memref<1x16384xf32, #tpu.memory_space<vmem>> -> memref<16384xf32, #tpu.memory_space<vmem>>
    %dma_start3A_257 = arith.constant 81920 : i32
    %dma_start3A_258 = tpu.memref_slice %arg2[%min3A_1, %dma_start3A_257] : memref<28x131072xf32, #tpu.memory_space<hbm>> -> memref<1x16384xf32, #tpu.memory_space<hbm>>
    %dma_start3A_259 = tpu.memref_squeeze %dma_start3A_258 : memref<1x16384xf32, #tpu.memory_space<hbm>> -> memref<16384xf32, #tpu.memory_space<hbm>>
    %dma_start3A_260 = arith.constant 0 : i32
    %dma_start3A_261 = tpu.memref_slice %arg5[%dma_start3A_253, %dma_start3A_260] : memref<2x16384xf32, #tpu.memory_space<vmem>> -> memref<1x16384xf32, #tpu.memory_space<vmem>>
    %dma_start3A_262 = tpu.memref_squeeze %dma_start3A_261 : memref<1x16384xf32, #tpu.memory_space<vmem>> -> memref<16384xf32, #tpu.memory_space<vmem>>
    %dma_start3A_263 = arith.constant 81920 : i32
    %dma_start3A_264 = tpu.memref_slice %arg2[%min3A_1, %dma_start3A_263] : memref<28x131072xf32, #tpu.memory_space<hbm>> -> memref<1x16384xf32, #tpu.memory_space<hbm>>
    %dma_start3A_265 = tpu.memref_squeeze %dma_start3A_264 : memref<1x16384xf32, #tpu.memory_space<hbm>> -> memref<16384xf32, #tpu.memory_space<hbm>>
    tpu.enqueue_dma source(%dma_start3A_265 : memref<16384xf32, #tpu.memory_space<hbm>>) target(%dma_start3A_262 : memref<16384xf32, #tpu.memory_space<vmem>>) target_semaphore(%arg10 : memref<!tpu.dma_semaphore, #tpu.memory_space<semaphore_mem>>)
    %dma_start3A_266 = arith.constant 1 : i32
    %dma_start3A_267 = arith.constant 0 : i32
    %dma_start3A_268 = tpu.memref_slice %arg6[%dma_start3A_266, %dma_start3A_267] : memref<2x16384xi32, #tpu.memory_space<vmem>> -> memref<1x16384xi32, #tpu.memory_space<vmem>>
    %dma_start3A_269 = tpu.memref_squeeze %dma_start3A_268 : memref<1x16384xi32, #tpu.memory_space<vmem>> -> memref<16384xi32, #tpu.memory_space<vmem>>
    %dma_start3A_270 = arith.constant 81920 : i32
    %dma_start3A_271 = tpu.memref_slice %arg3[%min3A_1, %dma_start3A_270] : memref<28x131072xi32, #tpu.memory_space<hbm>> -> memref<1x16384xi32, #tpu.memory_space<hbm>>
    %dma_start3A_272 = tpu.memref_squeeze %dma_start3A_271 : memref<1x16384xi32, #tpu.memory_space<hbm>> -> memref<16384xi32, #tpu.memory_space<hbm>>
    %dma_start3A_273 = arith.constant 0 : i32
    %dma_start3A_274 = tpu.memref_slice %arg6[%dma_start3A_266, %dma_start3A_273] : memref<2x16384xi32, #tpu.memory_space<vmem>> -> memref<1x16384xi32, #tpu.memory_space<vmem>>
    %dma_start3A_275 = tpu.memref_squeeze %dma_start3A_274 : memref<1x16384xi32, #tpu.memory_space<vmem>> -> memref<16384xi32, #tpu.memory_space<vmem>>
    %dma_start3A_276 = arith.constant 81920 : i32
    %dma_start3A_277 = tpu.memref_slice %arg3[%min3A_1, %dma_start3A_276] : memref<28x131072xi32, #tpu.memory_space<hbm>> -> memref<1x16384xi32, #tpu.memory_space<hbm>>
    %dma_start3A_278 = tpu.memref_squeeze %dma_start3A_277 : memref<1x16384xi32, #tpu.memory_space<hbm>> -> memref<16384xi32, #tpu.memory_space<hbm>>
    tpu.enqueue_dma source(%dma_start3A_278 : memref<16384xi32, #tpu.memory_space<hbm>>) target(%dma_start3A_275 : memref<16384xi32, #tpu.memory_space<vmem>>) target_semaphore(%arg10 : memref<!tpu.dma_semaphore, #tpu.memory_space<semaphore_mem>>)
    %dma_wait3A_279 = arith.constant 0 : i32
    %dma_wait3A_280 = arith.constant 0 : i32
    %dma_wait3A_281 = tpu.memref_slice %arg5[%dma_wait3A_279, %dma_wait3A_280] : memref<2x16384xf32, #tpu.memory_space<vmem>> -> memref<1x16384xf32, #tpu.memory_space<vmem>>
    %dma_wait3A_282 = tpu.memref_squeeze %dma_wait3A_281 : memref<1x16384xf32, #tpu.memory_space<vmem>> -> memref<16384xf32, #tpu.memory_space<vmem>>
    %dma_wait3A_283 = arith.constant 65536 : i32
    %dma_wait3A_284 = tpu.memref_slice %arg2[%min3A_1, %dma_wait3A_283] : memref<28x131072xf32, #tpu.memory_space<hbm>> -> memref<1x16384xf32, #tpu.memory_space<hbm>>
    %dma_wait3A_285 = tpu.memref_squeeze %dma_wait3A_284 : memref<1x16384xf32, #tpu.memory_space<hbm>> -> memref<16384xf32, #tpu.memory_space<hbm>>
    %dma_wait3A_286 = arith.constant 0 : i32
    %dma_wait3A_287 = tpu.memref_slice %arg5[%dma_wait3A_279, %dma_wait3A_286] : memref<2x16384xf32, #tpu.memory_space<vmem>> -> memref<1x16384xf32, #tpu.memory_space<vmem>>
    %dma_wait3A_288 = tpu.memref_squeeze %dma_wait3A_287 : memref<1x16384xf32, #tpu.memory_space<vmem>> -> memref<16384xf32, #tpu.memory_space<vmem>>
    %dma_wait3A_289 = arith.constant 65536 : i32
    %dma_wait3A_290 = tpu.memref_slice %arg2[%min3A_1, %dma_wait3A_289] : memref<28x131072xf32, #tpu.memory_space<hbm>> -> memref<1x16384xf32, #tpu.memory_space<hbm>>
    %dma_wait3A_291 = tpu.memref_squeeze %dma_wait3A_290 : memref<1x16384xf32, #tpu.memory_space<hbm>> -> memref<16384xf32, #tpu.memory_space<hbm>>
    tpu.wait_dma2 semaphore(%arg9 : memref<!tpu.dma_semaphore, #tpu.memory_space<semaphore_mem>>) src(%dma_wait3A_291 : memref<16384xf32, #tpu.memory_space<hbm>>) dst(%dma_wait3A_288 : memref<16384xf32, #tpu.memory_space<vmem>>)
    %dma_wait3A_292 = arith.constant 0 : i32
    %dma_wait3A_293 = arith.constant 0 : i32
    %dma_wait3A_294 = tpu.memref_slice %arg6[%dma_wait3A_292, %dma_wait3A_293] : memref<2x16384xi32, #tpu.memory_space<vmem>> -> memref<1x16384xi32, #tpu.memory_space<vmem>>
    %dma_wait3A_295 = tpu.memref_squeeze %dma_wait3A_294 : memref<1x16384xi32, #tpu.memory_space<vmem>> -> memref<16384xi32, #tpu.memory_space<vmem>>
    %dma_wait3A_296 = arith.constant 65536 : i32
    %dma_wait3A_297 = tpu.memref_slice %arg3[%min3A_1, %dma_wait3A_296] : memref<28x131072xi32, #tpu.memory_space<hbm>> -> memref<1x16384xi32, #tpu.memory_space<hbm>>
    %dma_wait3A_298 = tpu.memref_squeeze %dma_wait3A_297 : memref<1x16384xi32, #tpu.memory_space<hbm>> -> memref<16384xi32, #tpu.memory_space<hbm>>
    %dma_wait3A_299 = arith.constant 0 : i32
    %dma_wait3A_300 = tpu.memref_slice %arg6[%dma_wait3A_292, %dma_wait3A_299] : memref<2x16384xi32, #tpu.memory_space<vmem>> -> memref<1x16384xi32, #tpu.memory_space<vmem>>
    %dma_wait3A_301 = tpu.memref_squeeze %dma_wait3A_300 : memref<1x16384xi32, #tpu.memory_space<vmem>> -> memref<16384xi32, #tpu.memory_space<vmem>>
    %dma_wait3A_302 = arith.constant 65536 : i32
    %dma_wait3A_303 = tpu.memref_slice %arg3[%min3A_1, %dma_wait3A_302] : memref<28x131072xi32, #tpu.memory_space<hbm>> -> memref<1x16384xi32, #tpu.memory_space<hbm>>
    %dma_wait3A_304 = tpu.memref_squeeze %dma_wait3A_303 : memref<1x16384xi32, #tpu.memory_space<hbm>> -> memref<16384xi32, #tpu.memory_space<hbm>>
    tpu.wait_dma2 semaphore(%arg9 : memref<!tpu.dma_semaphore, #tpu.memory_space<semaphore_mem>>) src(%dma_wait3A_304 : memref<16384xi32, #tpu.memory_space<hbm>>) dst(%dma_wait3A_301 : memref<16384xi32, #tpu.memory_space<vmem>>)
    %parallel_loop3A_305 = arith.constant 0 : i32
    %parallel_loop3A_306 = arith.constant 1024 : i32
    %parallel_loop3A_307 = arith.constant 1 : i32
    scf.for %parallel_loop3A_477 = %parallel_loop3A_305 to %parallel_loop3A_306 step %parallel_loop3A_307  : i32 {
      %parallel_loop3A_478 = arith.constant 16 : i32
      %parallel_loop3A_479 = arith.muli %parallel_loop3A_477, %parallel_loop3A_478 : i32
      %parallel_loop3A_480 = arith.constant 0 : i32
      %parallel_loop3A_481 = arith.index_cast %parallel_loop3A_480 : i32 to index
      %parallel_loop3A_482 = arith.index_cast %parallel_loop3A_479 : i32 to index
      %parallel_loop3A_483 = tpu.vector_load %arg5[%parallel_loop3A_481, %parallel_loop3A_482] {strides = array<i32>} : memref<2x16384xf32, #tpu.memory_space<vmem>>, vector<16xf32>,
      %parallel_loop3A_484 = arith.constant 16 : i32
      %parallel_loop3A_485 = arith.muli %parallel_loop3A_477, %parallel_loop3A_484 : i32
      %parallel_loop3A_486 = arith.constant 0 : i32
      %parallel_loop3A_487 = arith.index_cast %parallel_loop3A_486 : i32 to index
      %parallel_loop3A_488 = arith.index_cast %parallel_loop3A_485 : i32 to index
      %parallel_loop3A_489 = tpu.vector_load %arg6[%parallel_loop3A_487, %parallel_loop3A_488] {strides = array<i32>} : memref<2x16384xi32, #tpu.memory_space<vmem>>, vector<16xi32>,
      %parallel_loop3A_490 = arith.sitofp %parallel_loop3A_489 : vector<16xi32> to vector<16xf32>
      %parallel_loop3A_491 = arith.mulf %parallel_loop3A_483, %parallel_loop3A_490 : vector<16xf32>
      %parallel_loop3A_492 = arith.constant 1.000000e+00 : f32
      %parallel_loop3A_493 = vector.broadcast %parallel_loop3A_492 : f32 to vector<16xf32>
      %parallel_loop3A_494 = arith.addf %parallel_loop3A_493, %parallel_loop3A_483 : vector<16xf32>
      %parallel_loop3A_495 = arith.constant 2.000000e+00 : f32
      %parallel_loop3A_496 = vector.broadcast %parallel_loop3A_495 : f32 to vector<16xf32>
      %parallel_loop3A_497 = arith.mulf %parallel_loop3A_496, %parallel_loop3A_491 : vector<16xf32>
      %parallel_loop3A_498 = arith.subf %parallel_loop3A_494, %parallel_loop3A_497 : vector<16xf32>
      %parallel_loop3A_499 = arith.constant 1.280000e+02 : f32
      %parallel_loop3A_500 = vector.broadcast %parallel_loop3A_499 : f32 to vector<16xf32>
      %parallel_loop3A_501 = arith.mulf %parallel_loop3A_498, %parallel_loop3A_500 : vector<16xf32>
      %parallel_loop3A_502 = arith.constant 1.000000e+00 : f32
      %parallel_loop3A_503 = vector.broadcast %parallel_loop3A_502 : f32 to vector<16xf32>
      %parallel_loop3A_504 = arith.addf %parallel_loop3A_501, %parallel_loop3A_503 : vector<16xf32>
      %parallel_loop3A_505 = arith.constant 1.024000e+03 : f32
      %parallel_loop3A_506 = vector.broadcast %parallel_loop3A_505 : f32 to vector<16xf32>
      %parallel_loop3A_507 = arith.minimumf %parallel_loop3A_504, %parallel_loop3A_506 : vector<16xf32>
      %parallel_loop3A_508 = arith.constant 0.000000e+00 : f32
      %parallel_loop3A_509 = vector.broadcast %parallel_loop3A_508 : f32 to vector<16xf32>
      %parallel_loop3A_510 = arith.maximumf %parallel_loop3A_507, %parallel_loop3A_509 : vector<16xf32>
      %parallel_loop3A_511 = arith.fptosi %parallel_loop3A_510 : vector<16xf32> to vector<16xi32>
      %parallel_loop3A_512 = arith.addi %parallel_loop3A_511, %parallel_loop3A_511 : vector<16xi32>
      %parallel_loop3A_513 = arith.constant 2048 : i32
      %parallel_loop3A_514 = vector.broadcast %parallel_loop3A_513 : i32 to vector<16xi32>
      %parallel_loop3A_515 = arith.subi %parallel_loop3A_514, %parallel_loop3A_512 : vector<16xi32>
      %parallel_loop3A_516 = arith.addi %parallel_loop3A_515, %parallel_loop3A_489 : vector<16xi32>
      tpu.vector_store_idx %arg7[%parallel_loop3A_516], %broadcast_in_dim3A_6 {add = true} : memref<2064xf32, #tpu.memory_space<vmem>>[vector<16xi32>], vector<16xf32>,
    } {sc.loop_unroll_factor = 8 : i64, sc.parallel_access}
    %dma_start3A_308 = arith.constant 0 : i32
    %dma_start3A_309 = arith.constant 0 : i32
    %dma_start3A_310 = tpu.memref_slice %arg5[%dma_start3A_308, %dma_start3A_309] : memref<2x16384xf32, #tpu.memory_space<vmem>> -> memref<1x16384xf32, #tpu.memory_space<vmem>>
    %dma_start3A_311 = tpu.memref_squeeze %dma_start3A_310 : memref<1x16384xf32, #tpu.memory_space<vmem>> -> memref<16384xf32, #tpu.memory_space<vmem>>
    %dma_start3A_312 = arith.constant 98304 : i32
    %dma_start3A_313 = tpu.memref_slice %arg2[%min3A_1, %dma_start3A_312] : memref<28x131072xf32, #tpu.memory_space<hbm>> -> memref<1x16384xf32, #tpu.memory_space<hbm>>
    %dma_start3A_314 = tpu.memref_squeeze %dma_start3A_313 : memref<1x16384xf32, #tpu.memory_space<hbm>> -> memref<16384xf32, #tpu.memory_space<hbm>>
    %dma_start3A_315 = arith.constant 0 : i32
    %dma_start3A_316 = tpu.memref_slice %arg5[%dma_start3A_308, %dma_start3A_315] : memref<2x16384xf32, #tpu.memory_space<vmem>> -> memref<1x16384xf32, #tpu.memory_space<vmem>>
    %dma_start3A_317 = tpu.memref_squeeze %dma_start3A_316 : memref<1x16384xf32, #tpu.memory_space<vmem>> -> memref<16384xf32, #tpu.memory_space<vmem>>
    %dma_start3A_318 = arith.constant 98304 : i32
    %dma_start3A_319 = tpu.memref_slice %arg2[%min3A_1, %dma_start3A_318] : memref<28x131072xf32, #tpu.memory_space<hbm>> -> memref<1x16384xf32, #tpu.memory_space<hbm>>
    %dma_start3A_320 = tpu.memref_squeeze %dma_start3A_319 : memref<1x16384xf32, #tpu.memory_space<hbm>> -> memref<16384xf32, #tpu.memory_space<hbm>>
    tpu.enqueue_dma source(%dma_start3A_320 : memref<16384xf32, #tpu.memory_space<hbm>>) target(%dma_start3A_317 : memref<16384xf32, #tpu.memory_space<vmem>>) target_semaphore(%arg9 : memref<!tpu.dma_semaphore, #tpu.memory_space<semaphore_mem>>)
    %dma_start3A_321 = arith.constant 0 : i32
    %dma_start3A_322 = arith.constant 0 : i32
    %dma_start3A_323 = tpu.memref_slice %arg6[%dma_start3A_321, %dma_start3A_322] : memref<2x16384xi32, #tpu.memory_space<vmem>> -> memref<1x16384xi32, #tpu.memory_space<vmem>>
    %dma_start3A_324 = tpu.memref_squeeze %dma_start3A_323 : memref<1x16384xi32, #tpu.memory_space<vmem>> -> memref<16384xi32, #tpu.memory_space<vmem>>
    %dma_start3A_325 = arith.constant 98304 : i32
    %dma_start3A_326 = tpu.memref_slice %arg3[%min3A_1, %dma_start3A_325] : memref<28x131072xi32, #tpu.memory_space<hbm>> -> memref<1x16384xi32, #tpu.memory_space<hbm>>
    %dma_start3A_327 = tpu.memref_squeeze %dma_start3A_326 : memref<1x16384xi32, #tpu.memory_space<hbm>> -> memref<16384xi32, #tpu.memory_space<hbm>>
    %dma_start3A_328 = arith.constant 0 : i32
    %dma_start3A_329 = tpu.memref_slice %arg6[%dma_start3A_321, %dma_start3A_328] : memref<2x16384xi32, #tpu.memory_space<vmem>> -> memref<1x16384xi32, #tpu.memory_space<vmem>>
    %dma_start3A_330 = tpu.memref_squeeze %dma_start3A_329 : memref<1x16384xi32, #tpu.memory_space<vmem>> -> memref<16384xi32, #tpu.memory_space<vmem>>
    %dma_start3A_331 = arith.constant 98304 : i32
    %dma_start3A_332 = tpu.memref_slice %arg3[%min3A_1, %dma_start3A_331] : memref<28x131072xi32, #tpu.memory_space<hbm>> -> memref<1x16384xi32, #tpu.memory_space<hbm>>
    %dma_start3A_333 = tpu.memref_squeeze %dma_start3A_332 : memref<1x16384xi32, #tpu.memory_space<hbm>> -> memref<16384xi32, #tpu.memory_space<hbm>>
    tpu.enqueue_dma source(%dma_start3A_333 : memref<16384xi32, #tpu.memory_space<hbm>>) target(%dma_start3A_330 : memref<16384xi32, #tpu.memory_space<vmem>>) target_semaphore(%arg9 : memref<!tpu.dma_semaphore, #tpu.memory_space<semaphore_mem>>)
    %dma_wait3A_334 = arith.constant 1 : i32
    %dma_wait3A_335 = arith.constant 0 : i32
    %dma_wait3A_336 = tpu.memref_slice %arg5[%dma_wait3A_334, %dma_wait3A_335] : memref<2x16384xf32, #tpu.memory_space<vmem>> -> memref<1x16384xf32, #tpu.memory_space<vmem>>
    %dma_wait3A_337 = tpu.memref_squeeze %dma_wait3A_336 : memref<1x16384xf32, #tpu.memory_space<vmem>> -> memref<16384xf32, #tpu.memory_space<vmem>>
    %dma_wait3A_338 = arith.constant 81920 : i32
    %dma_wait3A_339 = tpu.memref_slice %arg2[%min3A_1, %dma_wait3A_338] : memref<28x131072xf32, #tpu.memory_space<hbm>> -> memref<1x16384xf32, #tpu.memory_space<hbm>>
    %dma_wait3A_340 = tpu.memref_squeeze %dma_wait3A_339 : memref<1x16384xf32, #tpu.memory_space<hbm>> -> memref<16384xf32, #tpu.memory_space<hbm>>
    %dma_wait3A_341 = arith.constant 0 : i32
    %dma_wait3A_342 = tpu.memref_slice %arg5[%dma_wait3A_334, %dma_wait3A_341] : memref<2x16384xf32, #tpu.memory_space<vmem>> -> memref<1x16384xf32, #tpu.memory_space<vmem>>
    %dma_wait3A_343 = tpu.memref_squeeze %dma_wait3A_342 : memref<1x16384xf32, #tpu.memory_space<vmem>> -> memref<16384xf32, #tpu.memory_space<vmem>>
    %dma_wait3A_344 = arith.constant 81920 : i32
    %dma_wait3A_345 = tpu.memref_slice %arg2[%min3A_1, %dma_wait3A_344] : memref<28x131072xf32, #tpu.memory_space<hbm>> -> memref<1x16384xf32, #tpu.memory_space<hbm>>
    %dma_wait3A_346 = tpu.memref_squeeze %dma_wait3A_345 : memref<1x16384xf32, #tpu.memory_space<hbm>> -> memref<16384xf32, #tpu.memory_space<hbm>>
    tpu.wait_dma2 semaphore(%arg10 : memref<!tpu.dma_semaphore, #tpu.memory_space<semaphore_mem>>) src(%dma_wait3A_346 : memref<16384xf32, #tpu.memory_space<hbm>>) dst(%dma_wait3A_343 : memref<16384xf32, #tpu.memory_space<vmem>>)
    %dma_wait3A_347 = arith.constant 1 : i32
    %dma_wait3A_348 = arith.constant 0 : i32
    %dma_wait3A_349 = tpu.memref_slice %arg6[%dma_wait3A_347, %dma_wait3A_348] : memref<2x16384xi32, #tpu.memory_space<vmem>> -> memref<1x16384xi32, #tpu.memory_space<vmem>>
    %dma_wait3A_350 = tpu.memref_squeeze %dma_wait3A_349 : memref<1x16384xi32, #tpu.memory_space<vmem>> -> memref<16384xi32, #tpu.memory_space<vmem>>
    %dma_wait3A_351 = arith.constant 81920 : i32
    %dma_wait3A_352 = tpu.memref_slice %arg3[%min3A_1, %dma_wait3A_351] : memref<28x131072xi32, #tpu.memory_space<hbm>> -> memref<1x16384xi32, #tpu.memory_space<hbm>>
    %dma_wait3A_353 = tpu.memref_squeeze %dma_wait3A_352 : memref<1x16384xi32, #tpu.memory_space<hbm>> -> memref<16384xi32, #tpu.memory_space<hbm>>
    %dma_wait3A_354 = arith.constant 0 : i32
    %dma_wait3A_355 = tpu.memref_slice %arg6[%dma_wait3A_347, %dma_wait3A_354] : memref<2x16384xi32, #tpu.memory_space<vmem>> -> memref<1x16384xi32, #tpu.memory_space<vmem>>
    %dma_wait3A_356 = tpu.memref_squeeze %dma_wait3A_355 : memref<1x16384xi32, #tpu.memory_space<vmem>> -> memref<16384xi32, #tpu.memory_space<vmem>>
    %dma_wait3A_357 = arith.constant 81920 : i32
    %dma_wait3A_358 = tpu.memref_slice %arg3[%min3A_1, %dma_wait3A_357] : memref<28x131072xi32, #tpu.memory_space<hbm>> -> memref<1x16384xi32, #tpu.memory_space<hbm>>
    %dma_wait3A_359 = tpu.memref_squeeze %dma_wait3A_358 : memref<1x16384xi32, #tpu.memory_space<hbm>> -> memref<16384xi32, #tpu.memory_space<hbm>>
    tpu.wait_dma2 semaphore(%arg10 : memref<!tpu.dma_semaphore, #tpu.memory_space<semaphore_mem>>) src(%dma_wait3A_359 : memref<16384xi32, #tpu.memory_space<hbm>>) dst(%dma_wait3A_356 : memref<16384xi32, #tpu.memory_space<vmem>>)
    %parallel_loop3A_360 = arith.constant 0 : i32
    %parallel_loop3A_361 = arith.constant 1024 : i32
    %parallel_loop3A_362 = arith.constant 1 : i32
    scf.for %parallel_loop3A_477 = %parallel_loop3A_360 to %parallel_loop3A_361 step %parallel_loop3A_362  : i32 {
      %parallel_loop3A_478 = arith.constant 16 : i32
      %parallel_loop3A_479 = arith.muli %parallel_loop3A_477, %parallel_loop3A_478 : i32
      %parallel_loop3A_480 = arith.constant 1 : i32
      %parallel_loop3A_481 = arith.index_cast %parallel_loop3A_480 : i32 to index
      %parallel_loop3A_482 = arith.index_cast %parallel_loop3A_479 : i32 to index
      %parallel_loop3A_483 = tpu.vector_load %arg5[%parallel_loop3A_481, %parallel_loop3A_482] {strides = array<i32>} : memref<2x16384xf32, #tpu.memory_space<vmem>>, vector<16xf32>,
      %parallel_loop3A_484 = arith.constant 16 : i32
      %parallel_loop3A_485 = arith.muli %parallel_loop3A_477, %parallel_loop3A_484 : i32
      %parallel_loop3A_486 = arith.constant 1 : i32
      %parallel_loop3A_487 = arith.index_cast %parallel_loop3A_486 : i32 to index
      %parallel_loop3A_488 = arith.index_cast %parallel_loop3A_485 : i32 to index
      %parallel_loop3A_489 = tpu.vector_load %arg6[%parallel_loop3A_487, %parallel_loop3A_488] {strides = array<i32>} : memref<2x16384xi32, #tpu.memory_space<vmem>>, vector<16xi32>,
      %parallel_loop3A_490 = arith.sitofp %parallel_loop3A_489 : vector<16xi32> to vector<16xf32>
      %parallel_loop3A_491 = arith.mulf %parallel_loop3A_483, %parallel_loop3A_490 : vector<16xf32>
      %parallel_loop3A_492 = arith.constant 1.000000e+00 : f32
      %parallel_loop3A_493 = vector.broadcast %parallel_loop3A_492 : f32 to vector<16xf32>
      %parallel_loop3A_494 = arith.addf %parallel_loop3A_493, %parallel_loop3A_483 : vector<16xf32>
      %parallel_loop3A_495 = arith.constant 2.000000e+00 : f32
      %parallel_loop3A_496 = vector.broadcast %parallel_loop3A_495 : f32 to vector<16xf32>
      %parallel_loop3A_497 = arith.mulf %parallel_loop3A_496, %parallel_loop3A_491 : vector<16xf32>
      %parallel_loop3A_498 = arith.subf %parallel_loop3A_494, %parallel_loop3A_497 : vector<16xf32>
      %parallel_loop3A_499 = arith.constant 1.280000e+02 : f32
      %parallel_loop3A_500 = vector.broadcast %parallel_loop3A_499 : f32 to vector<16xf32>
      %parallel_loop3A_501 = arith.mulf %parallel_loop3A_498, %parallel_loop3A_500 : vector<16xf32>
      %parallel_loop3A_502 = arith.constant 1.000000e+00 : f32
      %parallel_loop3A_503 = vector.broadcast %parallel_loop3A_502 : f32 to vector<16xf32>
      %parallel_loop3A_504 = arith.addf %parallel_loop3A_501, %parallel_loop3A_503 : vector<16xf32>
      %parallel_loop3A_505 = arith.constant 1.024000e+03 : f32
      %parallel_loop3A_506 = vector.broadcast %parallel_loop3A_505 : f32 to vector<16xf32>
      %parallel_loop3A_507 = arith.minimumf %parallel_loop3A_504, %parallel_loop3A_506 : vector<16xf32>
      %parallel_loop3A_508 = arith.constant 0.000000e+00 : f32
      %parallel_loop3A_509 = vector.broadcast %parallel_loop3A_508 : f32 to vector<16xf32>
      %parallel_loop3A_510 = arith.maximumf %parallel_loop3A_507, %parallel_loop3A_509 : vector<16xf32>
      %parallel_loop3A_511 = arith.fptosi %parallel_loop3A_510 : vector<16xf32> to vector<16xi32>
      %parallel_loop3A_512 = arith.addi %parallel_loop3A_511, %parallel_loop3A_511 : vector<16xi32>
      %parallel_loop3A_513 = arith.constant 2048 : i32
      %parallel_loop3A_514 = vector.broadcast %parallel_loop3A_513 : i32 to vector<16xi32>
      %parallel_loop3A_515 = arith.subi %parallel_loop3A_514, %parallel_loop3A_512 : vector<16xi32>
      %parallel_loop3A_516 = arith.addi %parallel_loop3A_515, %parallel_loop3A_489 : vector<16xi32>
      tpu.vector_store_idx %arg7[%parallel_loop3A_516], %broadcast_in_dim3A_6 {add = true} : memref<2064xf32, #tpu.memory_space<vmem>>[vector<16xi32>], vector<16xf32>,
    } {sc.loop_unroll_factor = 8 : i64, sc.parallel_access}
    %dma_start3A_363 = arith.constant 1 : i32
    %dma_start3A_364 = arith.constant 0 : i32
    %dma_start3A_365 = tpu.memref_slice %arg5[%dma_start3A_363, %dma_start3A_364] : memref<2x16384xf32, #tpu.memory_space<vmem>> -> memref<1x16384xf32, #tpu.memory_space<vmem>>
    %dma_start3A_366 = tpu.memref_squeeze %dma_start3A_365 : memref<1x16384xf32, #tpu.memory_space<vmem>> -> memref<16384xf32, #tpu.memory_space<vmem>>
    %dma_start3A_367 = arith.constant 114688 : i32
    %dma_start3A_368 = tpu.memref_slice %arg2[%min3A_1, %dma_start3A_367] : memref<28x131072xf32, #tpu.memory_space<hbm>> -> memref<1x16384xf32, #tpu.memory_space<hbm>>
    %dma_start3A_369 = tpu.memref_squeeze %dma_start3A_368 : memref<1x16384xf32, #tpu.memory_space<hbm>> -> memref<16384xf32, #tpu.memory_space<hbm>>
    %dma_start3A_370 = arith.constant 0 : i32
    %dma_start3A_371 = tpu.memref_slice %arg5[%dma_start3A_363, %dma_start3A_370] : memref<2x16384xf32, #tpu.memory_space<vmem>> -> memref<1x16384xf32, #tpu.memory_space<vmem>>
    %dma_start3A_372 = tpu.memref_squeeze %dma_start3A_371 : memref<1x16384xf32, #tpu.memory_space<vmem>> -> memref<16384xf32, #tpu.memory_space<vmem>>
    %dma_start3A_373 = arith.constant 114688 : i32
    %dma_start3A_374 = tpu.memref_slice %arg2[%min3A_1, %dma_start3A_373] : memref<28x131072xf32, #tpu.memory_space<hbm>> -> memref<1x16384xf32, #tpu.memory_space<hbm>>
    %dma_start3A_375 = tpu.memref_squeeze %dma_start3A_374 : memref<1x16384xf32, #tpu.memory_space<hbm>> -> memref<16384xf32, #tpu.memory_space<hbm>>
    tpu.enqueue_dma source(%dma_start3A_375 : memref<16384xf32, #tpu.memory_space<hbm>>) target(%dma_start3A_372 : memref<16384xf32, #tpu.memory_space<vmem>>) target_semaphore(%arg10 : memref<!tpu.dma_semaphore, #tpu.memory_space<semaphore_mem>>)
    %dma_start3A_376 = arith.constant 1 : i32
    %dma_start3A_377 = arith.constant 0 : i32
    %dma_start3A_378 = tpu.memref_slice %arg6[%dma_start3A_376, %dma_start3A_377] : memref<2x16384xi32, #tpu.memory_space<vmem>> -> memref<1x16384xi32, #tpu.memory_space<vmem>>
    %dma_start3A_379 = tpu.memref_squeeze %dma_start3A_378 : memref<1x16384xi32, #tpu.memory_space<vmem>> -> memref<16384xi32, #tpu.memory_space<vmem>>
    %dma_start3A_380 = arith.constant 114688 : i32
    %dma_start3A_381 = tpu.memref_slice %arg3[%min3A_1, %dma_start3A_380] : memref<28x131072xi32, #tpu.memory_space<hbm>> -> memref<1x16384xi32, #tpu.memory_space<hbm>>
    %dma_start3A_382 = tpu.memref_squeeze %dma_start3A_381 : memref<1x16384xi32, #tpu.memory_space<hbm>> -> memref<16384xi32, #tpu.memory_space<hbm>>
    %dma_start3A_383 = arith.constant 0 : i32
    %dma_start3A_384 = tpu.memref_slice %arg6[%dma_start3A_376, %dma_start3A_383] : memref<2x16384xi32, #tpu.memory_space<vmem>> -> memref<1x16384xi32, #tpu.memory_space<vmem>>
    %dma_start3A_385 = tpu.memref_squeeze %dma_start3A_384 : memref<1x16384xi32, #tpu.memory_space<vmem>> -> memref<16384xi32, #tpu.memory_space<vmem>>
    %dma_start3A_386 = arith.constant 114688 : i32
    %dma_start3A_387 = tpu.memref_slice %arg3[%min3A_1, %dma_start3A_386] : memref<28x131072xi32, #tpu.memory_space<hbm>> -> memref<1x16384xi32, #tpu.memory_space<hbm>>
    %dma_start3A_388 = tpu.memref_squeeze %dma_start3A_387 : memref<1x16384xi32, #tpu.memory_space<hbm>> -> memref<16384xi32, #tpu.memory_space<hbm>>
    tpu.enqueue_dma source(%dma_start3A_388 : memref<16384xi32, #tpu.memory_space<hbm>>) target(%dma_start3A_385 : memref<16384xi32, #tpu.memory_space<vmem>>) target_semaphore(%arg10 : memref<!tpu.dma_semaphore, #tpu.memory_space<semaphore_mem>>)
    %dma_wait3A_389 = arith.constant 0 : i32
    %dma_wait3A_390 = arith.constant 0 : i32
    %dma_wait3A_391 = tpu.memref_slice %arg5[%dma_wait3A_389, %dma_wait3A_390] : memref<2x16384xf32, #tpu.memory_space<vmem>> -> memref<1x16384xf32, #tpu.memory_space<vmem>>
    %dma_wait3A_392 = tpu.memref_squeeze %dma_wait3A_391 : memref<1x16384xf32, #tpu.memory_space<vmem>> -> memref<16384xf32, #tpu.memory_space<vmem>>
    %dma_wait3A_393 = arith.constant 98304 : i32
    %dma_wait3A_394 = tpu.memref_slice %arg2[%min3A_1, %dma_wait3A_393] : memref<28x131072xf32, #tpu.memory_space<hbm>> -> memref<1x16384xf32, #tpu.memory_space<hbm>>
    %dma_wait3A_395 = tpu.memref_squeeze %dma_wait3A_394 : memref<1x16384xf32, #tpu.memory_space<hbm>> -> memref<16384xf32, #tpu.memory_space<hbm>>
    %dma_wait3A_396 = arith.constant 0 : i32
    %dma_wait3A_397 = tpu.memref_slice %arg5[%dma_wait3A_389, %dma_wait3A_396] : memref<2x16384xf32, #tpu.memory_space<vmem>> -> memref<1x16384xf32, #tpu.memory_space<vmem>>
    %dma_wait3A_398 = tpu.memref_squeeze %dma_wait3A_397 : memref<1x16384xf32, #tpu.memory_space<vmem>> -> memref<16384xf32, #tpu.memory_space<vmem>>
    %dma_wait3A_399 = arith.constant 98304 : i32
    %dma_wait3A_400 = tpu.memref_slice %arg2[%min3A_1, %dma_wait3A_399] : memref<28x131072xf32, #tpu.memory_space<hbm>> -> memref<1x16384xf32, #tpu.memory_space<hbm>>
    %dma_wait3A_401 = tpu.memref_squeeze %dma_wait3A_400 : memref<1x16384xf32, #tpu.memory_space<hbm>> -> memref<16384xf32, #tpu.memory_space<hbm>>
    tpu.wait_dma2 semaphore(%arg9 : memref<!tpu.dma_semaphore, #tpu.memory_space<semaphore_mem>>) src(%dma_wait3A_401 : memref<16384xf32, #tpu.memory_space<hbm>>) dst(%dma_wait3A_398 : memref<16384xf32, #tpu.memory_space<vmem>>)
    %dma_wait3A_402 = arith.constant 0 : i32
    %dma_wait3A_403 = arith.constant 0 : i32
    %dma_wait3A_404 = tpu.memref_slice %arg6[%dma_wait3A_402, %dma_wait3A_403] : memref<2x16384xi32, #tpu.memory_space<vmem>> -> memref<1x16384xi32, #tpu.memory_space<vmem>>
    %dma_wait3A_405 = tpu.memref_squeeze %dma_wait3A_404 : memref<1x16384xi32, #tpu.memory_space<vmem>> -> memref<16384xi32, #tpu.memory_space<vmem>>
    %dma_wait3A_406 = arith.constant 98304 : i32
    %dma_wait3A_407 = tpu.memref_slice %arg3[%min3A_1, %dma_wait3A_406] : memref<28x131072xi32, #tpu.memory_space<hbm>> -> memref<1x16384xi32, #tpu.memory_space<hbm>>
    %dma_wait3A_408 = tpu.memref_squeeze %dma_wait3A_407 : memref<1x16384xi32, #tpu.memory_space<hbm>> -> memref<16384xi32, #tpu.memory_space<hbm>>
    %dma_wait3A_409 = arith.constant 0 : i32
    %dma_wait3A_410 = tpu.memref_slice %arg6[%dma_wait3A_402, %dma_wait3A_409] : memref<2x16384xi32, #tpu.memory_space<vmem>> -> memref<1x16384xi32, #tpu.memory_space<vmem>>
    %dma_wait3A_411 = tpu.memref_squeeze %dma_wait3A_410 : memref<1x16384xi32, #tpu.memory_space<vmem>> -> memref<16384xi32, #tpu.memory_space<vmem>>
    %dma_wait3A_412 = arith.constant 98304 : i32
    %dma_wait3A_413 = tpu.memref_slice %arg3[%min3A_1, %dma_wait3A_412] : memref<28x131072xi32, #tpu.memory_space<hbm>> -> memref<1x16384xi32, #tpu.memory_space<hbm>>
    %dma_wait3A_414 = tpu.memref_squeeze %dma_wait3A_413 : memref<1x16384xi32, #tpu.memory_space<hbm>> -> memref<16384xi32, #tpu.memory_space<hbm>>
    tpu.wait_dma2 semaphore(%arg9 : memref<!tpu.dma_semaphore, #tpu.memory_space<semaphore_mem>>) src(%dma_wait3A_414 : memref<16384xi32, #tpu.memory_space<hbm>>) dst(%dma_wait3A_411 : memref<16384xi32, #tpu.memory_space<vmem>>)
    %parallel_loop3A_415 = arith.constant 0 : i32
    %parallel_loop3A_416 = arith.constant 1024 : i32
    %parallel_loop3A_417 = arith.constant 1 : i32
    scf.for %parallel_loop3A_477 = %parallel_loop3A_415 to %parallel_loop3A_416 step %parallel_loop3A_417  : i32 {
      %parallel_loop3A_478 = arith.constant 16 : i32
      %parallel_loop3A_479 = arith.muli %parallel_loop3A_477, %parallel_loop3A_478 : i32
      %parallel_loop3A_480 = arith.constant 0 : i32
      %parallel_loop3A_481 = arith.index_cast %parallel_loop3A_480 : i32 to index
      %parallel_loop3A_482 = arith.index_cast %parallel_loop3A_479 : i32 to index
      %parallel_loop3A_483 = tpu.vector_load %arg5[%parallel_loop3A_481, %parallel_loop3A_482] {strides = array<i32>} : memref<2x16384xf32, #tpu.memory_space<vmem>>, vector<16xf32>,
      %parallel_loop3A_484 = arith.constant 16 : i32
      %parallel_loop3A_485 = arith.muli %parallel_loop3A_477, %parallel_loop3A_484 : i32
      %parallel_loop3A_486 = arith.constant 0 : i32
      %parallel_loop3A_487 = arith.index_cast %parallel_loop3A_486 : i32 to index
      %parallel_loop3A_488 = arith.index_cast %parallel_loop3A_485 : i32 to index
      %parallel_loop3A_489 = tpu.vector_load %arg6[%parallel_loop3A_487, %parallel_loop3A_488] {strides = array<i32>} : memref<2x16384xi32, #tpu.memory_space<vmem>>, vector<16xi32>,
      %parallel_loop3A_490 = arith.sitofp %parallel_loop3A_489 : vector<16xi32> to vector<16xf32>
      %parallel_loop3A_491 = arith.mulf %parallel_loop3A_483, %parallel_loop3A_490 : vector<16xf32>
      %parallel_loop3A_492 = arith.constant 1.000000e+00 : f32
      %parallel_loop3A_493 = vector.broadcast %parallel_loop3A_492 : f32 to vector<16xf32>
      %parallel_loop3A_494 = arith.addf %parallel_loop3A_493, %parallel_loop3A_483 : vector<16xf32>
      %parallel_loop3A_495 = arith.constant 2.000000e+00 : f32
      %parallel_loop3A_496 = vector.broadcast %parallel_loop3A_495 : f32 to vector<16xf32>
      %parallel_loop3A_497 = arith.mulf %parallel_loop3A_496, %parallel_loop3A_491 : vector<16xf32>
      %parallel_loop3A_498 = arith.subf %parallel_loop3A_494, %parallel_loop3A_497 : vector<16xf32>
      %parallel_loop3A_499 = arith.constant 1.280000e+02 : f32
      %parallel_loop3A_500 = vector.broadcast %parallel_loop3A_499 : f32 to vector<16xf32>
      %parallel_loop3A_501 = arith.mulf %parallel_loop3A_498, %parallel_loop3A_500 : vector<16xf32>
      %parallel_loop3A_502 = arith.constant 1.000000e+00 : f32
      %parallel_loop3A_503 = vector.broadcast %parallel_loop3A_502 : f32 to vector<16xf32>
      %parallel_loop3A_504 = arith.addf %parallel_loop3A_501, %parallel_loop3A_503 : vector<16xf32>
      %parallel_loop3A_505 = arith.constant 1.024000e+03 : f32
      %parallel_loop3A_506 = vector.broadcast %parallel_loop3A_505 : f32 to vector<16xf32>
      %parallel_loop3A_507 = arith.minimumf %parallel_loop3A_504, %parallel_loop3A_506 : vector<16xf32>
      %parallel_loop3A_508 = arith.constant 0.000000e+00 : f32
      %parallel_loop3A_509 = vector.broadcast %parallel_loop3A_508 : f32 to vector<16xf32>
      %parallel_loop3A_510 = arith.maximumf %parallel_loop3A_507, %parallel_loop3A_509 : vector<16xf32>
      %parallel_loop3A_511 = arith.fptosi %parallel_loop3A_510 : vector<16xf32> to vector<16xi32>
      %parallel_loop3A_512 = arith.addi %parallel_loop3A_511, %parallel_loop3A_511 : vector<16xi32>
      %parallel_loop3A_513 = arith.constant 2048 : i32
      %parallel_loop3A_514 = vector.broadcast %parallel_loop3A_513 : i32 to vector<16xi32>
      %parallel_loop3A_515 = arith.subi %parallel_loop3A_514, %parallel_loop3A_512 : vector<16xi32>
      %parallel_loop3A_516 = arith.addi %parallel_loop3A_515, %parallel_loop3A_489 : vector<16xi32>
      tpu.vector_store_idx %arg7[%parallel_loop3A_516], %broadcast_in_dim3A_6 {add = true} : memref<2064xf32, #tpu.memory_space<vmem>>[vector<16xi32>], vector<16xf32>,
    } {sc.loop_unroll_factor = 8 : i64, sc.parallel_access}
    %dma_wait3A_418 = arith.constant 1 : i32
    %dma_wait3A_419 = arith.constant 0 : i32
    %dma_wait3A_420 = tpu.memref_slice %arg5[%dma_wait3A_418, %dma_wait3A_419] : memref<2x16384xf32, #tpu.memory_space<vmem>> -> memref<1x16384xf32, #tpu.memory_space<vmem>>
    %dma_wait3A_421 = tpu.memref_squeeze %dma_wait3A_420 : memref<1x16384xf32, #tpu.memory_space<vmem>> -> memref<16384xf32, #tpu.memory_space<vmem>>
    %dma_wait3A_422 = arith.constant 114688 : i32
    %dma_wait3A_423 = tpu.memref_slice %arg2[%min3A_1, %dma_wait3A_422] : memref<28x131072xf32, #tpu.memory_space<hbm>> -> memref<1x16384xf32, #tpu.memory_space<hbm>>
    %dma_wait3A_424 = tpu.memref_squeeze %dma_wait3A_423 : memref<1x16384xf32, #tpu.memory_space<hbm>> -> memref<16384xf32, #tpu.memory_space<hbm>>
    %dma_wait3A_425 = arith.constant 0 : i32
    %dma_wait3A_426 = tpu.memref_slice %arg5[%dma_wait3A_418, %dma_wait3A_425] : memref<2x16384xf32, #tpu.memory_space<vmem>> -> memref<1x16384xf32, #tpu.memory_space<vmem>>
    %dma_wait3A_427 = tpu.memref_squeeze %dma_wait3A_426 : memref<1x16384xf32, #tpu.memory_space<vmem>> -> memref<16384xf32, #tpu.memory_space<vmem>>
    %dma_wait3A_428 = arith.constant 114688 : i32
    %dma_wait3A_429 = tpu.memref_slice %arg2[%min3A_1, %dma_wait3A_428] : memref<28x131072xf32, #tpu.memory_space<hbm>> -> memref<1x16384xf32, #tpu.memory_space<hbm>>
    %dma_wait3A_430 = tpu.memref_squeeze %dma_wait3A_429 : memref<1x16384xf32, #tpu.memory_space<hbm>> -> memref<16384xf32, #tpu.memory_space<hbm>>
    tpu.wait_dma2 semaphore(%arg10 : memref<!tpu.dma_semaphore, #tpu.memory_space<semaphore_mem>>) src(%dma_wait3A_430 : memref<16384xf32, #tpu.memory_space<hbm>>) dst(%dma_wait3A_427 : memref<16384xf32, #tpu.memory_space<vmem>>)
    %dma_wait3A_431 = arith.constant 1 : i32
    %dma_wait3A_432 = arith.constant 0 : i32
    %dma_wait3A_433 = tpu.memref_slice %arg6[%dma_wait3A_431, %dma_wait3A_432] : memref<2x16384xi32, #tpu.memory_space<vmem>> -> memref<1x16384xi32, #tpu.memory_space<vmem>>
    %dma_wait3A_434 = tpu.memref_squeeze %dma_wait3A_433 : memref<1x16384xi32, #tpu.memory_space<vmem>> -> memref<16384xi32, #tpu.memory_space<vmem>>
    %dma_wait3A_435 = arith.constant 114688 : i32
    %dma_wait3A_436 = tpu.memref_slice %arg3[%min3A_1, %dma_wait3A_435] : memref<28x131072xi32, #tpu.memory_space<hbm>> -> memref<1x16384xi32, #tpu.memory_space<hbm>>
    %dma_wait3A_437 = tpu.memref_squeeze %dma_wait3A_436 : memref<1x16384xi32, #tpu.memory_space<hbm>> -> memref<16384xi32, #tpu.memory_space<hbm>>
    %dma_wait3A_438 = arith.constant 0 : i32
    %dma_wait3A_439 = tpu.memref_slice %arg6[%dma_wait3A_431, %dma_wait3A_438] : memref<2x16384xi32, #tpu.memory_space<vmem>> -> memref<1x16384xi32, #tpu.memory_space<vmem>>
    %dma_wait3A_440 = tpu.memref_squeeze %dma_wait3A_439 : memref<1x16384xi32, #tpu.memory_space<vmem>> -> memref<16384xi32, #tpu.memory_space<vmem>>
    %dma_wait3A_441 = arith.constant 114688 : i32
    %dma_wait3A_442 = tpu.memref_slice %arg3[%min3A_1, %dma_wait3A_441] : memref<28x131072xi32, #tpu.memory_space<hbm>> -> memref<1x16384xi32, #tpu.memory_space<hbm>>
    %dma_wait3A_443 = tpu.memref_squeeze %dma_wait3A_442 : memref<1x16384xi32, #tpu.memory_space<hbm>> -> memref<16384xi32, #tpu.memory_space<hbm>>
    tpu.wait_dma2 semaphore(%arg10 : memref<!tpu.dma_semaphore, #tpu.memory_space<semaphore_mem>>) src(%dma_wait3A_443 : memref<16384xi32, #tpu.memory_space<hbm>>) dst(%dma_wait3A_440 : memref<16384xi32, #tpu.memory_space<vmem>>)
    %parallel_loop3A_444 = arith.constant 0 : i32
    %parallel_loop3A_445 = arith.constant 1024 : i32
    %parallel_loop3A_446 = arith.constant 1 : i32
    scf.for %parallel_loop3A_477 = %parallel_loop3A_444 to %parallel_loop3A_445 step %parallel_loop3A_446  : i32 {
      %parallel_loop3A_478 = arith.constant 16 : i32
      %parallel_loop3A_479 = arith.muli %parallel_loop3A_477, %parallel_loop3A_478 : i32
      %parallel_loop3A_480 = arith.constant 1 : i32
      %parallel_loop3A_481 = arith.index_cast %parallel_loop3A_480 : i32 to index
      %parallel_loop3A_482 = arith.index_cast %parallel_loop3A_479 : i32 to index
      %parallel_loop3A_483 = tpu.vector_load %arg5[%parallel_loop3A_481, %parallel_loop3A_482] {strides = array<i32>} : memref<2x16384xf32, #tpu.memory_space<vmem>>, vector<16xf32>,
      %parallel_loop3A_484 = arith.constant 16 : i32
      %parallel_loop3A_485 = arith.muli %parallel_loop3A_477, %parallel_loop3A_484 : i32
      %parallel_loop3A_486 = arith.constant 1 : i32
      %parallel_loop3A_487 = arith.index_cast %parallel_loop3A_486 : i32 to index
      %parallel_loop3A_488 = arith.index_cast %parallel_loop3A_485 : i32 to index
      %parallel_loop3A_489 = tpu.vector_load %arg6[%parallel_loop3A_487, %parallel_loop3A_488] {strides = array<i32>} : memref<2x16384xi32, #tpu.memory_space<vmem>>, vector<16xi32>,
      %parallel_loop3A_490 = arith.sitofp %parallel_loop3A_489 : vector<16xi32> to vector<16xf32>
      %parallel_loop3A_491 = arith.mulf %parallel_loop3A_483, %parallel_loop3A_490 : vector<16xf32>
      %parallel_loop3A_492 = arith.constant 1.000000e+00 : f32
      %parallel_loop3A_493 = vector.broadcast %parallel_loop3A_492 : f32 to vector<16xf32>
      %parallel_loop3A_494 = arith.addf %parallel_loop3A_493, %parallel_loop3A_483 : vector<16xf32>
      %parallel_loop3A_495 = arith.constant 2.000000e+00 : f32
      %parallel_loop3A_496 = vector.broadcast %parallel_loop3A_495 : f32 to vector<16xf32>
      %parallel_loop3A_497 = arith.mulf %parallel_loop3A_496, %parallel_loop3A_491 : vector<16xf32>
      %parallel_loop3A_498 = arith.subf %parallel_loop3A_494, %parallel_loop3A_497 : vector<16xf32>
      %parallel_loop3A_499 = arith.constant 1.280000e+02 : f32
      %parallel_loop3A_500 = vector.broadcast %parallel_loop3A_499 : f32 to vector<16xf32>
      %parallel_loop3A_501 = arith.mulf %parallel_loop3A_498, %parallel_loop3A_500 : vector<16xf32>
      %parallel_loop3A_502 = arith.constant 1.000000e+00 : f32
      %parallel_loop3A_503 = vector.broadcast %parallel_loop3A_502 : f32 to vector<16xf32>
      %parallel_loop3A_504 = arith.addf %parallel_loop3A_501, %parallel_loop3A_503 : vector<16xf32>
      %parallel_loop3A_505 = arith.constant 1.024000e+03 : f32
      %parallel_loop3A_506 = vector.broadcast %parallel_loop3A_505 : f32 to vector<16xf32>
      %parallel_loop3A_507 = arith.minimumf %parallel_loop3A_504, %parallel_loop3A_506 : vector<16xf32>
      %parallel_loop3A_508 = arith.constant 0.000000e+00 : f32
      %parallel_loop3A_509 = vector.broadcast %parallel_loop3A_508 : f32 to vector<16xf32>
      %parallel_loop3A_510 = arith.maximumf %parallel_loop3A_507, %parallel_loop3A_509 : vector<16xf32>
      %parallel_loop3A_511 = arith.fptosi %parallel_loop3A_510 : vector<16xf32> to vector<16xi32>
      %parallel_loop3A_512 = arith.addi %parallel_loop3A_511, %parallel_loop3A_511 : vector<16xi32>
      %parallel_loop3A_513 = arith.constant 2048 : i32
      %parallel_loop3A_514 = vector.broadcast %parallel_loop3A_513 : i32 to vector<16xi32>
      %parallel_loop3A_515 = arith.subi %parallel_loop3A_514, %parallel_loop3A_512 : vector<16xi32>
      %parallel_loop3A_516 = arith.addi %parallel_loop3A_515, %parallel_loop3A_489 : vector<16xi32>
      tpu.vector_store_idx %arg7[%parallel_loop3A_516], %broadcast_in_dim3A_6 {add = true} : memref<2064xf32, #tpu.memory_space<vmem>>[vector<16xi32>], vector<16xf32>,
    } {sc.loop_unroll_factor = 8 : i64, sc.parallel_access}
    %and3A = arith.constant 1 : i32
    %and3A_447 = vector.broadcast %and3A : i32 to vector<16xi32>
    %and3A_448 = arith.andi %iota3A, %and3A_447 : vector<16xi32>
    %convert_element_type3A_449 = arith.sitofp %and3A_448 : vector<16xi32> to vector<16xf32>
    %parallel_loop3A_450 = arith.constant 0 : i32
    %parallel_loop3A_451 = arith.constant 129 : i32
    %parallel_loop3A_452 = arith.constant 1 : i32
    %parallel_loop3A_453 = scf.for %parallel_loop3A_477 = %parallel_loop3A_450 to %parallel_loop3A_451 step %parallel_loop3A_452 iter_args(%parallel_loop3A_478 = %broadcast_in_dim3A_4) -> (vector<16xf32>)  : i32 {
      %parallel_loop3A_479 = arith.constant 16 : i32
      %parallel_loop3A_480 = arith.muli %parallel_loop3A_477, %parallel_loop3A_479 : i32
      %parallel_loop3A_481 = arith.index_cast %parallel_loop3A_480 : i32 to index
      %parallel_loop3A_482 = tpu.vector_load %arg7[%parallel_loop3A_481] {strides = array<i32>} : memref<2064xf32, #tpu.memory_space<vmem>>, vector<16xf32>,
      %parallel_loop3A_483 = arith.mulf %parallel_loop3A_482, %convert_element_type3A_449 : vector<16xf32>
      %parallel_loop3A_484 = arith.addf %parallel_loop3A_478, %parallel_loop3A_483 : vector<16xf32>
      scf.yield %parallel_loop3A_484 : vector<16xf32>
    } {sc.loop_unroll_factor = 4 : i64, sc.parallel_access}
    %reduce_sum3A = arith.constant true
    %reduce_sum3A_454 = vector.broadcast %reduce_sum3A : i1 to vector<16xi1>
    %reduce_sum3A_455 = tpu.scan <sum>, %parallel_loop3A_453 masked %reduce_sum3A_454 : vector<16xf32>, vector<16xi1> -> vector<16xf32>
    %reduce_sum3A_456 = vector.extract %reduce_sum3A_455[15] : f32 from vector<16xf32>
    %sub3A = arith.constant 1.310720e+05 : f32
    %sub3A_457 = arith.subf %sub3A, %reduce_sum3A_456 : f32
    %scan3A = arith.constant 0.000000e+00 : f32
    %scan3A_458 = arith.constant 0.000000e+00 : f32
    %scan3A_459 = arith.constant 0 : i32
    %scan3A_460 = arith.constant 64 : i32
    %scan3A_461 = arith.addi %scan3A_459, %scan3A_460 : i32
    %scan3A_462 = arith.constant 1 : i32
    %scan3A_463:3 = scf.for %scan3A_477 = %scan3A_459 to %scan3A_461 step %scan3A_462 iter_args(%scan3A_478 = %scan3A, %scan3A_479 = %scan3A_458, %scan3A_480 = %broadcast_in_dim3A_4) -> (f32, f32, vector<16xf32>)  : i32 {
      %mul3A_481 = arith.constant 16 : i32
      %mul3A_482 = arith.muli %scan3A_477, %mul3A_481 : i32
      %mul3A_483 = arith.constant 2 : i32
      %mul3A_484 = arith.muli %mul3A_483, %mul3A_482 : i32
      %mul3A_485 = arith.constant 2 : i32
      %mul3A_486 = vector.broadcast %mul3A_485 : i32 to vector<16xi32>
      %mul3A_487 = arith.muli %mul3A_486, %iota3A : vector<16xi32>
      %add3A_488 = vector.broadcast %mul3A_484 : i32 to vector<16xi32>
      %add3A_489 = arith.addi %add3A_488, %mul3A_487 : vector<16xi32>
      %gather3A = tpu.vector_load_idx %arg7[%add3A_489] : memref<2064xf32, #tpu.memory_space<vmem>>[vector<16xi32>], vector<16xf32>,
      %add3A_490 = arith.constant 1 : i32
      %add3A_491 = vector.broadcast %add3A_490 : i32 to vector<16xi32>
      %add3A_492 = arith.addi %add3A_489, %add3A_491 : vector<16xi32>
      %gather3A_493 = tpu.vector_load_idx %arg7[%add3A_492] : memref<2064xf32, #tpu.memory_space<vmem>>[vector<16xi32>], vector<16xf32>,
      %broadcast_in_dim3A_494 = arith.constant true
      %broadcast_in_dim3A_495 = vector.broadcast %broadcast_in_dim3A_494 : i1 to vector<16xi1>
      %masked_cumsum3A = tpu.scan <sum>, %gather3A_493 masked %broadcast_in_dim3A_495 : vector<16xf32>, vector<16xi1> -> vector<16xf32>
      %add3A_496 = vector.broadcast %scan3A_478 : f32 to vector<16xf32>
      %add3A_497 = arith.addf %masked_cumsum3A, %add3A_496 : vector<16xf32>
      %broadcast_in_dim3A_498 = arith.constant true
      %broadcast_in_dim3A_499 = vector.broadcast %broadcast_in_dim3A_498 : i1 to vector<16xi1>
      %masked_cumsum3A_500 = tpu.scan <sum>, %gather3A masked %broadcast_in_dim3A_499 : vector<16xf32>, vector<16xi1> -> vector<16xf32>
      %add3A_501 = vector.broadcast %scan3A_479 : f32 to vector<16xf32>
      %add3A_502 = arith.addf %masked_cumsum3A_500, %add3A_501 : vector<16xf32>
      %sub3A_503 = arith.subf %add3A_497, %gather3A_493 : vector<16xf32>
      %sub3A_504 = arith.subf %add3A_502, %gather3A : vector<16xf32>
      %add3A_505 = vector.broadcast %reduce_sum3A_456 : f32 to vector<16xf32>
      %add3A_506 = arith.addf %add3A_505, %sub3A_504 : vector<16xf32>
      %add3A_507 = vector.broadcast %reduce_sum3A_456 : f32 to vector<16xf32>
      %add3A_508 = arith.addf %add3A_507, %sub3A_504 : vector<16xf32>
      %add3A_509 = arith.addf %add3A_508, %gather3A : vector<16xf32>
      %mul3A_510 = arith.mulf %add3A_506, %add3A_509 : vector<16xf32>
      %max3A = arith.constant 1.000000e+00 : f32
      %max3A_511 = vector.broadcast %max3A : f32 to vector<16xf32>
      %max3A_512 = arith.maximumf %mul3A_510, %max3A_511 : vector<16xf32>
      %sub3A_513 = vector.broadcast %reduce_sum3A_456 : f32 to vector<16xf32>
      %sub3A_514 = arith.subf %sub3A_513, %sub3A_503 : vector<16xf32>
      %mul3A_515 = arith.mulf %sub3A_514, %gather3A : vector<16xf32>
      %add3A_516 = vector.broadcast %reduce_sum3A_456 : f32 to vector<16xf32>
      %add3A_517 = arith.addf %add3A_516, %sub3A_504 : vector<16xf32>
      %mul3A_518 = arith.mulf %gather3A_493, %add3A_517 : vector<16xf32>
      %add3A_519 = arith.addf %mul3A_515, %mul3A_518 : vector<16xf32>
      %div3A = arith.divf %add3A_519, %max3A_512 : vector<16xf32>
      %add3A_520 = vector.broadcast %sub3A_457 : f32 to vector<16xf32>
      %add3A_521 = arith.addf %add3A_520, %sub3A_503 : vector<16xf32>
      %add3A_522 = vector.broadcast %sub3A_457 : f32 to vector<16xf32>
      %add3A_523 = arith.addf %add3A_522, %sub3A_503 : vector<16xf32>
      %add3A_524 = arith.addf %add3A_523, %gather3A_493 : vector<16xf32>
      %mul3A_525 = arith.mulf %add3A_521, %add3A_524 : vector<16xf32>
      %max3A_526 = arith.constant 1.000000e+00 : f32
      %max3A_527 = vector.broadcast %max3A_526 : f32 to vector<16xf32>
      %max3A_528 = arith.maximumf %mul3A_525, %max3A_527 : vector<16xf32>
      %sub3A_529 = vector.broadcast %sub3A_457 : f32 to vector<16xf32>
      %sub3A_530 = arith.subf %sub3A_529, %sub3A_504 : vector<16xf32>
      %mul3A_531 = arith.mulf %sub3A_530, %gather3A_493 : vector<16xf32>
      %add3A_532 = vector.broadcast %sub3A_457 : f32 to vector<16xf32>
      %add3A_533 = arith.addf %add3A_532, %sub3A_503 : vector<16xf32>
      %mul3A_534 = arith.mulf %gather3A, %add3A_533 : vector<16xf32>
      %add3A_535 = arith.addf %mul3A_531, %mul3A_534 : vector<16xf32>
      %div3A_536 = arith.divf %add3A_535, %max3A_528 : vector<16xf32>
      %mul3A_537 = arith.constant 16 : i32
      %mul3A_538 = arith.muli %scan3A_477, %mul3A_537 : i32
      %add3A_539 = vector.broadcast %mul3A_538 : i32 to vector<16xi32>
      %add3A_540 = arith.addi %add3A_539, %iota3A : vector<16xi32>
      %convert_element_type3A_541 = arith.sitofp %add3A_540 : vector<16xi32> to vector<16xf32>
      %mul3A_542 = arith.constant 7.812500e-03 : f32
      %mul3A_543 = vector.broadcast %mul3A_542 : f32 to vector<16xf32>
      %mul3A_544 = arith.mulf %convert_element_type3A_541, %mul3A_543 : vector<16xf32>
      %sub3A_545 = arith.constant 7.99609375 : f32
      %sub3A_546 = vector.broadcast %sub3A_545 : f32 to vector<16xf32>
      %sub3A_547 = arith.subf %sub3A_546, %mul3A_544 : vector<16xf32>
      %add3A_548 = arith.addf %div3A, %div3A_536 : vector<16xf32>
      %mul3A_549 = arith.mulf %sub3A_547, %add3A_548 : vector<16xf32>
      %add3A_550 = arith.addf %scan3A_480, %mul3A_549 : vector<16xf32>
      %reduce_sum3A_551 = arith.constant true
      %reduce_sum3A_552 = vector.broadcast %reduce_sum3A_551 : i1 to vector<16xi1>
      %reduce_sum3A_553 = tpu.scan <sum>, %gather3A_493 masked %reduce_sum3A_552 : vector<16xf32>, vector<16xi1> -> vector<16xf32>
      %reduce_sum3A_554 = vector.extract %reduce_sum3A_553[15] : f32 from vector<16xf32>
      %add3A_555 = arith.addf %scan3A_478, %reduce_sum3A_554 : f32
      %reduce_sum3A_556 = arith.constant true
      %reduce_sum3A_557 = vector.broadcast %reduce_sum3A_556 : i1 to vector<16xi1>
      %reduce_sum3A_558 = tpu.scan <sum>, %gather3A masked %reduce_sum3A_557 : vector<16xf32>, vector<16xi1> -> vector<16xf32>
      %reduce_sum3A_559 = vector.extract %reduce_sum3A_558[15] : f32 from vector<16xf32>
      %add3A_560 = arith.addf %scan3A_479, %reduce_sum3A_559 : f32
      scf.yield %add3A_555, %add3A_560, %add3A_550 : f32, f32, vector<16xf32>
    }
    %scan3A_464 = arith.constant 64 : i32
    %reduce_sum3A_465 = arith.constant true
    %reduce_sum3A_466 = vector.broadcast %reduce_sum3A_465 : i1 to vector<16xi1>
    %reduce_sum3A_467 = tpu.scan <sum>, %scan3A_463#2 masked %reduce_sum3A_466 : vector<16xf32>, vector<16xi1> -> vector<16xf32>
    %reduce_sum3A_468 = vector.extract %reduce_sum3A_467[15] : f32 from vector<16xf32>
    %mul3A_469 = arith.mulf %reduce_sum3A_468, %convert_element_type3A_3 : f32
    %mul3A_470 = arith.constant 0.0178571437 : f32
    %mul3A_471 = arith.mulf %mul3A_469, %mul3A_470 : f32
    %eq3A = arith.constant 0 : i32
    %eq3A_472 = vector.broadcast %eq3A : i32 to vector<16xi32>
    %eq3A_473 = arith.cmpi eq, %iota3A, %eq3A_472 : vector<16xi32>
    %jit3A = arith.constant 0.000000e+00 : f32
    %broadcast_in_dim3A_474 = vector.broadcast %mul3A_471 : f32 to vector<16xf32>
    %broadcast_in_dim3A_475 = vector.broadcast %jit3A : f32 to vector<16xf32>
    %select_n3A = arith.select %eq3A_473, %broadcast_in_dim3A_474, %broadcast_in_dim3A_475 : vector<16xi1>, vector<16xf32>
    %swap3A = arith.constant 0 : index
    %swap3A_476 = tpu.vector_load %arg8[%swap3A] {strides = array<i32>} : memref<16xf32, #tpu.memory_space<vmem>>, vector<16xf32>,
    tpu.vector_store %arg8[%swap3A], %select_n3A {strides = array<i32>} : memref<16xf32, #tpu.memory_space<vmem>>, vector<16xf32>,
    "tpu.region"() ({
      %run_scoped3A = tpu.sem_alloc : memref<!tpu.dma_semaphore, #tpu.memory_space<semaphore_mem>>
      %dma_start3A_477 = arith.constant 0 : i32
      %dma_start3A_478 = tpu.memref_slice %arg4[%add3A, %dma_start3A_477] : memref<32x16xf32, #tpu.memory_space<hbm>> -> memref<1x16xf32, #tpu.memory_space<hbm>>
      %dma_start3A_479 = tpu.memref_squeeze %dma_start3A_478 : memref<1x16xf32, #tpu.memory_space<hbm>> -> memref<16xf32, #tpu.memory_space<hbm>>
      %dma_start3A_480 = arith.constant 0 : i32
      %dma_start3A_481 = tpu.memref_slice %arg4[%add3A, %dma_start3A_480] : memref<32x16xf32, #tpu.memory_space<hbm>> -> memref<1x16xf32, #tpu.memory_space<hbm>>
      %dma_start3A_482 = tpu.memref_squeeze %dma_start3A_481 : memref<1x16xf32, #tpu.memory_space<hbm>> -> memref<16xf32, #tpu.memory_space<hbm>>
      tpu.enqueue_dma source(%arg8 : memref<16xf32, #tpu.memory_space<vmem>>) target(%dma_start3A_482 : memref<16xf32, #tpu.memory_space<hbm>>) target_semaphore(%run_scoped3A : memref<!tpu.dma_semaphore, #tpu.memory_space<semaphore_mem>>)
      %dma_wait3A_483 = arith.constant 0 : i32
      %dma_wait3A_484 = tpu.memref_slice %arg4[%add3A, %dma_wait3A_483] : memref<32x16xf32, #tpu.memory_space<hbm>> -> memref<1x16xf32, #tpu.memory_space<hbm>>
      %dma_wait3A_485 = tpu.memref_squeeze %dma_wait3A_484 : memref<1x16xf32, #tpu.memory_space<hbm>> -> memref<16xf32, #tpu.memory_space<hbm>>
      %dma_wait3A_486 = arith.constant 0 : i32
      %dma_wait3A_487 = tpu.memref_slice %arg4[%add3A, %dma_wait3A_486] : memref<32x16xf32, #tpu.memory_space<hbm>> -> memref<1x16xf32, #tpu.memory_space<hbm>>
      %dma_wait3A_488 = tpu.memref_squeeze %dma_wait3A_487 : memref<1x16xf32, #tpu.memory_space<hbm>> -> memref<16xf32, #tpu.memory_space<hbm>>
      tpu.wait_dma2 semaphore(%run_scoped3A : memref<!tpu.dma_semaphore, #tpu.memory_space<semaphore_mem>>) src(%arg8 : memref<16xf32, #tpu.memory_space<vmem>>) dst(%dma_wait3A_488 : memref<16xf32, #tpu.memory_space<hbm>>)
      tpu.yield
    }) : () -> ()
    return
  }
}

</mosaic_0001>

<sc_bundles>
// kernel: kernel.3.cloned.1.call-start
scs
__scs_entry_jumppad:
0x0: {  	(pc) =	sbr.rel $0x88, $3  }
0x1: {  	(tag) =	ssettag $0x0;
	lr =	simm.s32 $0x1  }
0x2: {  	[smem:$0x3F9F] =	sst lr;
	_ =	strace $0xD0000000  }
0x3: {  	_ = 	snop  }
0x4: {  	_ = 	snop  }
0x5: {  	_ = 	snop  }
0x6: {  	_ = 	snop  }
0x7: {  	_ = 	snop  }
__scs_overlays_trampoline_lowered:
0x8: {  	[smem:$0x3FAE] =	sst s0  }
0x9: {  	[smem:$0x3FAF] =	sst s1  }
0xa: {  	[smem:$0x3FB0] =	sst s2  }
0xb: {  	[smem:$0x3FB1] =	sst s3  }
0xc: {  	[smem:$0x3FB2] =	sst s4  }
0xd: {  	[smem:$0x3FB3] =	sst s5  }
0xe: {  	[smem:$0x3FB4] =	sst s6  }
0xf: {  	[smem:$0x3FB5] =	sst s7  }
0x10: {  	[smem:$0x3FB6] =	sst s8  }
0x11: {  	[smem:$0x3FB7] =	sst s9;
	s0 =	simm.s32 @!p0 $0x0  }
0x12: {  	s1 =	sld [smem:$0x3F9D];
	s0 =	simm.s32 @p0 $0x1  }
0x13: {  	[smem:$0x3FB8] =	sst s0;
	s0 =	simm.s32 @!p1 $0x0  }
0x14: {  	s2 =	sld [smem:$0x3F9C];
	s0 =	simm.s32 @p1 $0x1  }
0x15: {  	[smem:$0x3FB9] =	sst s0;
	s0 =	simm.s32 @!p2 $0x0  }
0x16: {  	s3 =	sld [smem:$0x3FDB];
	s0 =	simm.s32 @p2 $0x1  }
0x17: {  	s4 =	simm.s32 $0x1BF5;
	[smem:$0x3FBB] =	sst s0  }
0x18: {  	s0 =	sld [smem:$0x3F9E];
	_ =	swait.ge [sflag:s4], $0x0  }
0x19: {  	s7 =	sld [smem:$0x3F9F]  }
0x1a: {  	s8 =	sadd.s32 $0xFFFFE003, lr  }
0x1b: {  	s9 =	sadd.s32 $0xFFFFFEF7, lr;
	s5 =	simm.s32 $0xFFFFFFFF;
	p2 =	slt.u32 s8, $0xFFFFF086  }
0x1c: {  	p1 =	slt.u32 s9, $0xF7A;
	s5 =	simm.s32 @!p2 $0x0  }
0x1d: {  	s5 =	simm.s32 @p1 $0x1;
	p0 =	seq.s32 s7, s2  }
0x1e: {  	s7 =	smul.u32 @!p0 $0xF7A, s2;
	p2 =	seq.s32 @!p0 s5, $0x0  }
0x1f: {  	s9 =	smul.u32 $0xF7A, s1;
	s8 =	simm.s32 @!p0 $0x1BF5;
	p2 =	por !p2, p0  }
0x20: {  	[sflag:s8] =	ssyncset.s32 @!p0 $0xFFFFF086;
	s6 =	sadd.s32 @!p0 s3, s7;
	s7 =	simm.s32 @!p0 $0x108  }
0x21: {  	s3 =	sadd.s32 s3, s9;
	s6 =	sadd.s32 @!p0 $0x88, s6;
	s7 =	simm.s32 @p2 $0x1082  }
0x22: {  	[simem:s7], [sflag:s8] =	dma.local @!p0 [hbm:s6], $0xF7A  }
0x23: {  	s9 =	sor.u32 $0xD0000000, s2;
	s6 =	simm.s32 $0x108;
	_ =	swait.ge @!p0 [sflag:s8], $0x0  }
0x24: {  	s3 =	sadd.s32 $0x88, s3;
	s6 =	simm.s32 @!p1 $0x1082;
	[sflag:s4] =	ssyncset.s32 $0xFFFFF086  }
0x25: {  	[simem:s6], [sflag:s4] =	dma.local [hbm:s3], $0xF7A  }
0x26: {  	[smem:$0x3F9F] =	sst s1;
	(tag) =	ssettag s2;
	_ =	strace s9  }
0x27: {  	s1 =	sld [smem:$0x3FAF]  }
0x28: {  	s2 =	sld [smem:$0x3FB0]  }
0x29: {  	s4 =	sld [smem:$0x3FB2]  }
0x2a: {  	p0 =	seq.s32 s5, $0x0;
	s5 =	sld [smem:$0x3FB3]  }
0x2b: {  	s6 =	sld [smem:$0x3FB4]  }
0x2c: {  	s7 =	sld [smem:$0x3FB5]  }
0x2d: {  	s3 =	simm.s32 $0x108;
	s8 =	sld [smem:$0x3FB6]  }
0x2e: {  	s3 =	simm.s32 @!p0 $0x1082;
	s9 =	sld [smem:$0x3FB7]  }
0x2f: {  	lr =	sadd.s32 s0, s3;
	s0 =	sld [smem:$0x3FAE]  }
0x30: {  	s3 =	sld [smem:$0x3FB1]  }
0x31: {  	[smem:$0x3FBA] =	sst s10  }
0x32: {  	s10 =	sld [smem:$0x3FB8];
	_ =	sdelay $0x3  }
0x33: {  	p0 =	seq.s32 s10, $0x1;
	s10 =	sld [smem:$0x3FBA];
	_ =	sdelay $0x3  }
0x34: {  	[smem:$0x3FBA] =	sst s10  }
0x35: {  	s10 =	sld [smem:$0x3FB9];
	_ =	sdelay $0x3  }
0x36: {  	p1 =	seq.s32 s10, $0x1;
	s10 =	sld [smem:$0x3FBA];
	_ =	sdelay $0x3  }
0x37: {  	[smem:$0x3FBA] =	sst s10  }
0x38: {  	s10 =	sld [smem:$0x3FBB]  }
0x39: {  	_ = 	snop;
	(pc) =	sbr.ind lr, $3  }
0x3a: {  	_ = 	snop  }
0x3b: {  	_ = 	snop  }
0x3c: {  	p2 =	seq.s32 s10, $0x1;
	s10 =	sld [smem:$0x3FBA]  }
0x3d: {  	_ =	shalt  }
0x3e: {  	_ =	shalt  }
0x3f: {  	_ =	shalt  }
0x40: {  	_ =	shalt  }
0x41: {  	_ =	shalt  }
0x42: {  	_ =	shalt  }
0x43: {  	_ =	shalt  }
0x44: {  	_ =	shalt  }
0x45: {  	_ =	shalt  }
0x46: {  	_ =	shalt  }
0x47: {  	_ =	shalt  }
0x48: {  	_ =	shalt  }
0x49: {  	_ =	shalt  }
0x4a: {  	_ =	shalt  }
0x4b: {  	_ =	shalt  }
0x4c: {  	_ =	shalt  }
0x4d: {  	_ =	shalt  }
0x4e: {  	_ =	shalt  }
0x4f: {  	_ =	shalt  }
0x50: {  	_ =	shalt  }
0x51: {  	_ =	shalt  }
0x52: {  	_ =	shalt  }
0x53: {  	_ =	shalt  }
0x54: {  	_ =	shalt  }
0x55: {  	_ =	shalt  }
0x56: {  	_ =	shalt  }
0x57: {  	_ =	shalt  }
0x58: {  	_ =	shalt  }
0x59: {  	_ =	shalt  }
0x5a: {  	_ =	shalt  }
0x5b: {  	_ =	shalt  }
0x5c: {  	_ =	shalt  }
0x5d: {  	_ =	shalt  }
0x5e: {  	_ =	shalt  }
0x5f: {  	_ =	shalt  }
0x60: {  	_ =	shalt  }
0x61: {  	_ =	shalt  }
0x62: {  	_ =	shalt  }
0x63: {  	_ =	shalt  }
0x64: {  	_ =	shalt  }
0x65: {  	_ =	shalt  }
0x66: {  	_ =	shalt  }
0x67: {  	_ =	shalt  }
0x68: {  	_ =	shalt  }
0x69: {  	_ =	shalt  }
0x6a: {  	_ =	shalt  }
0x6b: {  	_ =	shalt  }
0x6c: {  	_ =	shalt  }
0x6d: {  	_ =	shalt  }
0x6e: {  	_ =	shalt  }
0x6f: {  	_ =	shalt  }
0x70: {  	_ =	shalt  }
0x71: {  	_ =	shalt  }
0x72: {  	_ =	shalt  }
0x73: {  	_ =	shalt  }
0x74: {  	_ =	shalt  }
0x75: {  	_ =	shalt  }
0x76: {  	_ =	shalt  }
0x77: {  	_ =	shalt  }
0x78: {  	_ =	shalt  }
0x79: {  	_ =	shalt  }
0x7a: {  	_ =	shalt  }
0x7b: {  	_ =	shalt  }
0x7c: {  	_ =	shalt  }
0x7d: {  	_ =	shalt  }
0x7e: {  	_ =	shalt  }
0x7f: {  	_ =	shalt  }
0x80: {  	_ =	shalt  }
0x81: {  	_ =	shalt  }
0x82: {  	_ =	shalt  }
0x83: {  	_ =	shalt  }
0x84: {  	_ =	shalt  }
0x85: {  	_ =	shalt  }
0x86: {  	_ =	shalt  }
0x87: {  	_ =	shalt  }
.Lfunc_end0:
.L_simem_size_0:
called_computation_lowered:
.L_overlay_start_0:
0x88: {  	s2 =	sld [smem:$0x3FD9]  }
0x89: {  	s3 =	sld [smem:$0x3FFE];
	_ =	sdelay $0x1  }
0x8a: {  	s1 =	srdreg.scid  }
0x8b: {  	s0 =	sand.u32 $0x1, s1  }
0x8c: {  	s17 =	sshll.u32 s0, $0xA;
	s2 =	sadd.s32 s3, s2  }
0x8d: {  	s2 =	sadd.s32 s2, s17  }
0x8e: {  	[smem:$0x3FC6] =	sst s2  }
0x8f: {  	_ = 	snop  }
0x90: {  	s2 =	sld [smem:$0x3FC9]  }
0x91: {  	s18 =	sld [smem:$0x3FC8];
	(tm) =	ssettm $0x1  }
0x92: {  	s4 =	sld [smem:$0x3FFB];
	_ =	sdelay $0x3  }
0x93: {  	_ =	strace s4  }
0x94: {  	s4 =	sld [smem:$0x3FFC];
	_ =	sdelay $0x3  }
0x95: {  	_ =	strace s4  }
0x96: {  	s4 =	sld [smem:$0x3FFD];
	_ =	sdelay $0x3  }
0x97: {  	_ =	strace s4  }
0x98: {  	_ =	strace $0x8FFFFFFF  }
0x99: {  	s19 =	sld [smem:$0x3FDB];
	_ =	sdelay $0x1  }
0x9a: {  	s5 =	simm.s32 $_scs_section_size  }
0x9b: {  	s6 =	simm.s32 $_size__tile_overlayer_lowered;
	s7 =	simm.s32 $_tile_overlayer_lowered  }
0x9c: {  	s22 =	simm.s32 $0x1BFF;
	s21 =	sshll.u32 s7, $0x1;
	s4 =	sadd.s32 s5, s19  }
0x9d: {  	s8 =	simm.s32 $0x0;
	s20 =	sshll.u32 s6, $0x1;
	s6 =	sadd.s32 s21, s4  }
0x9e: {  	[timem:s8], [sflag:s22] =	dma.local [hbm:s6], s20  }
0x9f: {  	_ =	swait.ge [sflag:s22], s20  }
0xa0: {  	s5 =	ssub.s32 $0x0, s20;
	[sflag:s22] =	ssyncset.done $0x0  }
0xa1: {  	[sflag:s22] =	ssyncadd.s32 s5;
	_ =	sdelay $0x1  }
0xa2: {  	s23 =	simm.s32 $0x1B8B  }
0xa3: {  	_ =	swait.ge [sflag:s23], $0x1  }
0xa4: {  	[sflag:s23] =	ssyncset.done $0x0  }
0xa5: {  	s25 =	simm.s32 $0x1B8E;
	s24 =	sld [smem:$0x3FFE];
	[sflag:s23] =	ssyncadd.s32 $0xFFFFFFFF  }
0xa6: {  	s26 =	simm.s32 $execute0_lowered;
	[smem:$0x3FD2] =	sst s25  }
0xa7: {  	s6 =	sshll.u32 s26, $0x1;
	_ =	strace $0x80000046;
	[dreg:$0x1] =	wrdreg $0xFFFFFFFF  }
0xa8: {  	s28 =	simm.s32 $_size_execute0_lowered;
	s4 =	sadd.s32 s4, s6;
	[dreg:$0x0] =	wrdreg $0x0  }
0xa9: {  	s6 =	sshll.u32 s28, $0x1;
	[dreg:$0x2] =	wrdreg s4  }
0xaa: {  	[dreg:$0x3] =	wrdreg s6  }
0xab: {  	[dreg:$0x4] =	wrdreg $0xC0  }
0xac: {  	_ =	task [dreg:s8], $0x5FFFF  }
0xad: {  	[dreg:$0x1] =	wrdreg $0xFFFFFFFF  }
0xae: {  	[dreg:$0x0] =	wrdreg $0x60  }
0xaf: {  	[dreg:$0x2] =	wrdreg s2  }
0xb0: {  	[dreg:$0x3] =	wrdreg s18  }
0xb1: {  	[dreg:$0x4] =	wrdreg s24  }
0xb2: {  	[dreg:$0x5] =	wrdreg $0x9  }
0xb3: {  	_ =	task.clear_ibuf [dreg:s8], $0x6FFFF;
	_ =	strace $0x90000046  }
0xb4: {  	s29 =	simm.s32 $0x9;
	_ =	strace $0x80000048  }
0xb5: {  	_ =	swait.ge [sflag:s29], $0x1  }
0xb6: {  	[sflag:s29] =	ssyncadd.s32 $0xFFFFFFFF  }
0xb7: {  	_ =	strace $0x90000048  }
0xb8: {  	_ =	sfence  }
0xb9: {  	s30 =	sld [smem:$0x0];
	_ =	sdelay $0x2  }
0xba: {  	s31 =	sshll.u32 s1, $0xD;
	s1 =	sshrl.u32 s1, $0x2  }
0xbb: {  	s3 =	sand.u32 $0x4000, s31;
	s1 =	sadd.s32 s1, s30  }
0xbc: {  	s0 =	sor.u32 s3, s0;
	s1 =	sshll.u32 s1, $0x11  }
0xbd: {  	s0 =	sor.u32 s1, s0  }
0xbe: {  	s0 =	sadd.s32 $0x8F2B, s0  }
0xbf: {  	[sflag:s0] =	ssyncadd.remote.s32 $0x1  }
0xc0: {  	_ =	sfence.sel $0xFFFF  }
0xc1: {  	[dreg:$0x0] =	wrdreg $0xFFFFFFFF;
	(pc) =	sbr.abs _section_cstart, $3  }
0xc2: {  	[dreg:$0x1] =	wrdreg $0xFFFFFFFF  }
0xc3: {  	_ =	task.clear_ibuf [dreg:s8], $0x2FFFF;
	_ =	strace $0x9FFFFFFF  }
0xc4: {  	(tm) =	ssettm $0x7FFFFFFF  }
0xc5: {  	_ =	shalt  }
tec
execute0_lowered:
.L_overlay_start_1:
0x0: {  	(tag) =	ssettag $0x1  }
0x1: {  	s0 =	rddreg [dreg:$0x0]  }
0x2: {  	s1 =	srdreg.scid;
	s19 =	rddreg [dreg:$0x1]  }
0x3: {  	s6 =	stileid.u32;
	s20 =	rddreg [dreg:$0x2];
	s23 =	simm.s32 $0x10000  }
0x4: {  	s24 =	simm.s32 $0x2;
	s26 =	simm.s32 $0x3;
	s28 =	simm.s32 $0x0  }
0x5: {  	s1 =	sand.u32 $0x1, s1;
	s2 =	sshll.u32 s6, $0x1;
	p0 =	slt.u32 s6, $0xE  }
0x6: {  	s21 =	sor.u32 s1, s2;
	s2 =	simm.s32 $0x0;
	s1 =	ssub.s32 $0x2, s1  }
0x7: {  	s3 =	smin.u32 s21, $0x1B;
	[smem:$0x7FF] =	sst s2;
	s30 =	sshrl.u32 s1, $0x1  }
0x8: {  	s31 =	sshll.u32 s21, $0x4;
	s14 =	sshll.u32 s3, $0x11;
	s4 =	sshll.u32 s3, $0x7  }
0x9: {  	_ =	strace $0x80000047;
	s1 =	ssub.s32 s1, s30;
	s3 =	simm.f32 $1.000000000e+00  }
0xa: {  	s20 =	sadd.s32 s20, s31;
	s5 =	sor.u32 s4, s14;
	s16 =	sand.u32 $0x380, s4  }
0xb: {  	s3 =	simm.s32 @!p0 $0x0;
	s5 =	sand.u32 $0x300380, s5;
	s16 =	sor.u32 s14, s16  }
0xc: {  	s21 =	smax.u32 s1, $0x1;
	s15 =	sshrl.u32 s5, $0x3;
	s22 =	sshrl.u32 s16, $0x3  }
0xd: {  	s4 =	sadd.s32 s0, s15;
	s5 =	sadd.s32 s19, s15;
	s7 =	sor.u32 $0x4000, s15  }
0xe: {  	s9 =	sor.u32 $0x8000, s15;
	s11 =	sor.u32 $0xC000, s15;
	s13 =	sor.u32 $0x10000, s15  }
0xf: {  	s17 =	sor.u32 $0x14000, s15;
	s18 =	sor.u32 $0x18000, s15;
	s22 =	sor.u32 $0x1C000, s22  }
0x10: {  	s6 =	sadd.s32 s0, s7;
	s7 =	sadd.s32 s19, s7;
	s8 =	sadd.s32 s0, s9  }
0x11: {  	v0 =	vimm.f32 $0.0e+00;
	v1 =	vimm.f32 $1.000000000e+00;
	s9 =	sadd.s32 s19, s9;
	s10 =	sadd.s32 s0, s11;
	s11 =	sadd.s32 s19, s11  }
0x12: {  	vm0 =	vcmask $0x300;
	vm1 =	vcmask $0xB08;
	vm2 =	vcmask $0x1310;
	s12 =	sadd.s32 s0, s13;
	s13 =	sadd.s32 s19, s13;
	s14 =	sadd.s32 s0, s17  }
0x13: {  	vm3 =	vcmask $0x1B18;
	vm4 =	vcmask $0x2320;
	vm5 =	vcmask $0x2B28;
	s15 =	sadd.s32 s19, s17;
	s16 =	sadd.s32 s0, s18;
	s17 =	sadd.s32 s19, s18  }
0x14: {  	vm6 =	vcmask $0x3330;
	vm7 =	vcmask $0x3B38;
	v2 =	vlaneseq.u32;
	s18 =	sadd.s32 s0, s22;
	s19 =	sadd.s32 s19, s22;
	s22 =	simm.s32 $0x1  }
.LBB2_1:
0x15: {  	s1 =	simm.s32 $0x10040  }
0x16: {  	[tilespmem:s1+$0xFFFFFFC0] =	vst v0  }
0x17: {  	[tilespmem:s1+$0x30] =	vst v0  }
0x18: {  	[tilespmem:s1+$0x20] =	vst v0  }
0x19: {  	[tilespmem:s1+$0x10] =	vst v0  }
0x1a: {  	[tilespmem:s1+$0x0] =	vst v0  }
0x1b: {  	[tilespmem:s1+$0xFFFFFFF0] =	vst v0  }
0x1c: {  	s29 =	simm.s32 $0x0;
	[tilespmem:s1+$0xFFFFFFE0] =	vst v0  }
.LBB2_2:
0x1d: {  	s29 =	sadd.s32 $0x8, s29;
	[tilespmem:s1+$0xFFFFFFD0] =	vst v0;
	s1 =	sadd.s32 $0x80, s1  }
0x1e: {  	[tilespmem:s1+$0xFFFFFFC0] =	vst v0;
	p0 =	slt.u32 s29, $0x78  }
0x1f: {  	[tilespmem:s1+$0x30] =	vst v0  }
.Ltmp0:
0x20: {  	[tilespmem:s1+$0x20] =	vst v0;
	(pc) =	sbr.rel @p0 .LBB2_2-.Ltmp0, $4  }
0x21: {  	[tilespmem:s1+$0x10] =	vst v0  }
0x22: {  	[tilespmem:s1+$0x0] =	vst v0  }
0x23: {  	[tilespmem:s1+$0xFFFFFFF0] =	vst v0  }
0x24: {  	[tilespmem:s1+$0xFFFFFFE0] =	vst v0  }
0x25: {  	[tilespmem:s1+$0xFFFFFFD0] =	vst v0;
	s0 =	simm.s32 $0x0  }
0x26: {  	s1 =	simm.s32 $0x80;
	s30 =	sadd.s32 $0x0, s4;
	s29 =	simm.s32 $0x100;
	[tilespmem:$0x10800] =	vst v0  }
.LBB2_4:
0x27: {  	[tilespmem:s0], [sflag:$0x1] =	stream.linear.gather [hbm4b:s30+s2], $0x80, $0x38;
	[tilespmem:$0x10900] =	vst v63  }
0x28: {  	s30 =	smov.u32 s1;
	s0 =	smov.u32 s29;
	p0 =	sne.s32 s1, $0x3F80  }
.Ltmp1:
0x29: {  	s1 =	sadd.s32 $0x80, s1;
	(pc) =	sbr.rel @p0 .LBB2_4-.Ltmp1, $2  }
0x2a: {  	_ =	sdelay $0x2  }
0x2b: {  	s29 =	sadd.s32 $0x100, s29;
	s30 =	sadd.s32 s30, s4  }
0x2c: {  	[tilespmem:s0], [sflag:$0x1] =	stream.linear.gather [hbm4b:s30+s2], $0x80, $0x38;
	[tilespmem:$0x10900] =	vst v63  }
0x2d: {  	s0 =	simm.s32 $0x8000  }
0x2e: {  	s1 =	simm.s32 $0x80;
	s30 =	sadd.s32 $0x0, s5;
	s29 =	simm.s32 $0x8100  }
.LBB2_6:
0x2f: {  	[tilespmem:s0], [sflag:$0x1] =	stream.linear.gather [hbm4b:s30+s2], $0x80, $0x38;
	[tilespmem:$0x10900] =	vst v63  }
0x30: {  	s30 =	smov.u32 s1;
	s0 =	smov.u32 s29;
	p0 =	sne.s32 s1, $0x3F80  }
.Ltmp2:
0x31: {  	s1 =	sadd.s32 $0x80, s1;
	(pc) =	sbr.rel @p0 .LBB2_6-.Ltmp2, $2  }
0x32: {  	_ =	sdelay $0x2  }
0x33: {  	s29 =	sadd.s32 $0x100, s29;
	s30 =	sadd.s32 s30, s5  }
0x34: {  	[tilespmem:s0], [sflag:$0x1] =	stream.linear.gather [hbm4b:s30+s2], $0x80, $0x38;
	[tilespmem:$0x10900] =	vst v63  }
0x35: {  	s0 =	simm.s32 $0x80  }
0x36: {  	s1 =	simm.s32 $0x80;
	s30 =	sadd.s32 $0x0, s6;
	s29 =	simm.s32 $0x180  }
.LBB2_8:
0x37: {  	[tilespmem:s0], [sflag:$0x2] =	stream.linear.gather [hbm4b:s30+s2], $0x80, $0x38;
	[tilespmem:$0x10900] =	vst v63  }
0x38: {  	s30 =	smov.u32 s1;
	s0 =	smov.u32 s29;
	p0 =	sne.s32 s1, $0x3F80  }
.Ltmp3:
0x39: {  	s1 =	sadd.s32 $0x80, s1;
	(pc) =	sbr.rel @p0 .LBB2_8-.Ltmp3, $2  }
0x3a: {  	_ =	sdelay $0x2  }
0x3b: {  	s29 =	sadd.s32 $0x100, s29;
	s30 =	sadd.s32 s30, s6  }
0x3c: {  	[tilespmem:s0], [sflag:$0x2] =	stream.linear.gather [hbm4b:s30+s2], $0x80, $0x38;
	[tilespmem:$0x10900] =	vst v63  }
0x3d: {  	s0 =	simm.s32 $0x8080  }
0x3e: {  	s1 =	simm.s32 $0x80;
	s30 =	sadd.s32 $0x0, s7;
	s29 =	simm.s32 $0x8180  }
.LBB2_10:
0x3f: {  	[tilespmem:s0], [sflag:$0x2] =	stream.linear.gather [hbm4b:s30+s2], $0x80, $0x38;
	[tilespmem:$0x10900] =	vst v63  }
0x40: {  	s30 =	smov.u32 s1;
	s0 =	smov.u32 s29;
	p0 =	sne.s32 s1, $0x3F80  }
.Ltmp4:
0x41: {  	s1 =	sadd.s32 $0x80, s1;
	(pc) =	sbr.rel @p0 .LBB2_10-.Ltmp4, $2  }
0x42: {  	_ =	sdelay $0x2  }
0x43: {  	s29 =	sadd.s32 $0x100, s29;
	s30 =	sadd.s32 s30, s7  }
0x44: {  	[tilespmem:s0], [sflag:$0x2] =	stream.linear.gather [hbm4b:s30+s2], $0x80, $0x38;
	[tilespmem:$0x10900] =	vst v63  }
0x45: {  	_ =	swait.ge [sflag:s22], $0x4000  }
0x46: {  	[sflag:s22] =	ssyncset.done $0x0  }
0x47: {  	[sflag:s22] =	ssyncadd.s32 $0xFFFFC000  }
0x48: {  	_ =	swait.ge [sflag:s22], $0x4000  }
0x49: {  	[sflag:s22] =	ssyncset.done $0x0  }
0x4a: {  	s25 =	simm.s32 $0x8040;
	[sflag:s22] =	ssyncadd.s32 $0xFFFFC000  }
0x4b: {  	v4 =	vld [tilespmem:s25+$0x30]  }
0x4c: {  	s1 =	simm.s32 $0x40;
	v13 =	vld [tilespmem:s25+$0xFFFFFFC0]  }
0x4d: {  	v3 =	vld [tilespmem:s1+$0x30]  }
0x4e: {  	v14 =	vld [tilespmem:s25+$0xFFFFFFD0]  }
0x4f: {  	v15 =	vld [tilespmem:s25+$0xFFFFFFE0]  }
0x50: {  	v10 =	vld [tilespmem:s25+$0xFFFFFFF0]  }
0x51: {  	v6 =	vld [tilespmem:s1+$0xFFFFFFD0]  }
0x52: {  	v7 =	vld [tilespmem:s1+$0xFFFFFFE0]  }
0x53: {  	v9 =	vld [tilespmem:s1+$0xFFFFFFF0]  }
0x54: {  	v23 =	vld [tilespmem:s1+$0xFFFFFFC0];
	v5 =	vcvt.s32.f32 v4  }
0x55: {  	v16 =	vld [tilespmem:s25+$0x0];
	v8 =	vcvt.s32.f32 v13;
	v17 =	vcvt.s32.f32 v14  }
0x56: {  	v11 =	vld [tilespmem:s25+$0x10];
	v18 =	vcvt.s32.f32 v15;
	v19 =	vcvt.s32.f32 v10  }
0x57: {  	v12 =	vld [tilespmem:s25+$0x20];
	v5 =	vmul.f32 v5, v3;
	v3 =	vadd.f32 $1.000000000e+00, v3;
	v17 =	vmul.f32 v17, v6  }
0x58: {  	v21 =	vld [tilespmem:s1+$0x10];
	v6 =	vadd.f32 $1.000000000e+00, v6;
	v18 =	vmul.f32 v18, v7;
	v7 =	vadd.f32 $1.000000000e+00, v7  }
0x59: {  	v25 =	vld [tilespmem:s1+$0x20];
	v19 =	vmul.f32 v19, v9;
	v9 =	vadd.f32 $1.000000000e+00, v9;
	v8 =	vmul.f32 v8, v23  }
0x5a: {  	v20 =	vcvt.s32.f32 v16;
	v23 =	vadd.f32 $1.000000000e+00, v23;
	v5 =	vadd.f32 v5, v5  }
0x5b: {  	v22 =	vcvt.s32.f32 v11;
	v17 =	vadd.f32 v17, v17;
	v8 =	vadd.f32 v8, v8  }
0x5c: {  	v24 =	vcvt.s32.f32 v12;
	v18 =	vadd.f32 v18, v18;
	v19 =	vadd.f32 v19, v19  }
0x5d: {  	v22 =	vmul.f32 v22, v21;
	v3 =	vsub.f32 v3, v5;
	v5 =	vld [tilespmem:s1+$0x0];
	v8 =	vsub.f32 v23, v8  }
0x5e: {  	v24 =	vmul.f32 v24, v25;
	v6 =	vsub.f32 v6, v17;
	v7 =	vsub.f32 v7, v18  }
0x5f: {  	v9 =	vsub.f32 v9, v19;
	v3 =	vmul.f32 $1.280000000e+02, v3;
	v8 =	vmul.f32 $1.280000000e+02, v8  }
0x60: {  	v6 =	vmul.f32 $1.280000000e+02, v6;
	v7 =	vmul.f32 $1.280000000e+02, v7  }
0x61: {  	v9 =	vmul.f32 $1.280000000e+02, v9;
	v3 =	vadd.f32 $1.000000000e+00, v3;
	v8 =	vadd.f32 $1.000000000e+00, v8  }
0x62: {  	v6 =	vadd.f32 $1.000000000e+00, v6;
	v7 =	vadd.f32 $1.000000000e+00, v7;
	v20 =	vmul.f32 v20, v5  }
0x63: {  	v9 =	vadd.f32 $1.000000000e+00, v9;
	v3 =	vclamp.gez.f32 v3, $1.024000000e+03;
	v8 =	vclamp.gez.f32 v8, $1.024000000e+03  }
0x64: {  	s29 =	simm.s32 $0x140;
	v22 =	vadd.f32 v22, v22;
	v6 =	vclamp.gez.f32 v6, $1.024000000e+03;
	v7 =	vclamp.gez.f32 v7, $1.024000000e+03  }
0x65: {  	v58 =	vld [tilespmem:s29+$0x20];
	v24 =	vadd.f32 v24, v24;
	v9 =	vclamp.gez.f32 v9, $1.024000000e+03;
	v3 =	vtrunc.f32 v3  }
0x66: {  	v5 =	vadd.f32 $1.000000000e+00, v5;
	v8 =	vtrunc.f32 v8;
	v7 =	vtrunc.f32 v7  }
0x67: {  	s31 =	simm.s32 $0x8140;
	v20 =	vadd.f32 v20, v20;
	v9 =	vtrunc.f32 v9;
	v17 =	vcvt.f32.s32 v3  }
0x68: {  	v3 =	vadd.f32 $1.000000000e+00, v21;
	v21 =	vadd.f32 $1.000000000e+00, v25;
	v23 =	vcvt.f32.s32 v7;
	v7 =	vld [tilespmem:s31+$0xFFFFFFF0]  }
0x69: {  	v8 =	vcvt.f32.s32 v8;
	v5 =	vsub.f32 v5, v20;
	v20 =	vtrunc.f32 v6;
	v6 =	vld [tilespmem:s31+$0xFFFFFFD0]  }
0x6a: {  	v60 =	vadd.f32 $1.000000000e+00, v58;
	v9 =	vcvt.f32.s32 v9;
	v18 =	vsub.f32 v21, v24;
	v21 =	vld [tilespmem:s31+$0x30]  }
0x6b: {  	v3 =	vsub.f32 v3, v22;
	v17 =	vshll.u32 v17, $0x1;
	v53 =	vshll.u32 v8, $0x1;
	v8 =	vld [tilespmem:s31+$0x0]  }
0x6c: {  	v20 =	vcvt.f32.s32 v20;
	v28 =	vshll.u32 v9, $0x1;
	v9 =	vld [tilespmem:s31+$0x20];
	v5 =	vmul.f32 $1.280000000e+02, v5  }
0x6d: {  	v23 =	vshll.u32 v23, $0x1;
	v17 =	vsub.s32 v4, v17;
	v3 =	vmul.f32 $1.280000000e+02, v3  }
0x6e: {  	v4 =	vld [tilespmem:s31+$0xFFFFFFE0];
	v13 =	vsub.s32 v13, v53;
	v18 =	vmul.f32 $1.280000000e+02, v18;
	v5 =	vadd.f32 $1.000000000e+00, v5  }
0x6f: {  	v33 =	vcvt.s32.f32 v7;
	v3 =	vadd.f32 $1.000000000e+00, v3;
	v29 =	vcvt.s32.f32 v6  }
0x70: {  	v22 =	vld [tilespmem:s29+$0x30];
	v18 =	vadd.f32 $1.000000000e+00, v18;
	v5 =	vclamp.gez.f32 v5, $1.024000000e+03;
	v26 =	vcvt.s32.f32 v21  }
0x71: {  	v15 =	vsub.s32 v15, v23;
	v23 =	vld [tilespmem:s29+$0x0];
	v55 =	vcvt.s32.f32 v8;
	v57 =	vcvt.s32.f32 v9  }
0x72: {  	v32 =	vld [tilespmem:s29+$0xFFFFFFE0];
	v20 =	vshll.u32 v20, $0x1;
	v19 =	vclamp.gez.f32 v3, $1.024000000e+03;
	v18 =	vclamp.gez.f32 v18, $1.024000000e+03  }
0x73: {  	v14 =	vsub.s32 v14, v20;
	v20 =	vld [tilespmem:s29+$0xFFFFFFF0];
	v5 =	vtrunc.f32 v5;
	v31 =	vcvt.s32.f32 v4  }
0x74: {  	v28 =	vsub.s32 v10, v28;
	v19 =	vtrunc.f32 v19;
	v18 =	vtrunc.f32 v18  }
0x75: {  	v59 =	vadd.s32 $0x800, v17;
	v54 =	vcvt.f32.s32 v5;
	v26 =	vmul.f32 v26, v22  }
0x76: {  	v30 =	vld [tilespmem:s29+$0xFFFFFFD0];
	v62 =	vadd.s32 $0x800, v13;
	v24 =	vmul.f32 v55, v23;
	v19 =	vcvt.f32.s32 v19  }
0x77: {  	v22 =	vadd.f32 $1.000000000e+00, v22;
	v18 =	vcvt.f32.s32 v18;
	v31 =	vmul.f32 v31, v32  }
0x78: {  	v5 =	vld [tilespmem:s31+$0x10];
	v32 =	vadd.f32 $1.000000000e+00, v32;
	v33 =	vmul.f32 v33, v20;
	v26 =	vadd.f32 v26, v26  }
0x79: {  	v3 =	vld [tilespmem:s31+$0xFFFFFFC0];
	v20 =	vadd.f32 $1.000000000e+00, v20;
	v25 =	vshll.u32 v54, $0x1;
	v19 =	vshll.u32 v19, $0x1  }
0x7a: {  	v18 =	vshll.u32 v18, $0x1;
	v10 =	vsub.s32 v16, v25;
	v16 =	vld [tilespmem:s29+$0x10];
	v22 =	vsub.f32 v22, v26  }
0x7b: {  	v11 =	vsub.s32 v11, v19;
	v19 =	vmul.f32 v29, v30;
	v12 =	vsub.s32 v12, v18;
	v18 =	vld [tilespmem:s29+$0xFFFFFFC0]  }
0x7c: {  	v24 =	vadd.f32 v24, v24;
	v31 =	vadd.f32 v31, v31;
	v22 =	vmul.f32 $1.280000000e+02, v22  }
0x7d: {  	v30 =	vadd.f32 $1.000000000e+00, v30;
	v56 =	vcvt.s32.f32 v5;
	v19 =	vadd.f32 v19, v19  }
0x7e: {  	v33 =	vadd.f32 v33, v33;
	v27 =	vcvt.s32.f32 v3;
	v22 =	vadd.f32 $1.000000000e+00, v22  }
0x7f: {  	v26 =	vmul.f32 v56, v16;
	v16 =	vadd.f32 $1.000000000e+00, v16;
	v19 =	vsub.f32 v30, v19  }
0x80: {  	v27 =	vmul.f32 v27, v18;
	v18 =	vadd.f32 $1.000000000e+00, v18;
	v22 =	vclamp.gez.f32 v22, $1.024000000e+03  }
0x81: {  	v26 =	vadd.f32 v26, v26;
	v13 =	vmul.f32 $1.280000000e+02, v19;
	v22 =	vtrunc.f32 v22  }
0x82: {  	v19 =	vsub.f32 v20, v33;
	v17 =	vadd.f32 v27, v27;
	v22 =	vcvt.f32.s32 v22  }
0x83: {  	v25 =	vmul.f32 v57, v58;
	v16 =	vsub.f32 v16, v26;
	v13 =	vadd.f32 $1.000000000e+00, v13  }
0x84: {  	v19 =	vmul.f32 $1.280000000e+02, v19;
	v17 =	vsub.f32 v18, v17;
	v22 =	vshll.u32 v22, $0x1  }
0x85: {  	v18 =	vsub.f32 v32, v31;
	v21 =	vsub.s32 v21, v22;
	v22 =	vadd.f32 $1.000000000e+00, v23  }
0x86: {  	v16 =	vmul.f32 $1.280000000e+02, v16;
	v19 =	vadd.f32 $1.000000000e+00, v19;
	v23 =	vadd.f32 v25, v25  }
0x87: {  	v17 =	vmul.f32 $1.280000000e+02, v17;
	v18 =	vmul.f32 $1.280000000e+02, v18;
	v20 =	vsub.f32 v22, v24  }
0x88: {  	v61 =	vadd.s32 $0x800, v21;
	v16 =	vadd.f32 $1.000000000e+00, v16;
	v21 =	vsub.f32 v60, v23  }
0x89: {  	v17 =	vadd.f32 $1.000000000e+00, v17;
	v18 =	vadd.f32 $1.000000000e+00, v18;
	v20 =	vmul.f32 $1.280000000e+02, v20  }
0x8a: {  	v23 =	vclamp.gez.f32 v13, $1.024000000e+03;
	v13 =	vadd.s32 $0x800, v14;
	v21 =	vmul.f32 $1.280000000e+02, v21  }
0x8b: {  	v22 =	vclamp.gez.f32 v17, $1.024000000e+03;
	v17 =	vclamp.gez.f32 v18, $1.024000000e+03;
	v20 =	vadd.f32 $1.000000000e+00, v20  }
0x8c: {  	[tilespmem:v59+s23+$0x0] =	vst.idx.add.f32.msk $0xffff, v1;
	v22 =	vtrunc.f32 v22;
	v63 =	vadd.f32 $1.000000000e+00, v21;
	v21 =	vclamp.gez.f32 v19, $1.024000000e+03  }
0x8d: {  	[tilespmem:v62+s23+$0x0] =	vst.idx.add.f32.msk $0xffff, v1;
	v14 =	vadd.s32 $0x800, v15;
	v19 =	vtrunc.f32 v23;
	v18 =	vclamp.gez.f32 v20, $1.024000000e+03  }
0x8e: {  	s30 =	simm.s32 $0x8;
	s1 =	simm.s32 $0x8240;
	v15 =	vadd.s32 $0x800, v28;
	[tilespmem:v61+s23+$0x0] =	vst.idx.add.f32.msk $0xffff, v1;
	v20 =	vclamp.gez.f32 v16, $1.024000000e+03;
	v16 =	vclamp.gez.f32 v63, $1.024000000e+03  }
.LBB2_12:
0x8f: {  	v23 =	vld [tilespmem:s1+$0x30];
	s30 =	sadd.s32 $0x8, s30;
	v17 =	vtrunc.f32 v17;
	v21 =	vtrunc.f32 v21;
	v24 =	vadd.s32 $0x800, v10  }
0x90: {  	v18 =	vtrunc.f32 v18;
	v20 =	vtrunc.f32 v20;
	s29 =	sadd.s32 $0x100, s29;
	v25 =	vadd.s32 $0x800, v11;
	v10 =	vld [tilespmem:s1+$0xFFFFFFC0];
	p0 =	slt.u32 s30, $0x3F8  }
0x91: {  	v22 =	vcvt.f32.s32 v22;
	v16 =	vtrunc.f32 v16;
	v26 =	vadd.s32 $0x800, v12;
	v11 =	vld [tilespmem:s29+$0x30]  }
0x92: {  	v19 =	vcvt.f32.s32 v19;
	v17 =	vcvt.f32.s32 v17;
	v12 =	vld [tilespmem:s1+$0xFFFFFFD0]  }
0x93: {  	v21 =	vcvt.f32.s32 v21;
	v18 =	vcvt.f32.s32 v18;
	v22 =	vshll.u32 v22, $0x1;
	v27 =	vld [tilespmem:s1+$0xFFFFFFE0]  }
0x94: {  	v20 =	vcvt.f32.s32 v20;
	v19 =	vshll.u32 v19, $0x1;
	v28 =	vld [tilespmem:s1+$0xFFFFFFF0];
	v29 =	vcvt.s32.f32 v23  }
0x95: {  	v16 =	vcvt.f32.s32 v16;
	v17 =	vshll.u32 v17, $0x1;
	v30 =	vcvt.s32.f32 v10;
	v31 =	vld [tilespmem:s1+$0x0]  }
0x96: {  	v21 =	vshll.u32 v21, $0x1;
	v18 =	vshll.u32 v18, $0x1;
	v32 =	vld [tilespmem:s1+$0x10];
	v29 =	vmul.f32 v29, v11  }
0x97: {  	v20 =	vshll.u32 v20, $0x1;
	v16 =	vshll.u32 v16, $0x1;
	v33 =	vcvt.s32.f32 v12;
	v34 =	vld [tilespmem:s1+$0x20]  }
0x98: {  	v11 =	vadd.f32 $1.000000000e+00, v11;
	v35 =	vld [tilespmem:s29+$0xFFFFFFD0];
	v36 =	vcvt.s32.f32 v27;
	v29 =	vadd.f32 v29, v29  }
0x99: {  	v22 =	vsub.s32 v3, v22;
	v19 =	vsub.s32 v6, v19;
	v3 =	vmovc v10;
	v6 =	vmovc v12;
	v37 =	vld [tilespmem:s29+$0xFFFFFFE0];
	v38 =	vcvt.s32.f32 v28  }
0x9a: {  	v39 =	vld [tilespmem:s29+$0xFFFFFFF0];
	v40 =	vcvt.s32.f32 v31;
	v11 =	vsub.f32 v11, v29;
	v29 =	vsub.s32 v4, v17;
	v4 =	vmovc v27  }
0x9b: {  	v41 =	vsub.s32 v7, v21;
	v10 =	vsub.s32 v8, v18;
	v7 =	vmovc v28;
	v8 =	vmovc v31;
	v17 =	vld [tilespmem:s29+$0x0];
	v27 =	vcvt.s32.f32 v32  }
0x9c: {  	v18 =	vld [tilespmem:s29+$0x10];
	v21 =	vcvt.s32.f32 v34;
	v28 =	vmul.f32 $1.280000000e+02, v11;
	v11 =	vsub.s32 v5, v20;
	v5 =	vmovc v32  }
0x9d: {  	v12 =	vsub.s32 v9, v16;
	v9 =	vmovc v34;
	v20 =	vmul.f32 v33, v35;
	v31 =	vadd.f32 $1.000000000e+00, v35;
	v32 =	vld [tilespmem:s29+$0x20]  }
0x9e: {  	v16 =	vld [tilespmem:s29+$0xFFFFFFC0];
	v33 =	vmul.f32 v36, v37;
	v34 =	vadd.f32 $1.000000000e+00, v37;
	v28 =	vadd.f32 $1.000000000e+00, v28  }
0x9f: {  	v20 =	vadd.f32 v20, v20;
	v35 =	vmul.f32 v38, v39;
	v36 =	vadd.f32 $1.000000000e+00, v39;
	[tilespmem:v13+s23+$0x0] =	vst.idx.add.f32.msk $0xffff, v1  }
0xa0: {  	v13 =	vadd.f32 v33, v33;
	v33 =	vmul.f32 v40, v17;
	v28 =	vclamp.gez.f32 v28, $1.024000000e+03;
	[tilespmem:v14+s23+$0x0] =	vst.idx.add.f32.msk $0xffff, v1  }
0xa1: {  	v14 =	vadd.f32 v35, v35;
	v27 =	vmul.f32 v27, v18;
	v28 =	vtrunc.f32 v28;
	[tilespmem:v15+s23+$0x0] =	vst.idx.add.f32.msk $0xffff, v1  }
0xa2: {  	v15 =	vadd.f32 v33, v33;
	v21 =	vmul.f32 v21, v32;
	v28 =	vcvt.f32.s32 v28;
	[tilespmem:v24+s23+$0x0] =	vst.idx.add.f32.msk $0xffff, v1  }
0xa3: {  	v24 =	vmul.f32 v30, v16;
	v16 =	vadd.f32 $1.000000000e+00, v16;
	v27 =	vadd.f32 v27, v27;
	[tilespmem:v25+s23+$0x0] =	vst.idx.add.f32.msk $0xffff, v1  }
0xa4: {  	v17 =	vadd.f32 $1.000000000e+00, v17;
	v21 =	vadd.f32 v21, v21;
	v25 =	vshll.u32 v28, $0x1;
	[tilespmem:v26+s23+$0x0] =	vst.idx.add.f32.msk $0xffff, v1  }
0xa5: {  	v18 =	vadd.f32 $1.000000000e+00, v18;
	v24 =	vadd.f32 v24, v24;
	v23 =	vsub.s32 v23, v25  }
0xa6: {  	v20 =	vsub.f32 v31, v20;
	v25 =	vadd.f32 $1.000000000e+00, v32;
	v23 =	vadd.s32 $0x800, v23  }
0xa7: {  	v22 =	vadd.s32 $0x800, v22;
	v13 =	vsub.f32 v34, v13;
	v16 =	vsub.f32 v16, v24  }
0xa8: {  	v20 =	vmul.f32 $1.280000000e+02, v20;
	v14 =	vsub.f32 v36, v14;
	v15 =	vsub.f32 v17, v15  }
0xa9: {  	v17 =	vsub.f32 v18, v27;
	v18 =	vsub.f32 v25, v21;
	v16 =	vmul.f32 $1.280000000e+02, v16  }
0xaa: {  	v13 =	vmul.f32 $1.280000000e+02, v13;
	v20 =	vadd.f32 $1.000000000e+00, v20;
	v14 =	vmul.f32 $1.280000000e+02, v14  }
0xab: {  	v15 =	vmul.f32 $1.280000000e+02, v15;
	v17 =	vmul.f32 $1.280000000e+02, v17;
	v16 =	vadd.f32 $1.000000000e+00, v16;
	[tilespmem:v23+s23+$0x0] =	vst.idx.add.f32.msk $0xffff, v1  }
0xac: {  	v13 =	vadd.f32 $1.000000000e+00, v13;
	v14 =	vadd.f32 $1.000000000e+00, v14;
	v18 =	vmul.f32 $1.280000000e+02, v18;
	[tilespmem:v22+s23+$0x0] =	vst.idx.add.f32.msk $0xffff, v1  }
.Ltmp5:
0xad: {  	v15 =	vadd.f32 $1.000000000e+00, v15;
	v22 =	vclamp.gez.f32 v16, $1.024000000e+03;
	v16 =	vadd.f32 $1.000000000e+00, v17;
	(pc) =	sbr.rel @p0 .LBB2_12-.Ltmp5, $4  }
0xae: {  	v23 =	vclamp.gez.f32 v20, $1.024000000e+03;
	v24 =	vadd.f32 $1.000000000e+00, v18;
	v17 =	vclamp.gez.f32 v13, $1.024000000e+03  }
0xaf: {  	v21 =	vclamp.gez.f32 v14, $1.024000000e+03;
	v18 =	vclamp.gez.f32 v15, $1.024000000e+03;
	v13 =	vadd.s32 $0x800, v19  }
0xb0: {  	v14 =	vadd.s32 $0x800, v29;
	v20 =	vclamp.gez.f32 v16, $1.024000000e+03;
	v16 =	vclamp.gez.f32 v24, $1.024000000e+03  }
0xb1: {  	s1 =	sadd.s32 $0x100, s1;
	v15 =	vadd.s32 $0x800, v41;
	v19 =	vtrunc.f32 v23;
	v22 =	vtrunc.f32 v22  }
0xb2: {  	v17 =	vtrunc.f32 v17  }
0xb3: {  	v21 =	vtrunc.f32 v21;
	v18 =	vtrunc.f32 v18  }
0xb4: {  	v10 =	vadd.s32 $0x800, v10;
	v20 =	vtrunc.f32 v20;
	v22 =	vcvt.f32.s32 v22  }
0xb5: {  	v11 =	vadd.s32 $0x800, v11;
	v16 =	vtrunc.f32 v16;
	v19 =	vcvt.f32.s32 v19  }
0xb6: {  	v12 =	vadd.s32 $0x800, v12;
	v17 =	vcvt.f32.s32 v17;
	v21 =	vcvt.f32.s32 v21  }
0xb7: {  	v18 =	vcvt.f32.s32 v18;
	v20 =	vcvt.f32.s32 v20;
	v22 =	vshll.u32 v22, $0x1  }
0xb8: {  	[tilespmem:v13+s23+$0x0] =	vst.idx.add.f32.msk $0xffff, v1;
	v58 =	vcvt.f32.s32 v16;
	v19 =	vshll.u32 v19, $0x1;
	v3 =	vsub.s32 v3, v22  }
0xb9: {  	[tilespmem:v14+s23+$0x0] =	vst.idx.add.f32.msk $0xffff, v1;
	v17 =	vshll.u32 v17, $0x1;
	v6 =	vsub.s32 v6, v19;
	v3 =	vadd.s32 $0x800, v3  }
0xba: {  	[tilespmem:v15+s23+$0x0] =	vst.idx.add.f32.msk $0xffff, v1;
	v59 =	vshll.u32 v21, $0x1;
	v4 =	vsub.s32 v4, v17;
	v6 =	vadd.s32 $0x800, v6  }
0xbb: {  	v60 =	vshll.u32 v18, $0x1;
	v7 =	vsub.s32 v7, v59;
	[tilespmem:v10+s23+$0x0] =	vst.idx.add.f32.msk $0xffff, v1;
	v4 =	vadd.s32 $0x800, v4  }
0xbc: {  	v62 =	vshll.u32 v58, $0x1;
	v8 =	vsub.s32 v8, v60;
	[tilespmem:v11+s23+$0x0] =	vst.idx.add.f32.msk $0xffff, v1;
	v7 =	vadd.s32 $0x800, v7  }
0xbd: {  	v61 =	vshll.u32 v20, $0x1;
	v9 =	vsub.s32 v9, v62;
	[tilespmem:v12+s23+$0x0] =	vst.idx.add.f32.msk $0xffff, v1;
	v8 =	vadd.s32 $0x800, v8  }
0xbe: {  	v5 =	vsub.s32 v5, v61;
	v63 =	vadd.s32 $0x800, v9;
	[tilespmem:v3+s23+$0x0] =	vst.idx.add.f32.msk $0xffff, v1  }
0xbf: {  	v3 =	vadd.s32 $0x800, v5;
	[tilespmem:v6+s23+$0x0] =	vst.idx.add.f32.msk $0xffff, v1  }
0xc0: {  	[tilespmem:v4+s23+$0x0] =	vst.idx.add.f32.msk $0xffff, v1  }
0xc1: {  	[tilespmem:v7+s23+$0x0] =	vst.idx.add.f32.msk $0xffff, v1  }
0xc2: {  	[tilespmem:v8+s23+$0x0] =	vst.idx.add.f32.msk $0xffff, v1  }
0xc3: {  	s0 =	simm.s32 $0x0;
	[tilespmem:v63+s23+$0x0] =	vst.idx.add.f32.msk $0xffff, v1  }
0xc4: {  	s1 =	simm.s32 $0x80;
	s30 =	sadd.s32 $0x0, s8;
	s29 =	simm.s32 $0x100;
	[tilespmem:v3+s23+$0x0] =	vst.idx.add.f32.msk $0xffff, v1  }
.LBB2_14:
0xc5: {  	[tilespmem:s0], [sflag:$0x1] =	stream.linear.gather [hbm4b:s30+s2], $0x80, $0x38;
	[tilespmem:$0x10900] =	vst v63  }
0xc6: {  	s30 =	smov.u32 s1;
	s0 =	smov.u32 s29;
	p0 =	sne.s32 s1, $0x3F80  }
.Ltmp6:
0xc7: {  	s1 =	sadd.s32 $0x80, s1;
	(pc) =	sbr.rel @p0 .LBB2_14-.Ltmp6, $2  }
0xc8: {  	_ =	sdelay $0x2  }
0xc9: {  	s29 =	sadd.s32 $0x100, s29;
	s30 =	sadd.s32 s30, s8  }
0xca: {  	[tilespmem:s0], [sflag:$0x1] =	stream.linear.gather [hbm4b:s30+s2], $0x80, $0x38;
	[tilespmem:$0x10900] =	vst v63  }
0xcb: {  	s0 =	simm.s32 $0x8000  }
0xcc: {  	s1 =	simm.s32 $0x80;
	s30 =	sadd.s32 $0x0, s9;
	s29 =	simm.s32 $0x8100  }
.LBB2_16:
0xcd: {  	[tilespmem:s0], [sflag:$0x1] =	stream.linear.gather [hbm4b:s30+s2], $0x80, $0x38;
	[tilespmem:$0x10900] =	vst v63  }
0xce: {  	s30 =	smov.u32 s1;
	s0 =	smov.u32 s29;
	p0 =	sne.s32 s1, $0x3F80  }
.Ltmp7:
0xcf: {  	s1 =	sadd.s32 $0x80, s1;
	(pc) =	sbr.rel @p0 .LBB2_16-.Ltmp7, $2  }
0xd0: {  	_ =	sdelay $0x2  }
0xd1: {  	s29 =	sadd.s32 $0x100, s29;
	s30 =	sadd.s32 s30, s9  }
0xd2: {  	[tilespmem:s0], [sflag:$0x1] =	stream.linear.gather [hbm4b:s30+s2], $0x80, $0x38;
	[tilespmem:$0x10900] =	vst v63  }
0xd3: {  	_ =	swait.ge [sflag:s24], $0x4000  }
0xd4: {  	[sflag:s24] =	ssyncset.done $0x0  }
0xd5: {  	[sflag:s24] =	ssyncadd.s32 $0xFFFFC000  }
0xd6: {  	_ =	swait.ge [sflag:s24], $0x4000  }
0xd7: {  	[sflag:s24] =	ssyncset.done $0x0  }
0xd8: {  	s25 =	simm.s32 $0x80F0;
	[sflag:s24] =	ssyncadd.s32 $0xFFFFC000  }
0xd9: {  	v4 =	vld [tilespmem:s25+$0x0]  }
0xda: {  	s1 =	simm.s32 $0xF0;
	v13 =	vld [tilespmem:s25+$0xFFFFFF90]  }
0xdb: {  	v3 =	vld [tilespmem:s1+$0x0]  }
0xdc: {  	v14 =	vld [tilespmem:s25+$0xFFFFFFA0]  }
0xdd: {  	v15 =	vld [tilespmem:s25+$0xFFFFFFB0]  }
0xde: {  	v10 =	vld [tilespmem:s25+$0xFFFFFFC0]  }
0xdf: {  	v6 =	vld [tilespmem:s1+$0xFFFFFFA0]  }
0xe0: {  	v7 =	vld [tilespmem:s1+$0xFFFFFFB0]  }
0xe1: {  	v9 =	vld [tilespmem:s1+$0xFFFFFFC0]  }
0xe2: {  	v23 =	vld [tilespmem:s1+$0xFFFFFF90];
	v5 =	vcvt.s32.f32 v4  }
0xe3: {  	v16 =	vld [tilespmem:s25+$0xFFFFFFD0];
	v8 =	vcvt.s32.f32 v13;
	v17 =	vcvt.s32.f32 v14  }
0xe4: {  	v11 =	vld [tilespmem:s25+$0xFFFFFFE0];
	v18 =	vcvt.s32.f32 v15;
	v19 =	vcvt.s32.f32 v10  }
0xe5: {  	v12 =	vld [tilespmem:s25+$0xFFFFFFF0];
	v5 =	vmul.f32 v5, v3;
	v3 =	vadd.f32 $1.000000000e+00, v3;
	v17 =	vmul.f32 v17, v6  }
0xe6: {  	v21 =	vld [tilespmem:s1+$0xFFFFFFE0];
	v6 =	vadd.f32 $1.000000000e+00, v6;
	v18 =	vmul.f32 v18, v7;
	v7 =	vadd.f32 $1.000000000e+00, v7  }
0xe7: {  	v25 =	vld [tilespmem:s1+$0xFFFFFFF0];
	v19 =	vmul.f32 v19, v9;
	v9 =	vadd.f32 $1.000000000e+00, v9;
	v8 =	vmul.f32 v8, v23  }
0xe8: {  	v20 =	vcvt.s32.f32 v16;
	v23 =	vadd.f32 $1.000000000e+00, v23;
	v5 =	vadd.f32 v5, v5  }
0xe9: {  	v22 =	vcvt.s32.f32 v11;
	v17 =	vadd.f32 v17, v17;
	v8 =	vadd.f32 v8, v8  }
0xea: {  	v24 =	vcvt.s32.f32 v12;
	v18 =	vadd.f32 v18, v18;
	v19 =	vadd.f32 v19, v19  }
0xeb: {  	v22 =	vmul.f32 v22, v21;
	v3 =	vsub.f32 v3, v5;
	v5 =	vld [tilespmem:s1+$0xFFFFFFD0];
	v8 =	vsub.f32 v23, v8  }
0xec: {  	v24 =	vmul.f32 v24, v25;
	v6 =	vsub.f32 v6, v17;
	v7 =	vsub.f32 v7, v18  }
0xed: {  	v9 =	vsub.f32 v9, v19;
	v3 =	vmul.f32 $1.280000000e+02, v3;
	v8 =	vmul.f32 $1.280000000e+02, v8  }
0xee: {  	v6 =	vmul.f32 $1.280000000e+02, v6;
	v7 =	vmul.f32 $1.280000000e+02, v7  }
0xef: {  	v9 =	vmul.f32 $1.280000000e+02, v9;
	v3 =	vadd.f32 $1.000000000e+00, v3;
	v8 =	vadd.f32 $1.000000000e+00, v8  }
0xf0: {  	v6 =	vadd.f32 $1.000000000e+00, v6;
	v7 =	vadd.f32 $1.000000000e+00, v7;
	v20 =	vmul.f32 v20, v5  }
0xf1: {  	v9 =	vadd.f32 $1.000000000e+00, v9;
	v3 =	vclamp.gez.f32 v3, $1.024000000e+03;
	v8 =	vclamp.gez.f32 v8, $1.024000000e+03  }
0xf2: {  	s29 =	simm.s32 $0x1F0;
	v22 =	vadd.f32 v22, v22;
	v6 =	vclamp.gez.f32 v6, $1.024000000e+03;
	v7 =	vclamp.gez.f32 v7, $1.024000000e+03  }
0xf3: {  	v58 =	vld [tilespmem:s29+$0xFFFFFFF0];
	v24 =	vadd.f32 v24, v24;
	v9 =	vclamp.gez.f32 v9, $1.024000000e+03;
	v3 =	vtrunc.f32 v3  }
0xf4: {  	v5 =	vadd.f32 $1.000000000e+00, v5;
	v8 =	vtrunc.f32 v8;
	v7 =	vtrunc.f32 v7  }
0xf5: {  	s31 =	simm.s32 $0x81F0;
	v20 =	vadd.f32 v20, v20;
	v9 =	vtrunc.f32 v9;
	v17 =	vcvt.f32.s32 v3  }
0xf6: {  	v3 =	vadd.f32 $1.000000000e+00, v21;
	v21 =	vadd.f32 $1.000000000e+00, v25;
	v23 =	vcvt.f32.s32 v7;
	v7 =	vld [tilespmem:s31+$0xFFFFFFC0]  }
0xf7: {  	v8 =	vcvt.f32.s32 v8;
	v5 =	vsub.f32 v5, v20;
	v20 =	vtrunc.f32 v6;
	v6 =	vld [tilespmem:s31+$0xFFFFFFA0]  }
0xf8: {  	v60 =	vadd.f32 $1.000000000e+00, v58;
	v9 =	vcvt.f32.s32 v9;
	v18 =	vsub.f32 v21, v24;
	v21 =	vld [tilespmem:s31+$0x0]  }
0xf9: {  	v3 =	vsub.f32 v3, v22;
	v17 =	vshll.u32 v17, $0x1;
	v53 =	vshll.u32 v8, $0x1;
	v8 =	vld [tilespmem:s31+$0xFFFFFFD0]  }
0xfa: {  	v20 =	vcvt.f32.s32 v20;
	v28 =	vshll.u32 v9, $0x1;
	v9 =	vld [tilespmem:s31+$0xFFFFFFF0];
	v5 =	vmul.f32 $1.280000000e+02, v5  }
0xfb: {  	v23 =	vshll.u32 v23, $0x1;
	v17 =	vsub.s32 v4, v17;
	v3 =	vmul.f32 $1.280000000e+02, v3  }
0xfc: {  	v4 =	vld [tilespmem:s31+$0xFFFFFFB0];
	v13 =	vsub.s32 v13, v53;
	v18 =	vmul.f32 $1.280000000e+02, v18;
	v5 =	vadd.f32 $1.000000000e+00, v5  }
0xfd: {  	v33 =	vcvt.s32.f32 v7;
	v3 =	vadd.f32 $1.000000000e+00, v3;
	v29 =	vcvt.s32.f32 v6  }
0xfe: {  	v22 =	vld [tilespmem:s29+$0x0];
	v18 =	vadd.f32 $1.000000000e+00, v18;
	v5 =	vclamp.gez.f32 v5, $1.024000000e+03;
	v26 =	vcvt.s32.f32 v21  }
0xff: {  	v15 =	vsub.s32 v15, v23;
	v23 =	vld [tilespmem:s29+$0xFFFFFFD0];
	v55 =	vcvt.s32.f32 v8;
	v57 =	vcvt.s32.f32 v9  }
0x100: {  	v32 =	vld [tilespmem:s29+$0xFFFFFFB0];
	v20 =	vshll.u32 v20, $0x1;
	v19 =	vclamp.gez.f32 v3, $1.024000000e+03;
	v18 =	vclamp.gez.f32 v18, $1.024000000e+03  }
0x101: {  	v14 =	vsub.s32 v14, v20;
	v20 =	vld [tilespmem:s29+$0xFFFFFFC0];
	v5 =	vtrunc.f32 v5;
	v31 =	vcvt.s32.f32 v4  }
0x102: {  	v28 =	vsub.s32 v10, v28;
	v19 =	vtrunc.f32 v19;
	v18 =	vtrunc.f32 v18  }
0x103: {  	v59 =	vadd.s32 $0x800, v17;
	v54 =	vcvt.f32.s32 v5;
	v26 =	vmul.f32 v26, v22  }
0x104: {  	v30 =	vld [tilespmem:s29+$0xFFFFFFA0];
	v62 =	vadd.s32 $0x800, v13;
	v24 =	vmul.f32 v55, v23;
	v19 =	vcvt.f32.s32 v19  }
0x105: {  	v22 =	vadd.f32 $1.000000000e+00, v22;
	v18 =	vcvt.f32.s32 v18;
	v31 =	vmul.f32 v31, v32  }
0x106: {  	v5 =	vld [tilespmem:s31+$0xFFFFFFE0];
	v32 =	vadd.f32 $1.000000000e+00, v32;
	v33 =	vmul.f32 v33, v20;
	v26 =	vadd.f32 v26, v26  }
0x107: {  	v3 =	vld [tilespmem:s31+$0xFFFFFF90];
	v20 =	vadd.f32 $1.000000000e+00, v20;
	v25 =	vshll.u32 v54, $0x1;
	v19 =	vshll.u32 v19, $0x1  }
0x108: {  	v18 =	vshll.u32 v18, $0x1;
	v10 =	vsub.s32 v16, v25;
	v16 =	vld [tilespmem:s29+$0xFFFFFFE0];
	v22 =	vsub.f32 v22, v26  }
0x109: {  	v11 =	vsub.s32 v11, v19;
	v19 =	vmul.f32 v29, v30;
	v12 =	vsub.s32 v12, v18;
	v18 =	vld [tilespmem:s29+$0xFFFFFF90]  }
0x10a: {  	v24 =	vadd.f32 v24, v24;
	v31 =	vadd.f32 v31, v31;
	v22 =	vmul.f32 $1.280000000e+02, v22  }
0x10b: {  	v30 =	vadd.f32 $1.000000000e+00, v30;
	v56 =	vcvt.s32.f32 v5;
	v19 =	vadd.f32 v19, v19  }
0x10c: {  	v33 =	vadd.f32 v33, v33;
	v27 =	vcvt.s32.f32 v3;
	v22 =	vadd.f32 $1.000000000e+00, v22  }
0x10d: {  	v26 =	vmul.f32 v56, v16;
	v16 =	vadd.f32 $1.000000000e+00, v16;
	v19 =	vsub.f32 v30, v19  }
0x10e: {  	v27 =	vmul.f32 v27, v18;
	v18 =	vadd.f32 $1.000000000e+00, v18;
	v22 =	vclamp.gez.f32 v22, $1.024000000e+03  }
0x10f: {  	v26 =	vadd.f32 v26, v26;
	v13 =	vmul.f32 $1.280000000e+02, v19;
	v22 =	vtrunc.f32 v22  }
0x110: {  	v19 =	vsub.f32 v20, v33;
	v17 =	vadd.f32 v27, v27;
	v22 =	vcvt.f32.s32 v22  }
0x111: {  	v25 =	vmul.f32 v57, v58;
	v16 =	vsub.f32 v16, v26;
	v13 =	vadd.f32 $1.000000000e+00, v13  }
0x112: {  	v19 =	vmul.f32 $1.280000000e+02, v19;
	v17 =	vsub.f32 v18, v17;
	v22 =	vshll.u32 v22, $0x1  }
0x113: {  	v18 =	vsub.f32 v32, v31;
	v21 =	vsub.s32 v21, v22;
	v22 =	vadd.f32 $1.000000000e+00, v23  }
0x114: {  	v16 =	vmul.f32 $1.280000000e+02, v16;
	v19 =	vadd.f32 $1.000000000e+00, v19;
	v23 =	vadd.f32 v25, v25  }
0x115: {  	v17 =	vmul.f32 $1.280000000e+02, v17;
	v18 =	vmul.f32 $1.280000000e+02, v18;
	v20 =	vsub.f32 v22, v24  }
0x116: {  	v61 =	vadd.s32 $0x800, v21;
	v16 =	vadd.f32 $1.000000000e+00, v16;
	v21 =	vsub.f32 v60, v23  }
0x117: {  	v17 =	vadd.f32 $1.000000000e+00, v17;
	v18 =	vadd.f32 $1.000000000e+00, v18;
	v20 =	vmul.f32 $1.280000000e+02, v20  }
0x118: {  	v23 =	vclamp.gez.f32 v13, $1.024000000e+03;
	v13 =	vadd.s32 $0x800, v14;
	v21 =	vmul.f32 $1.280000000e+02, v21  }
0x119: {  	v22 =	vclamp.gez.f32 v17, $1.024000000e+03;
	v17 =	vclamp.gez.f32 v18, $1.024000000e+03;
	v20 =	vadd.f32 $1.000000000e+00, v20  }
0x11a: {  	[tilespmem:v59+s23+$0x0] =	vst.idx.add.f32.msk $0xffff, v1;
	v22 =	vtrunc.f32 v22;
	v63 =	vadd.f32 $1.000000000e+00, v21;
	v21 =	vclamp.gez.f32 v19, $1.024000000e+03  }
0x11b: {  	[tilespmem:v62+s23+$0x0] =	vst.idx.add.f32.msk $0xffff, v1;
	v14 =	vadd.s32 $0x800, v15;
	v19 =	vtrunc.f32 v23;
	v18 =	vclamp.gez.f32 v20, $1.024000000e+03  }
0x11c: {  	s30 =	simm.s32 $0x8;
	s1 =	simm.s32 $0x82F0;
	v15 =	vadd.s32 $0x800, v28;
	[tilespmem:v61+s23+$0x0] =	vst.idx.add.f32.msk $0xffff, v1;
	v20 =	vclamp.gez.f32 v16, $1.024000000e+03;
	v16 =	vclamp.gez.f32 v63, $1.024000000e+03  }
.LBB2_18:
0x11d: {  	v23 =	vld [tilespmem:s1+$0x0];
	s30 =	sadd.s32 $0x8, s30;
	v17 =	vtrunc.f32 v17;
	v21 =	vtrunc.f32 v21;
	v24 =	vadd.s32 $0x800, v10  }
0x11e: {  	v18 =	vtrunc.f32 v18;
	v20 =	vtrunc.f32 v20;
	s29 =	sadd.s32 $0x100, s29;
	v25 =	vadd.s32 $0x800, v11;
	v10 =	vld [tilespmem:s1+$0xFFFFFF90];
	p0 =	slt.u32 s30, $0x3F8  }
0x11f: {  	v22 =	vcvt.f32.s32 v22;
	v16 =	vtrunc.f32 v16;
	v26 =	vadd.s32 $0x800, v12;
	v11 =	vld [tilespmem:s29+$0x0]  }
0x120: {  	v19 =	vcvt.f32.s32 v19;
	v17 =	vcvt.f32.s32 v17;
	v12 =	vld [tilespmem:s1+$0xFFFFFFA0]  }
0x121: {  	v21 =	vcvt.f32.s32 v21;
	v18 =	vcvt.f32.s32 v18;
	v22 =	vshll.u32 v22, $0x1;
	v27 =	vld [tilespmem:s1+$0xFFFFFFB0]  }
0x122: {  	v20 =	vcvt.f32.s32 v20;
	v19 =	vshll.u32 v19, $0x1;
	v28 =	vld [tilespmem:s1+$0xFFFFFFC0];
	v29 =	vcvt.s32.f32 v23  }
0x123: {  	v16 =	vcvt.f32.s32 v16;
	v17 =	vshll.u32 v17, $0x1;
	v30 =	vcvt.s32.f32 v10;
	v31 =	vld [tilespmem:s1+$0xFFFFFFD0]  }
0x124: {  	v21 =	vshll.u32 v21, $0x1;
	v18 =	vshll.u32 v18, $0x1;
	v32 =	vld [tilespmem:s1+$0xFFFFFFE0];
	v29 =	vmul.f32 v29, v11  }
0x125: {  	v20 =	vshll.u32 v20, $0x1;
	v16 =	vshll.u32 v16, $0x1;
	v33 =	vcvt.s32.f32 v12;
	v34 =	vld [tilespmem:s1+$0xFFFFFFF0]  }
0x126: {  	v11 =	vadd.f32 $1.000000000e+00, v11;
	v35 =	vld [tilespmem:s29+$0xFFFFFFA0];
	v36 =	vcvt.s32.f32 v27;
	v29 =	vadd.f32 v29, v29  }
0x127: {  	v22 =	vsub.s32 v3, v22;
	v19 =	vsub.s32 v6, v19;
	v3 =	vmovc v10;
	v6 =	vmovc v12;
	v37 =	vld [tilespmem:s29+$0xFFFFFFB0];
	v38 =	vcvt.s32.f32 v28  }
0x128: {  	v39 =	vld [tilespmem:s29+$0xFFFFFFC0];
	v40 =	vcvt.s32.f32 v31;
	v11 =	vsub.f32 v11, v29;
	v29 =	vsub.s32 v4, v17;
	v4 =	vmovc v27  }
0x129: {  	v41 =	vsub.s32 v7, v21;
	v10 =	vsub.s32 v8, v18;
	v7 =	vmovc v28;
	v8 =	vmovc v31;
	v17 =	vld [tilespmem:s29+$0xFFFFFFD0];
	v27 =	vcvt.s32.f32 v32  }
0x12a: {  	v18 =	vld [tilespmem:s29+$0xFFFFFFE0];
	v21 =	vcvt.s32.f32 v34;
	v28 =	vmul.f32 $1.280000000e+02, v11;
	v11 =	vsub.s32 v5, v20;
	v5 =	vmovc v32  }
0x12b: {  	v12 =	vsub.s32 v9, v16;
	v9 =	vmovc v34;
	v20 =	vmul.f32 v33, v35;
	v31 =	vadd.f32 $1.000000000e+00, v35;
	v32 =	vld [tilespmem:s29+$0xFFFFFFF0]  }
0x12c: {  	v16 =	vld [tilespmem:s29+$0xFFFFFF90];
	v33 =	vmul.f32 v36, v37;
	v34 =	vadd.f32 $1.000000000e+00, v37;
	v28 =	vadd.f32 $1.000000000e+00, v28  }
0x12d: {  	v20 =	vadd.f32 v20, v20;
	v35 =	vmul.f32 v38, v39;
	v36 =	vadd.f32 $1.000000000e+00, v39;
	[tilespmem:v13+s23+$0x0] =	vst.idx.add.f32.msk $0xffff, v1  }
0x12e: {  	v13 =	vadd.f32 v33, v33;
	v33 =	vmul.f32 v40, v17;
	v28 =	vclamp.gez.f32 v28, $1.024000000e+03;
	[tilespmem:v14+s23+$0x0] =	vst.idx.add.f32.msk $0xffff, v1  }
0x12f: {  	v14 =	vadd.f32 v35, v35;
	v27 =	vmul.f32 v27, v18;
	v28 =	vtrunc.f32 v28;
	[tilespmem:v15+s23+$0x0] =	vst.idx.add.f32.msk $0xffff, v1  }
0x130: {  	v15 =	vadd.f32 v33, v33;
	v21 =	vmul.f32 v21, v32;
	v28 =	vcvt.f32.s32 v28;
	[tilespmem:v24+s23+$0x0] =	vst.idx.add.f32.msk $0xffff, v1  }
0x131: {  	v24 =	vmul.f32 v30, v16;
	v16 =	vadd.f32 $1.000000000e+00, v16;
	v27 =	vadd.f32 v27, v27;
	[tilespmem:v25+s23+$0x0] =	vst.idx.add.f32.msk $0xffff, v1  }
0x132: {  	v17 =	vadd.f32 $1.000000000e+00, v17;
	v21 =	vadd.f32 v21, v21;
	v25 =	vshll.u32 v28, $0x1;
	[tilespmem:v26+s23+$0x0] =	vst.idx.add.f32.msk $0xffff, v1  }
0x133: {  	v18 =	vadd.f32 $1.000000000e+00, v18;
	v24 =	vadd.f32 v24, v24;
	v23 =	vsub.s32 v23, v25  }
0x134: {  	v20 =	vsub.f32 v31, v20;
	v25 =	vadd.f32 $1.000000000e+00, v32;
	v23 =	vadd.s32 $0x800, v23  }
0x135: {  	v22 =	vadd.s32 $0x800, v22;
	v13 =	vsub.f32 v34, v13;
	v16 =	vsub.f32 v16, v24  }
0x136: {  	v20 =	vmul.f32 $1.280000000e+02, v20;
	v14 =	vsub.f32 v36, v14;
	v15 =	vsub.f32 v17, v15  }
0x137: {  	v17 =	vsub.f32 v18, v27;
	v18 =	vsub.f32 v25, v21;
	v16 =	vmul.f32 $1.280000000e+02, v16  }
0x138: {  	v13 =	vmul.f32 $1.280000000e+02, v13;
	v20 =	vadd.f32 $1.000000000e+00, v20;
	v14 =	vmul.f32 $1.280000000e+02, v14  }
0x139: {  	v15 =	vmul.f32 $1.280000000e+02, v15;
	v17 =	vmul.f32 $1.280000000e+02, v17;
	v16 =	vadd.f32 $1.000000000e+00, v16;
	[tilespmem:v23+s23+$0x0] =	vst.idx.add.f32.msk $0xffff, v1  }
0x13a: {  	v13 =	vadd.f32 $1.000000000e+00, v13;
	v14 =	vadd.f32 $1.000000000e+00, v14;
	v18 =	vmul.f32 $1.280000000e+02, v18;
	[tilespmem:v22+s23+$0x0] =	vst.idx.add.f32.msk $0xffff, v1  }
.Ltmp8:
0x13b: {  	v15 =	vadd.f32 $1.000000000e+00, v15;
	v22 =	vclamp.gez.f32 v16, $1.024000000e+03;
	v16 =	vadd.f32 $1.000000000e+00, v17;
	(pc) =	sbr.rel @p0 .LBB2_18-.Ltmp8, $4  }
0x13c: {  	v23 =	vclamp.gez.f32 v20, $1.024000000e+03;
	v24 =	vadd.f32 $1.000000000e+00, v18;
	v17 =	vclamp.gez.f32 v13, $1.024000000e+03  }
0x13d: {  	v21 =	vclamp.gez.f32 v14, $1.024000000e+03;
	v18 =	vclamp.gez.f32 v15, $1.024000000e+03;
	v13 =	vadd.s32 $0x800, v19  }
0x13e: {  	v14 =	vadd.s32 $0x800, v29;
	v20 =	vclamp.gez.f32 v16, $1.024000000e+03;
	v16 =	vclamp.gez.f32 v24, $1.024000000e+03  }
0x13f: {  	s1 =	sadd.s32 $0x100, s1;
	v15 =	vadd.s32 $0x800, v41;
	v19 =	vtrunc.f32 v23;
	v22 =	vtrunc.f32 v22  }
0x140: {  	v17 =	vtrunc.f32 v17  }
0x141: {  	v21 =	vtrunc.f32 v21;
	v18 =	vtrunc.f32 v18  }
0x142: {  	v10 =	vadd.s32 $0x800, v10;
	v20 =	vtrunc.f32 v20;
	v22 =	vcvt.f32.s32 v22  }
0x143: {  	v11 =	vadd.s32 $0x800, v11;
	v16 =	vtrunc.f32 v16;
	v19 =	vcvt.f32.s32 v19  }
0x144: {  	v12 =	vadd.s32 $0x800, v12;
	v17 =	vcvt.f32.s32 v17;
	v21 =	vcvt.f32.s32 v21  }
0x145: {  	v18 =	vcvt.f32.s32 v18;
	v20 =	vcvt.f32.s32 v20;
	v22 =	vshll.u32 v22, $0x1  }
0x146: {  	[tilespmem:v13+s23+$0x0] =	vst.idx.add.f32.msk $0xffff, v1;
	v58 =	vcvt.f32.s32 v16;
	v19 =	vshll.u32 v19, $0x1;
	v3 =	vsub.s32 v3, v22  }
0x147: {  	[tilespmem:v14+s23+$0x0] =	vst.idx.add.f32.msk $0xffff, v1;
	v17 =	vshll.u32 v17, $0x1;
	v6 =	vsub.s32 v6, v19;
	v3 =	vadd.s32 $0x800, v3  }
0x148: {  	[tilespmem:v15+s23+$0x0] =	vst.idx.add.f32.msk $0xffff, v1;
	v59 =	vshll.u32 v21, $0x1;
	v4 =	vsub.s32 v4, v17;
	v6 =	vadd.s32 $0x800, v6  }
0x149: {  	v60 =	vshll.u32 v18, $0x1;
	v7 =	vsub.s32 v7, v59;
	[tilespmem:v10+s23+$0x0] =	vst.idx.add.f32.msk $0xffff, v1;
	v4 =	vadd.s32 $0x800, v4  }
0x14a: {  	v62 =	vshll.u32 v58, $0x1;
	v8 =	vsub.s32 v8, v60;
	[tilespmem:v11+s23+$0x0] =	vst.idx.add.f32.msk $0xffff, v1;
	v7 =	vadd.s32 $0x800, v7  }
0x14b: {  	v61 =	vshll.u32 v20, $0x1;
	v9 =	vsub.s32 v9, v62;
	[tilespmem:v12+s23+$0x0] =	vst.idx.add.f32.msk $0xffff, v1;
	v8 =	vadd.s32 $0x800, v8  }
0x14c: {  	v5 =	vsub.s32 v5, v61;
	v63 =	vadd.s32 $0x800, v9;
	[tilespmem:v3+s23+$0x0] =	vst.idx.add.f32.msk $0xffff, v1  }
0x14d: {  	v3 =	vadd.s32 $0x800, v5;
	[tilespmem:v6+s23+$0x0] =	vst.idx.add.f32.msk $0xffff, v1  }
0x14e: {  	[tilespmem:v4+s23+$0x0] =	vst.idx.add.f32.msk $0xffff, v1  }
0x14f: {  	[tilespmem:v7+s23+$0x0] =	vst.idx.add.f32.msk $0xffff, v1  }
0x150: {  	[tilespmem:v8+s23+$0x0] =	vst.idx.add.f32.msk $0xffff, v1  }
0x151: {  	s0 =	simm.s32 $0x80;
	[tilespmem:v63+s23+$0x0] =	vst.idx.add.f32.msk $0xffff, v1  }
0x152: {  	s1 =	simm.s32 $0x80;
	s30 =	sadd.s32 $0x0, s10;
	s29 =	simm.s32 $0x180;
	[tilespmem:v3+s23+$0x0] =	vst.idx.add.f32.msk $0xffff, v1  }
.LBB2_20:
0x153: {  	[tilespmem:s0], [sflag:$0x2] =	stream.linear.gather [hbm4b:s30+s2], $0x80, $0x38;
	[tilespmem:$0x10900] =	vst v63  }
0x154: {  	s30 =	smov.u32 s1;
	s0 =	smov.u32 s29;
	p0 =	sne.s32 s1, $0x3F80  }
.Ltmp9:
0x155: {  	s1 =	sadd.s32 $0x80, s1;
	(pc) =	sbr.rel @p0 .LBB2_20-.Ltmp9, $2  }
0x156: {  	_ =	sdelay $0x2  }
0x157: {  	s29 =	sadd.s32 $0x100, s29;
	s30 =	sadd.s32 s30, s10  }
0x158: {  	[tilespmem:s0], [sflag:$0x2] =	stream.linear.gather [hbm4b:s30+s2], $0x80, $0x38;
	[tilespmem:$0x10900] =	vst v63  }
0x159: {  	s0 =	simm.s32 $0x8080  }
0x15a: {  	s1 =	simm.s32 $0x80;
	s30 =	sadd.s32 $0x0, s11;
	s29 =	simm.s32 $0x8180  }
.LBB2_22:
0x15b: {  	[tilespmem:s0], [sflag:$0x2] =	stream.linear.gather [hbm4b:s30+s2], $0x80, $0x38;
	[tilespmem:$0x10900] =	vst v63  }
0x15c: {  	s30 =	smov.u32 s1;
	s0 =	smov.u32 s29;
	p0 =	sne.s32 s1, $0x3F80  }
.Ltmp10:
0x15d: {  	s1 =	sadd.s32 $0x80, s1;
	(pc) =	sbr.rel @p0 .LBB2_22-.Ltmp10, $2  }
0x15e: {  	_ =	sdelay $0x2  }
0x15f: {  	s29 =	sadd.s32 $0x100, s29;
	s30 =	sadd.s32 s30, s11  }
0x160: {  	[tilespmem:s0], [sflag:$0x2] =	stream.linear.gather [hbm4b:s30+s2], $0x80, $0x38;
	[tilespmem:$0x10900] =	vst v63  }
0x161: {  	_ =	swait.ge [sflag:s22], $0x4000  }
0x162: {  	[sflag:s22] =	ssyncset.done $0x0  }
0x163: {  	[sflag:s22] =	ssyncadd.s32 $0xFFFFC000  }
0x164: {  	_ =	swait.ge [sflag:s22], $0x4000  }
0x165: {  	[sflag:s22] =	ssyncset.done $0x0  }
0x166: {  	s25 =	simm.s32 $0x8040;
	[sflag:s22] =	ssyncadd.s32 $0xFFFFC000  }
0x167: {  	v4 =	vld [tilespmem:s25+$0x30]  }
0x168: {  	s1 =	simm.s32 $0x40;
	v13 =	vld [tilespmem:s25+$0xFFFFFFC0]  }
0x169: {  	v3 =	vld [tilespmem:s1+$0x30]  }
0x16a: {  	v14 =	vld [tilespmem:s25+$0xFFFFFFD0]  }
0x16b: {  	v15 =	vld [tilespmem:s25+$0xFFFFFFE0]  }
0x16c: {  	v10 =	vld [tilespmem:s25+$0xFFFFFFF0]  }
0x16d: {  	v6 =	vld [tilespmem:s1+$0xFFFFFFD0]  }
0x16e: {  	v7 =	vld [tilespmem:s1+$0xFFFFFFE0]  }
0x16f: {  	v9 =	vld [tilespmem:s1+$0xFFFFFFF0]  }
0x170: {  	v23 =	vld [tilespmem:s1+$0xFFFFFFC0];
	v5 =	vcvt.s32.f32 v4  }
0x171: {  	v16 =	vld [tilespmem:s25+$0x0];
	v8 =	vcvt.s32.f32 v13;
	v17 =	vcvt.s32.f32 v14  }
0x172: {  	v11 =	vld [tilespmem:s25+$0x10];
	v18 =	vcvt.s32.f32 v15;
	v19 =	vcvt.s32.f32 v10  }
0x173: {  	v12 =	vld [tilespmem:s25+$0x20];
	v5 =	vmul.f32 v5, v3;
	v3 =	vadd.f32 $1.000000000e+00, v3;
	v17 =	vmul.f32 v17, v6  }
0x174: {  	v21 =	vld [tilespmem:s1+$0x10];
	v6 =	vadd.f32 $1.000000000e+00, v6;
	v18 =	vmul.f32 v18, v7;
	v7 =	vadd.f32 $1.000000000e+00, v7  }
0x175: {  	v25 =	vld [tilespmem:s1+$0x20];
	v19 =	vmul.f32 v19, v9;
	v9 =	vadd.f32 $1.000000000e+00, v9;
	v8 =	vmul.f32 v8, v23  }
0x176: {  	v20 =	vcvt.s32.f32 v16;
	v23 =	vadd.f32 $1.000000000e+00, v23;
	v5 =	vadd.f32 v5, v5  }
0x177: {  	v22 =	vcvt.s32.f32 v11;
	v17 =	vadd.f32 v17, v17;
	v8 =	vadd.f32 v8, v8  }
0x178: {  	v24 =	vcvt.s32.f32 v12;
	v18 =	vadd.f32 v18, v18;
	v19 =	vadd.f32 v19, v19  }
0x179: {  	v22 =	vmul.f32 v22, v21;
	v3 =	vsub.f32 v3, v5;
	v5 =	vld [tilespmem:s1+$0x0];
	v8 =	vsub.f32 v23, v8  }
0x17a: {  	v24 =	vmul.f32 v24, v25;
	v6 =	vsub.f32 v6, v17;
	v7 =	vsub.f32 v7, v18  }
0x17b: {  	v9 =	vsub.f32 v9, v19;
	v3 =	vmul.f32 $1.280000000e+02, v3;
	v8 =	vmul.f32 $1.280000000e+02, v8  }
0x17c: {  	v6 =	vmul.f32 $1.280000000e+02, v6;
	v7 =	vmul.f32 $1.280000000e+02, v7  }
0x17d: {  	v9 =	vmul.f32 $1.280000000e+02, v9;
	v3 =	vadd.f32 $1.000000000e+00, v3;
	v8 =	vadd.f32 $1.000000000e+00, v8  }
0x17e: {  	v6 =	vadd.f32 $1.000000000e+00, v6;
	v7 =	vadd.f32 $1.000000000e+00, v7;
	v20 =	vmul.f32 v20, v5  }
0x17f: {  	v9 =	vadd.f32 $1.000000000e+00, v9;
	v3 =	vclamp.gez.f32 v3, $1.024000000e+03;
	v8 =	vclamp.gez.f32 v8, $1.024000000e+03  }
0x180: {  	s29 =	simm.s32 $0x140;
	v22 =	vadd.f32 v22, v22;
	v6 =	vclamp.gez.f32 v6, $1.024000000e+03;
	v7 =	vclamp.gez.f32 v7, $1.024000000e+03  }
0x181: {  	v58 =	vld [tilespmem:s29+$0x20];
	v24 =	vadd.f32 v24, v24;
	v9 =	vclamp.gez.f32 v9, $1.024000000e+03;
	v3 =	vtrunc.f32 v3  }
0x182: {  	v5 =	vadd.f32 $1.000000000e+00, v5;
	v8 =	vtrunc.f32 v8;
	v7 =	vtrunc.f32 v7  }
0x183: {  	s31 =	simm.s32 $0x8140;
	v20 =	vadd.f32 v20, v20;
	v9 =	vtrunc.f32 v9;
	v17 =	vcvt.f32.s32 v3  }
0x184: {  	v3 =	vadd.f32 $1.000000000e+00, v21;
	v21 =	vadd.f32 $1.000000000e+00, v25;
	v23 =	vcvt.f32.s32 v7;
	v7 =	vld [tilespmem:s31+$0xFFFFFFF0]  }
0x185: {  	v8 =	vcvt.f32.s32 v8;
	v5 =	vsub.f32 v5, v20;
	v20 =	vtrunc.f32 v6;
	v6 =	vld [tilespmem:s31+$0xFFFFFFD0]  }
0x186: {  	v60 =	vadd.f32 $1.000000000e+00, v58;
	v9 =	vcvt.f32.s32 v9;
	v18 =	vsub.f32 v21, v24;
	v21 =	vld [tilespmem:s31+$0x30]  }
0x187: {  	v3 =	vsub.f32 v3, v22;
	v17 =	vshll.u32 v17, $0x1;
	v53 =	vshll.u32 v8, $0x1;
	v8 =	vld [tilespmem:s31+$0x0]  }
0x188: {  	v20 =	vcvt.f32.s32 v20;
	v28 =	vshll.u32 v9, $0x1;
	v9 =	vld [tilespmem:s31+$0x20];
	v5 =	vmul.f32 $1.280000000e+02, v5  }
0x189: {  	v23 =	vshll.u32 v23, $0x1;
	v17 =	vsub.s32 v4, v17;
	v3 =	vmul.f32 $1.280000000e+02, v3  }
0x18a: {  	v4 =	vld [tilespmem:s31+$0xFFFFFFE0];
	v13 =	vsub.s32 v13, v53;
	v18 =	vmul.f32 $1.280000000e+02, v18;
	v5 =	vadd.f32 $1.000000000e+00, v5  }
0x18b: {  	v33 =	vcvt.s32.f32 v7;
	v3 =	vadd.f32 $1.000000000e+00, v3;
	v29 =	vcvt.s32.f32 v6  }
0x18c: {  	v22 =	vld [tilespmem:s29+$0x30];
	v18 =	vadd.f32 $1.000000000e+00, v18;
	v5 =	vclamp.gez.f32 v5, $1.024000000e+03;
	v26 =	vcvt.s32.f32 v21  }
0x18d: {  	v15 =	vsub.s32 v15, v23;
	v23 =	vld [tilespmem:s29+$0x0];
	v55 =	vcvt.s32.f32 v8;
	v57 =	vcvt.s32.f32 v9  }
0x18e: {  	v32 =	vld [tilespmem:s29+$0xFFFFFFE0];
	v20 =	vshll.u32 v20, $0x1;
	v19 =	vclamp.gez.f32 v3, $1.024000000e+03;
	v18 =	vclamp.gez.f32 v18, $1.024000000e+03  }
0x18f: {  	v14 =	vsub.s32 v14, v20;
	v20 =	vld [tilespmem:s29+$0xFFFFFFF0];
	v5 =	vtrunc.f32 v5;
	v31 =	vcvt.s32.f32 v4  }
0x190: {  	v28 =	vsub.s32 v10, v28;
	v19 =	vtrunc.f32 v19;
	v18 =	vtrunc.f32 v18  }
0x191: {  	v59 =	vadd.s32 $0x800, v17;
	v54 =	vcvt.f32.s32 v5;
	v26 =	vmul.f32 v26, v22  }
0x192: {  	v30 =	vld [tilespmem:s29+$0xFFFFFFD0];
	v62 =	vadd.s32 $0x800, v13;
	v24 =	vmul.f32 v55, v23;
	v19 =	vcvt.f32.s32 v19  }
0x193: {  	v22 =	vadd.f32 $1.000000000e+00, v22;
	v18 =	vcvt.f32.s32 v18;
	v31 =	vmul.f32 v31, v32  }
0x194: {  	v5 =	vld [tilespmem:s31+$0x10];
	v32 =	vadd.f32 $1.000000000e+00, v32;
	v33 =	vmul.f32 v33, v20;
	v26 =	vadd.f32 v26, v26  }
0x195: {  	v3 =	vld [tilespmem:s31+$0xFFFFFFC0];
	v20 =	vadd.f32 $1.000000000e+00, v20;
	v25 =	vshll.u32 v54, $0x1;
	v19 =	vshll.u32 v19, $0x1  }
0x196: {  	v18 =	vshll.u32 v18, $0x1;
	v10 =	vsub.s32 v16, v25;
	v16 =	vld [tilespmem:s29+$0x10];
	v22 =	vsub.f32 v22, v26  }
0x197: {  	v11 =	vsub.s32 v11, v19;
	v19 =	vmul.f32 v29, v30;
	v12 =	vsub.s32 v12, v18;
	v18 =	vld [tilespmem:s29+$0xFFFFFFC0]  }
0x198: {  	v24 =	vadd.f32 v24, v24;
	v31 =	vadd.f32 v31, v31;
	v22 =	vmul.f32 $1.280000000e+02, v22  }
0x199: {  	v30 =	vadd.f32 $1.000000000e+00, v30;
	v56 =	vcvt.s32.f32 v5;
	v19 =	vadd.f32 v19, v19  }
0x19a: {  	v33 =	vadd.f32 v33, v33;
	v27 =	vcvt.s32.f32 v3;
	v22 =	vadd.f32 $1.000000000e+00, v22  }
0x19b: {  	v26 =	vmul.f32 v56, v16;
	v16 =	vadd.f32 $1.000000000e+00, v16;
	v19 =	vsub.f32 v30, v19  }
0x19c: {  	v27 =	vmul.f32 v27, v18;
	v18 =	vadd.f32 $1.000000000e+00, v18;
	v22 =	vclamp.gez.f32 v22, $1.024000000e+03  }
0x19d: {  	v26 =	vadd.f32 v26, v26;
	v13 =	vmul.f32 $1.280000000e+02, v19;
	v22 =	vtrunc.f32 v22  }
0x19e: {  	v19 =	vsub.f32 v20, v33;
	v17 =	vadd.f32 v27, v27;
	v22 =	vcvt.f32.s32 v22  }
0x19f: {  	v25 =	vmul.f32 v57, v58;
	v16 =	vsub.f32 v16, v26;
	v13 =	vadd.f32 $1.000000000e+00, v13  }
0x1a0: {  	v19 =	vmul.f32 $1.280000000e+02, v19;
	v17 =	vsub.f32 v18, v17;
	v22 =	vshll.u32 v22, $0x1  }
0x1a1: {  	v18 =	vsub.f32 v32, v31;
	v21 =	vsub.s32 v21, v22;
	v22 =	vadd.f32 $1.000000000e+00, v23  }
0x1a2: {  	v16 =	vmul.f32 $1.280000000e+02, v16;
	v19 =	vadd.f32 $1.000000000e+00, v19;
	v23 =	vadd.f32 v25, v25  }
0x1a3: {  	v17 =	vmul.f32 $1.280000000e+02, v17;
	v18 =	vmul.f32 $1.280000000e+02, v18;
	v20 =	vsub.f32 v22, v24  }
0x1a4: {  	v61 =	vadd.s32 $0x800, v21;
	v16 =	vadd.f32 $1.000000000e+00, v16;
	v21 =	vsub.f32 v60, v23  }
0x1a5: {  	v17 =	vadd.f32 $1.000000000e+00, v17;
	v18 =	vadd.f32 $1.000000000e+00, v18;
	v20 =	vmul.f32 $1.280000000e+02, v20  }
0x1a6: {  	v23 =	vclamp.gez.f32 v13, $1.024000000e+03;
	v13 =	vadd.s32 $0x800, v14;
	v21 =	vmul.f32 $1.280000000e+02, v21  }
0x1a7: {  	v22 =	vclamp.gez.f32 v17, $1.024000000e+03;
	v17 =	vclamp.gez.f32 v18, $1.024000000e+03;
	v20 =	vadd.f32 $1.000000000e+00, v20  }
0x1a8: {  	[tilespmem:v59+s23+$0x0] =	vst.idx.add.f32.msk $0xffff, v1;
	v22 =	vtrunc.f32 v22;
	v63 =	vadd.f32 $1.000000000e+00, v21;
	v21 =	vclamp.gez.f32 v19, $1.024000000e+03  }
0x1a9: {  	[tilespmem:v62+s23+$0x0] =	vst.idx.add.f32.msk $0xffff, v1;
	v14 =	vadd.s32 $0x800, v15;
	v19 =	vtrunc.f32 v23;
	v18 =	vclamp.gez.f32 v20, $1.024000000e+03  }
0x1aa: {  	s30 =	simm.s32 $0x8;
	s1 =	simm.s32 $0x8240;
	v15 =	vadd.s32 $0x800, v28;
	[tilespmem:v61+s23+$0x0] =	vst.idx.add.f32.msk $0xffff, v1;
	v20 =	vclamp.gez.f32 v16, $1.024000000e+03;
	v16 =	vclamp.gez.f32 v63, $1.024000000e+03  }
.LBB2_24:
0x1ab: {  	v23 =	vld [tilespmem:s1+$0x30];
	s30 =	sadd.s32 $0x8, s30;
	v17 =	vtrunc.f32 v17;
	v21 =	vtrunc.f32 v21;
	v24 =	vadd.s32 $0x800, v10  }
0x1ac: {  	v18 =	vtrunc.f32 v18;
	v20 =	vtrunc.f32 v20;
	s29 =	sadd.s32 $0x100, s29;
	v25 =	vadd.s32 $0x800, v11;
	v10 =	vld [tilespmem:s1+$0xFFFFFFC0];
	p0 =	slt.u32 s30, $0x3F8  }
0x1ad: {  	v22 =	vcvt.f32.s32 v22;
	v16 =	vtrunc.f32 v16;
	v26 =	vadd.s32 $0x800, v12;
	v11 =	vld [tilespmem:s29+$0x30]  }
0x1ae: {  	v19 =	vcvt.f32.s32 v19;
	v17 =	vcvt.f32.s32 v17;
	v12 =	vld [tilespmem:s1+$0xFFFFFFD0]  }
0x1af: {  	v21 =	vcvt.f32.s32 v21;
	v18 =	vcvt.f32.s32 v18;
	v22 =	vshll.u32 v22, $0x1;
	v27 =	vld [tilespmem:s1+$0xFFFFFFE0]  }
0x1b0: {  	v20 =	vcvt.f32.s32 v20;
	v19 =	vshll.u32 v19, $0x1;
	v28 =	vld [tilespmem:s1+$0xFFFFFFF0];
	v29 =	vcvt.s32.f32 v23  }
0x1b1: {  	v16 =	vcvt.f32.s32 v16;
	v17 =	vshll.u32 v17, $0x1;
	v30 =	vcvt.s32.f32 v10;
	v31 =	vld [tilespmem:s1+$0x0]  }
0x1b2: {  	v21 =	vshll.u32 v21, $0x1;
	v18 =	vshll.u32 v18, $0x1;
	v32 =	vld [tilespmem:s1+$0x10];
	v29 =	vmul.f32 v29, v11  }
0x1b3: {  	v20 =	vshll.u32 v20, $0x1;
	v16 =	vshll.u32 v16, $0x1;
	v33 =	vcvt.s32.f32 v12;
	v34 =	vld [tilespmem:s1+$0x20]  }
0x1b4: {  	v11 =	vadd.f32 $1.000000000e+00, v11;
	v35 =	vld [tilespmem:s29+$0xFFFFFFD0];
	v36 =	vcvt.s32.f32 v27;
	v29 =	vadd.f32 v29, v29  }
0x1b5: {  	v22 =	vsub.s32 v3, v22;
	v19 =	vsub.s32 v6, v19;
	v3 =	vmovc v10;
	v6 =	vmovc v12;
	v37 =	vld [tilespmem:s29+$0xFFFFFFE0];
	v38 =	vcvt.s32.f32 v28  }
0x1b6: {  	v39 =	vld [tilespmem:s29+$0xFFFFFFF0];
	v40 =	vcvt.s32.f32 v31;
	v11 =	vsub.f32 v11, v29;
	v29 =	vsub.s32 v4, v17;
	v4 =	vmovc v27  }
0x1b7: {  	v41 =	vsub.s32 v7, v21;
	v10 =	vsub.s32 v8, v18;
	v7 =	vmovc v28;
	v8 =	vmovc v31;
	v17 =	vld [tilespmem:s29+$0x0];
	v27 =	vcvt.s32.f32 v32  }
0x1b8: {  	v18 =	vld [tilespmem:s29+$0x10];
	v21 =	vcvt.s32.f32 v34;
	v28 =	vmul.f32 $1.280000000e+02, v11;
	v11 =	vsub.s32 v5, v20;
	v5 =	vmovc v32  }
0x1b9: {  	v12 =	vsub.s32 v9, v16;
	v9 =	vmovc v34;
	v20 =	vmul.f32 v33, v35;
	v31 =	vadd.f32 $1.000000000e+00, v35;
	v32 =	vld [tilespmem:s29+$0x20]  }
0x1ba: {  	v16 =	vld [tilespmem:s29+$0xFFFFFFC0];
	v33 =	vmul.f32 v36, v37;
	v34 =	vadd.f32 $1.000000000e+00, v37;
	v28 =	vadd.f32 $1.000000000e+00, v28  }
0x1bb: {  	v20 =	vadd.f32 v20, v20;
	v35 =	vmul.f32 v38, v39;
	v36 =	vadd.f32 $1.000000000e+00, v39;
	[tilespmem:v13+s23+$0x0] =	vst.idx.add.f32.msk $0xffff, v1  }
0x1bc: {  	v13 =	vadd.f32 v33, v33;
	v33 =	vmul.f32 v40, v17;
	v28 =	vclamp.gez.f32 v28, $1.024000000e+03;
	[tilespmem:v14+s23+$0x0] =	vst.idx.add.f32.msk $0xffff, v1  }
0x1bd: {  	v14 =	vadd.f32 v35, v35;
	v27 =	vmul.f32 v27, v18;
	v28 =	vtrunc.f32 v28;
	[tilespmem:v15+s23+$0x0] =	vst.idx.add.f32.msk $0xffff, v1  }
0x1be: {  	v15 =	vadd.f32 v33, v33;
	v21 =	vmul.f32 v21, v32;
	v28 =	vcvt.f32.s32 v28;
	[tilespmem:v24+s23+$0x0] =	vst.idx.add.f32.msk $0xffff, v1  }
0x1bf: {  	v24 =	vmul.f32 v30, v16;
	v16 =	vadd.f32 $1.000000000e+00, v16;
	v27 =	vadd.f32 v27, v27;
	[tilespmem:v25+s23+$0x0] =	vst.idx.add.f32.msk $0xffff, v1  }
0x1c0: {  	v17 =	vadd.f32 $1.000000000e+00, v17;
	v21 =	vadd.f32 v21, v21;
	v25 =	vshll.u32 v28, $0x1;
	[tilespmem:v26+s23+$0x0] =	vst.idx.add.f32.msk $0xffff, v1  }
0x1c1: {  	v18 =	vadd.f32 $1.000000000e+00, v18;
	v24 =	vadd.f32 v24, v24;
	v23 =	vsub.s32 v23, v25  }
0x1c2: {  	v20 =	vsub.f32 v31, v20;
	v25 =	vadd.f32 $1.000000000e+00, v32;
	v23 =	vadd.s32 $0x800, v23  }
0x1c3: {  	v22 =	vadd.s32 $0x800, v22;
	v13 =	vsub.f32 v34, v13;
	v16 =	vsub.f32 v16, v24  }
0x1c4: {  	v20 =	vmul.f32 $1.280000000e+02, v20;
	v14 =	vsub.f32 v36, v14;
	v15 =	vsub.f32 v17, v15  }
0x1c5: {  	v17 =	vsub.f32 v18, v27;
	v18 =	vsub.f32 v25, v21;
	v16 =	vmul.f32 $1.280000000e+02, v16  }
0x1c6: {  	v13 =	vmul.f32 $1.280000000e+02, v13;
	v20 =	vadd.f32 $1.000000000e+00, v20;
	v14 =	vmul.f32 $1.280000000e+02, v14  }
0x1c7: {  	v15 =	vmul.f32 $1.280000000e+02, v15;
	v17 =	vmul.f32 $1.280000000e+02, v17;
	v16 =	vadd.f32 $1.000000000e+00, v16;
	[tilespmem:v23+s23+$0x0] =	vst.idx.add.f32.msk $0xffff, v1  }
0x1c8: {  	v13 =	vadd.f32 $1.000000000e+00, v13;
	v14 =	vadd.f32 $1.000000000e+00, v14;
	v18 =	vmul.f32 $1.280000000e+02, v18;
	[tilespmem:v22+s23+$0x0] =	vst.idx.add.f32.msk $0xffff, v1  }
.Ltmp11:
0x1c9: {  	v15 =	vadd.f32 $1.000000000e+00, v15;
	v22 =	vclamp.gez.f32 v16, $1.024000000e+03;
	v16 =	vadd.f32 $1.000000000e+00, v17;
	(pc) =	sbr.rel @p0 .LBB2_24-.Ltmp11, $4  }
0x1ca: {  	v23 =	vclamp.gez.f32 v20, $1.024000000e+03;
	v24 =	vadd.f32 $1.000000000e+00, v18;
	v17 =	vclamp.gez.f32 v13, $1.024000000e+03  }
0x1cb: {  	v21 =	vclamp.gez.f32 v14, $1.024000000e+03;
	v18 =	vclamp.gez.f32 v15, $1.024000000e+03;
	v13 =	vadd.s32 $0x800, v19  }
0x1cc: {  	v14 =	vadd.s32 $0x800, v29;
	v20 =	vclamp.gez.f32 v16, $1.024000000e+03;
	v16 =	vclamp.gez.f32 v24, $1.024000000e+03  }
0x1cd: {  	s1 =	sadd.s32 $0x100, s1;
	v15 =	vadd.s32 $0x800, v41;
	v19 =	vtrunc.f32 v23;
	v22 =	vtrunc.f32 v22  }
0x1ce: {  	v17 =	vtrunc.f32 v17  }
0x1cf: {  	v21 =	vtrunc.f32 v21;
	v18 =	vtrunc.f32 v18  }
0x1d0: {  	v10 =	vadd.s32 $0x800, v10;
	v20 =	vtrunc.f32 v20;
	v22 =	vcvt.f32.s32 v22  }
0x1d1: {  	v11 =	vadd.s32 $0x800, v11;
	v16 =	vtrunc.f32 v16;
	v19 =	vcvt.f32.s32 v19  }
0x1d2: {  	v12 =	vadd.s32 $0x800, v12;
	v17 =	vcvt.f32.s32 v17;
	v21 =	vcvt.f32.s32 v21  }
0x1d3: {  	v18 =	vcvt.f32.s32 v18;
	v20 =	vcvt.f32.s32 v20;
	v22 =	vshll.u32 v22, $0x1  }
0x1d4: {  	[tilespmem:v13+s23+$0x0] =	vst.idx.add.f32.msk $0xffff, v1;
	v58 =	vcvt.f32.s32 v16;
	v19 =	vshll.u32 v19, $0x1;
	v3 =	vsub.s32 v3, v22  }
0x1d5: {  	[tilespmem:v14+s23+$0x0] =	vst.idx.add.f32.msk $0xffff, v1;
	v17 =	vshll.u32 v17, $0x1;
	v6 =	vsub.s32 v6, v19;
	v3 =	vadd.s32 $0x800, v3  }
0x1d6: {  	[tilespmem:v15+s23+$0x0] =	vst.idx.add.f32.msk $0xffff, v1;
	v59 =	vshll.u32 v21, $0x1;
	v4 =	vsub.s32 v4, v17;
	v6 =	vadd.s32 $0x800, v6  }
0x1d7: {  	v60 =	vshll.u32 v18, $0x1;
	v7 =	vsub.s32 v7, v59;
	[tilespmem:v10+s23+$0x0] =	vst.idx.add.f32.msk $0xffff, v1;
	v4 =	vadd.s32 $0x800, v4  }
0x1d8: {  	v62 =	vshll.u32 v58, $0x1;
	v8 =	vsub.s32 v8, v60;
	[tilespmem:v11+s23+$0x0] =	vst.idx.add.f32.msk $0xffff, v1;
	v7 =	vadd.s32 $0x800, v7  }
0x1d9: {  	v61 =	vshll.u32 v20, $0x1;
	v9 =	vsub.s32 v9, v62;
	[tilespmem:v12+s23+$0x0] =	vst.idx.add.f32.msk $0xffff, v1;
	v8 =	vadd.s32 $0x800, v8  }
0x1da: {  	v5 =	vsub.s32 v5, v61;
	v63 =	vadd.s32 $0x800, v9;
	[tilespmem:v3+s23+$0x0] =	vst.idx.add.f32.msk $0xffff, v1  }
0x1db: {  	v3 =	vadd.s32 $0x800, v5;
	[tilespmem:v6+s23+$0x0] =	vst.idx.add.f32.msk $0xffff, v1  }
0x1dc: {  	[tilespmem:v4+s23+$0x0] =	vst.idx.add.f32.msk $0xffff, v1  }
0x1dd: {  	[tilespmem:v7+s23+$0x0] =	vst.idx.add.f32.msk $0xffff, v1  }
0x1de: {  	[tilespmem:v8+s23+$0x0] =	vst.idx.add.f32.msk $0xffff, v1  }
0x1df: {  	s0 =	simm.s32 $0x0;
	[tilespmem:v63+s23+$0x0] =	vst.idx.add.f32.msk $0xffff, v1  }
0x1e0: {  	s1 =	simm.s32 $0x80;
	s30 =	sadd.s32 $0x0, s12;
	s29 =	simm.s32 $0x100;
	[tilespmem:v3+s23+$0x0] =	vst.idx.add.f32.msk $0xffff, v1  }
.LBB2_26:
0x1e1: {  	[tilespmem:s0], [sflag:$0x1] =	stream.linear.gather [hbm4b:s30+s2], $0x80, $0x38;
	[tilespmem:$0x10900] =	vst v63  }
0x1e2: {  	s30 =	smov.u32 s1;
	s0 =	smov.u32 s29;
	p0 =	sne.s32 s1, $0x3F80  }
.Ltmp12:
0x1e3: {  	s1 =	sadd.s32 $0x80, s1;
	(pc) =	sbr.rel @p0 .LBB2_26-.Ltmp12, $2  }
0x1e4: {  	_ =	sdelay $0x2  }
0x1e5: {  	s29 =	sadd.s32 $0x100, s29;
	s30 =	sadd.s32 s30, s12  }
0x1e6: {  	[tilespmem:s0], [sflag:$0x1] =	stream.linear.gather [hbm4b:s30+s2], $0x80, $0x38;
	[tilespmem:$0x10900] =	vst v63  }
0x1e7: {  	s0 =	simm.s32 $0x8000  }
0x1e8: {  	s1 =	simm.s32 $0x80;
	s30 =	sadd.s32 $0x0, s13;
	s29 =	simm.s32 $0x8100  }
.LBB2_28:
0x1e9: {  	[tilespmem:s0], [sflag:$0x1] =	stream.linear.gather [hbm4b:s30+s2], $0x80, $0x38;
	[tilespmem:$0x10900] =	vst v63  }
0x1ea: {  	s30 =	smov.u32 s1;
	s0 =	smov.u32 s29;
	p0 =	sne.s32 s1, $0x3F80  }
.Ltmp13:
0x1eb: {  	s1 =	sadd.s32 $0x80, s1;
	(pc) =	sbr.rel @p0 .LBB2_28-.Ltmp13, $2  }
0x1ec: {  	_ =	sdelay $0x2  }
0x1ed: {  	s29 =	sadd.s32 $0x100, s29;
	s30 =	sadd.s32 s30, s13  }
0x1ee: {  	[tilespmem:s0], [sflag:$0x1] =	stream.linear.gather [hbm4b:s30+s2], $0x80, $0x38;
	[tilespmem:$0x10900] =	vst v63  }
0x1ef: {  	_ =	swait.ge [sflag:s24], $0x4000  }
0x1f0: {  	[sflag:s24] =	ssyncset.done $0x0  }
0x1f1: {  	[sflag:s24] =	ssyncadd.s32 $0xFFFFC000  }
0x1f2: {  	_ =	swait.ge [sflag:s24], $0x4000  }
0x1f3: {  	[sflag:s24] =	ssyncset.done $0x0  }
0x1f4: {  	s25 =	simm.s32 $0x80F0;
	[sflag:s24] =	ssyncadd.s32 $0xFFFFC000  }
0x1f5: {  	v4 =	vld [tilespmem:s25+$0x0]  }
0x1f6: {  	s1 =	simm.s32 $0xF0;
	v13 =	vld [tilespmem:s25+$0xFFFFFF90]  }
0x1f7: {  	v3 =	vld [tilespmem:s1+$0x0]  }
0x1f8: {  	v14 =	vld [tilespmem:s25+$0xFFFFFFA0]  }
0x1f9: {  	v15 =	vld [tilespmem:s25+$0xFFFFFFB0]  }
0x1fa: {  	v10 =	vld [tilespmem:s25+$0xFFFFFFC0]  }
0x1fb: {  	v6 =	vld [tilespmem:s1+$0xFFFFFFA0]  }
0x1fc: {  	v7 =	vld [tilespmem:s1+$0xFFFFFFB0]  }
0x1fd: {  	v9 =	vld [tilespmem:s1+$0xFFFFFFC0]  }
0x1fe: {  	v23 =	vld [tilespmem:s1+$0xFFFFFF90];
	v5 =	vcvt.s32.f32 v4  }
0x1ff: {  	v16 =	vld [tilespmem:s25+$0xFFFFFFD0];
	v8 =	vcvt.s32.f32 v13;
	v17 =	vcvt.s32.f32 v14  }
0x200: {  	v11 =	vld [tilespmem:s25+$0xFFFFFFE0];
	v18 =	vcvt.s32.f32 v15;
	v19 =	vcvt.s32.f32 v10  }
0x201: {  	v12 =	vld [tilespmem:s25+$0xFFFFFFF0];
	v5 =	vmul.f32 v5, v3;
	v3 =	vadd.f32 $1.000000000e+00, v3;
	v17 =	vmul.f32 v17, v6  }
0x202: {  	v21 =	vld [tilespmem:s1+$0xFFFFFFE0];
	v6 =	vadd.f32 $1.000000000e+00, v6;
	v18 =	vmul.f32 v18, v7;
	v7 =	vadd.f32 $1.000000000e+00, v7  }
0x203: {  	v25 =	vld [tilespmem:s1+$0xFFFFFFF0];
	v19 =	vmul.f32 v19, v9;
	v9 =	vadd.f32 $1.000000000e+00, v9;
	v8 =	vmul.f32 v8, v23  }
0x204: {  	v20 =	vcvt.s32.f32 v16;
	v23 =	vadd.f32 $1.000000000e+00, v23;
	v5 =	vadd.f32 v5, v5  }
0x205: {  	v22 =	vcvt.s32.f32 v11;
	v17 =	vadd.f32 v17, v17;
	v8 =	vadd.f32 v8, v8  }
0x206: {  	v24 =	vcvt.s32.f32 v12;
	v18 =	vadd.f32 v18, v18;
	v19 =	vadd.f32 v19, v19  }
0x207: {  	v22 =	vmul.f32 v22, v21;
	v3 =	vsub.f32 v3, v5;
	v5 =	vld [tilespmem:s1+$0xFFFFFFD0];
	v8 =	vsub.f32 v23, v8  }
0x208: {  	v24 =	vmul.f32 v24, v25;
	v6 =	vsub.f32 v6, v17;
	v7 =	vsub.f32 v7, v18  }
0x209: {  	v9 =	vsub.f32 v9, v19;
	v3 =	vmul.f32 $1.280000000e+02, v3;
	v8 =	vmul.f32 $1.280000000e+02, v8  }
0x20a: {  	v6 =	vmul.f32 $1.280000000e+02, v6;
	v7 =	vmul.f32 $1.280000000e+02, v7  }
0x20b: {  	v9 =	vmul.f32 $1.280000000e+02, v9;
	v3 =	vadd.f32 $1.000000000e+00, v3;
	v8 =	vadd.f32 $1.000000000e+00, v8  }
0x20c: {  	v6 =	vadd.f32 $1.000000000e+00, v6;
	v7 =	vadd.f32 $1.000000000e+00, v7;
	v20 =	vmul.f32 v20, v5  }
0x20d: {  	v9 =	vadd.f32 $1.000000000e+00, v9;
	v3 =	vclamp.gez.f32 v3, $1.024000000e+03;
	v8 =	vclamp.gez.f32 v8, $1.024000000e+03  }
0x20e: {  	s29 =	simm.s32 $0x1F0;
	v22 =	vadd.f32 v22, v22;
	v6 =	vclamp.gez.f32 v6, $1.024000000e+03;
	v7 =	vclamp.gez.f32 v7, $1.024000000e+03  }
0x20f: {  	v58 =	vld [tilespmem:s29+$0xFFFFFFF0];
	v24 =	vadd.f32 v24, v24;
	v9 =	vclamp.gez.f32 v9, $1.024000000e+03;
	v3 =	vtrunc.f32 v3  }
0x210: {  	v5 =	vadd.f32 $1.000000000e+00, v5;
	v8 =	vtrunc.f32 v8;
	v7 =	vtrunc.f32 v7  }
0x211: {  	s31 =	simm.s32 $0x81F0;
	v20 =	vadd.f32 v20, v20;
	v9 =	vtrunc.f32 v9;
	v17 =	vcvt.f32.s32 v3  }
0x212: {  	v3 =	vadd.f32 $1.000000000e+00, v21;
	v21 =	vadd.f32 $1.000000000e+00, v25;
	v23 =	vcvt.f32.s32 v7;
	v7 =	vld [tilespmem:s31+$0xFFFFFFC0]  }
0x213: {  	v8 =	vcvt.f32.s32 v8;
	v5 =	vsub.f32 v5, v20;
	v20 =	vtrunc.f32 v6;
	v6 =	vld [tilespmem:s31+$0xFFFFFFA0]  }
0x214: {  	v60 =	vadd.f32 $1.000000000e+00, v58;
	v9 =	vcvt.f32.s32 v9;
	v18 =	vsub.f32 v21, v24;
	v21 =	vld [tilespmem:s31+$0x0]  }
0x215: {  	v3 =	vsub.f32 v3, v22;
	v17 =	vshll.u32 v17, $0x1;
	v53 =	vshll.u32 v8, $0x1;
	v8 =	vld [tilespmem:s31+$0xFFFFFFD0]  }
0x216: {  	v20 =	vcvt.f32.s32 v20;
	v28 =	vshll.u32 v9, $0x1;
	v9 =	vld [tilespmem:s31+$0xFFFFFFF0];
	v5 =	vmul.f32 $1.280000000e+02, v5  }
0x217: {  	v23 =	vshll.u32 v23, $0x1;
	v17 =	vsub.s32 v4, v17;
	v3 =	vmul.f32 $1.280000000e+02, v3  }
0x218: {  	v4 =	vld [tilespmem:s31+$0xFFFFFFB0];
	v13 =	vsub.s32 v13, v53;
	v18 =	vmul.f32 $1.280000000e+02, v18;
	v5 =	vadd.f32 $1.000000000e+00, v5  }
0x219: {  	v33 =	vcvt.s32.f32 v7;
	v3 =	vadd.f32 $1.000000000e+00, v3;
	v29 =	vcvt.s32.f32 v6  }
0x21a: {  	v22 =	vld [tilespmem:s29+$0x0];
	v18 =	vadd.f32 $1.000000000e+00, v18;
	v5 =	vclamp.gez.f32 v5, $1.024000000e+03;
	v26 =	vcvt.s32.f32 v21  }
0x21b: {  	v15 =	vsub.s32 v15, v23;
	v23 =	vld [tilespmem:s29+$0xFFFFFFD0];
	v55 =	vcvt.s32.f32 v8;
	v57 =	vcvt.s32.f32 v9  }
0x21c: {  	v32 =	vld [tilespmem:s29+$0xFFFFFFB0];
	v20 =	vshll.u32 v20, $0x1;
	v19 =	vclamp.gez.f32 v3, $1.024000000e+03;
	v18 =	vclamp.gez.f32 v18, $1.024000000e+03  }
0x21d: {  	v14 =	vsub.s32 v14, v20;
	v20 =	vld [tilespmem:s29+$0xFFFFFFC0];
	v5 =	vtrunc.f32 v5;
	v31 =	vcvt.s32.f32 v4  }
0x21e: {  	v28 =	vsub.s32 v10, v28;
	v19 =	vtrunc.f32 v19;
	v18 =	vtrunc.f32 v18  }
0x21f: {  	v59 =	vadd.s32 $0x800, v17;
	v54 =	vcvt.f32.s32 v5;
	v26 =	vmul.f32 v26, v22  }
0x220: {  	v30 =	vld [tilespmem:s29+$0xFFFFFFA0];
	v62 =	vadd.s32 $0x800, v13;
	v24 =	vmul.f32 v55, v23;
	v19 =	vcvt.f32.s32 v19  }
0x221: {  	v22 =	vadd.f32 $1.000000000e+00, v22;
	v18 =	vcvt.f32.s32 v18;
	v31 =	vmul.f32 v31, v32  }
0x222: {  	v5 =	vld [tilespmem:s31+$0xFFFFFFE0];
	v32 =	vadd.f32 $1.000000000e+00, v32;
	v33 =	vmul.f32 v33, v20;
	v26 =	vadd.f32 v26, v26  }
0x223: {  	v3 =	vld [tilespmem:s31+$0xFFFFFF90];
	v20 =	vadd.f32 $1.000000000e+00, v20;
	v25 =	vshll.u32 v54, $0x1;
	v19 =	vshll.u32 v19, $0x1  }
0x224: {  	v18 =	vshll.u32 v18, $0x1;
	v10 =	vsub.s32 v16, v25;
	v16 =	vld [tilespmem:s29+$0xFFFFFFE0];
	v22 =	vsub.f32 v22, v26  }
0x225: {  	v11 =	vsub.s32 v11, v19;
	v19 =	vmul.f32 v29, v30;
	v12 =	vsub.s32 v12, v18;
	v18 =	vld [tilespmem:s29+$0xFFFFFF90]  }
0x226: {  	v24 =	vadd.f32 v24, v24;
	v31 =	vadd.f32 v31, v31;
	v22 =	vmul.f32 $1.280000000e+02, v22  }
0x227: {  	v30 =	vadd.f32 $1.000000000e+00, v30;
	v56 =	vcvt.s32.f32 v5;
	v19 =	vadd.f32 v19, v19  }
0x228: {  	v33 =	vadd.f32 v33, v33;
	v27 =	vcvt.s32.f32 v3;
	v22 =	vadd.f32 $1.000000000e+00, v22  }
0x229: {  	v26 =	vmul.f32 v56, v16;
	v16 =	vadd.f32 $1.000000000e+00, v16;
	v19 =	vsub.f32 v30, v19  }
0x22a: {  	v27 =	vmul.f32 v27, v18;
	v18 =	vadd.f32 $1.000000000e+00, v18;
	v22 =	vclamp.gez.f32 v22, $1.024000000e+03  }
0x22b: {  	v26 =	vadd.f32 v26, v26;
	v13 =	vmul.f32 $1.280000000e+02, v19;
	v22 =	vtrunc.f32 v22  }
0x22c: {  	v19 =	vsub.f32 v20, v33;
	v17 =	vadd.f32 v27, v27;
	v22 =	vcvt.f32.s32 v22  }
0x22d: {  	v25 =	vmul.f32 v57, v58;
	v16 =	vsub.f32 v16, v26;
	v13 =	vadd.f32 $1.000000000e+00, v13  }
0x22e: {  	v19 =	vmul.f32 $1.280000000e+02, v19;
	v17 =	vsub.f32 v18, v17;
	v22 =	vshll.u32 v22, $0x1  }
0x22f: {  	v18 =	vsub.f32 v32, v31;
	v21 =	vsub.s32 v21, v22;
	v22 =	vadd.f32 $1.000000000e+00, v23  }
0x230: {  	v16 =	vmul.f32 $1.280000000e+02, v16;
	v19 =	vadd.f32 $1.000000000e+00, v19;
	v23 =	vadd.f32 v25, v25  }
0x231: {  	v17 =	vmul.f32 $1.280000000e+02, v17;
	v18 =	vmul.f32 $1.280000000e+02, v18;
	v20 =	vsub.f32 v22, v24  }
0x232: {  	v61 =	vadd.s32 $0x800, v21;
	v16 =	vadd.f32 $1.000000000e+00, v16;
	v21 =	vsub.f32 v60, v23  }
0x233: {  	v17 =	vadd.f32 $1.000000000e+00, v17;
	v18 =	vadd.f32 $1.000000000e+00, v18;
	v20 =	vmul.f32 $1.280000000e+02, v20  }
0x234: {  	v23 =	vclamp.gez.f32 v13, $1.024000000e+03;
	v13 =	vadd.s32 $0x800, v14;
	v21 =	vmul.f32 $1.280000000e+02, v21  }
0x235: {  	v22 =	vclamp.gez.f32 v17, $1.024000000e+03;
	v17 =	vclamp.gez.f32 v18, $1.024000000e+03;
	v20 =	vadd.f32 $1.000000000e+00, v20  }
0x236: {  	[tilespmem:v59+s23+$0x0] =	vst.idx.add.f32.msk $0xffff, v1;
	v22 =	vtrunc.f32 v22;
	v63 =	vadd.f32 $1.000000000e+00, v21;
	v21 =	vclamp.gez.f32 v19, $1.024000000e+03  }
0x237: {  	[tilespmem:v62+s23+$0x0] =	vst.idx.add.f32.msk $0xffff, v1;
	v14 =	vadd.s32 $0x800, v15;
	v19 =	vtrunc.f32 v23;
	v18 =	vclamp.gez.f32 v20, $1.024000000e+03  }
0x238: {  	s30 =	simm.s32 $0x8;
	s1 =	simm.s32 $0x82F0;
	v15 =	vadd.s32 $0x800, v28;
	[tilespmem:v61+s23+$0x0] =	vst.idx.add.f32.msk $0xffff, v1;
	v20 =	vclamp.gez.f32 v16, $1.024000000e+03;
	v16 =	vclamp.gez.f32 v63, $1.024000000e+03  }
.LBB2_30:
0x239: {  	v23 =	vld [tilespmem:s1+$0x0];
	s30 =	sadd.s32 $0x8, s30;
	v17 =	vtrunc.f32 v17;
	v21 =	vtrunc.f32 v21;
	v24 =	vadd.s32 $0x800, v10  }
0x23a: {  	v18 =	vtrunc.f32 v18;
	v20 =	vtrunc.f32 v20;
	s29 =	sadd.s32 $0x100, s29;
	v25 =	vadd.s32 $0x800, v11;
	v10 =	vld [tilespmem:s1+$0xFFFFFF90];
	p0 =	slt.u32 s30, $0x3F8  }
0x23b: {  	v22 =	vcvt.f32.s32 v22;
	v16 =	vtrunc.f32 v16;
	v26 =	vadd.s32 $0x800, v12;
	v11 =	vld [tilespmem:s29+$0x0]  }
0x23c: {  	v19 =	vcvt.f32.s32 v19;
	v17 =	vcvt.f32.s32 v17;
	v12 =	vld [tilespmem:s1+$0xFFFFFFA0]  }
0x23d: {  	v21 =	vcvt.f32.s32 v21;
	v18 =	vcvt.f32.s32 v18;
	v22 =	vshll.u32 v22, $0x1;
	v27 =	vld [tilespmem:s1+$0xFFFFFFB0]  }
0x23e: {  	v20 =	vcvt.f32.s32 v20;
	v19 =	vshll.u32 v19, $0x1;
	v28 =	vld [tilespmem:s1+$0xFFFFFFC0];
	v29 =	vcvt.s32.f32 v23  }
0x23f: {  	v16 =	vcvt.f32.s32 v16;
	v17 =	vshll.u32 v17, $0x1;
	v30 =	vcvt.s32.f32 v10;
	v31 =	vld [tilespmem:s1+$0xFFFFFFD0]  }
0x240: {  	v21 =	vshll.u32 v21, $0x1;
	v18 =	vshll.u32 v18, $0x1;
	v32 =	vld [tilespmem:s1+$0xFFFFFFE0];
	v29 =	vmul.f32 v29, v11  }
0x241: {  	v20 =	vshll.u32 v20, $0x1;
	v16 =	vshll.u32 v16, $0x1;
	v33 =	vcvt.s32.f32 v12;
	v34 =	vld [tilespmem:s1+$0xFFFFFFF0]  }
0x242: {  	v11 =	vadd.f32 $1.000000000e+00, v11;
	v35 =	vld [tilespmem:s29+$0xFFFFFFA0];
	v36 =	vcvt.s32.f32 v27;
	v29 =	vadd.f32 v29, v29  }
0x243: {  	v22 =	vsub.s32 v3, v22;
	v19 =	vsub.s32 v6, v19;
	v3 =	vmovc v10;
	v6 =	vmovc v12;
	v37 =	vld [tilespmem:s29+$0xFFFFFFB0];
	v38 =	vcvt.s32.f32 v28  }
0x244: {  	v39 =	vld [tilespmem:s29+$0xFFFFFFC0];
	v40 =	vcvt.s32.f32 v31;
	v11 =	vsub.f32 v11, v29;
	v29 =	vsub.s32 v4, v17;
	v4 =	vmovc v27  }
0x245: {  	v41 =	vsub.s32 v7, v21;
	v10 =	vsub.s32 v8, v18;
	v7 =	vmovc v28;
	v8 =	vmovc v31;
	v17 =	vld [tilespmem:s29+$0xFFFFFFD0];
	v27 =	vcvt.s32.f32 v32  }
0x246: {  	v18 =	vld [tilespmem:s29+$0xFFFFFFE0];
	v21 =	vcvt.s32.f32 v34;
	v28 =	vmul.f32 $1.280000000e+02, v11;
	v11 =	vsub.s32 v5, v20;
	v5 =	vmovc v32  }
0x247: {  	v12 =	vsub.s32 v9, v16;
	v9 =	vmovc v34;
	v20 =	vmul.f32 v33, v35;
	v31 =	vadd.f32 $1.000000000e+00, v35;
	v32 =	vld [tilespmem:s29+$0xFFFFFFF0]  }
0x248: {  	v16 =	vld [tilespmem:s29+$0xFFFFFF90];
	v33 =	vmul.f32 v36, v37;
	v34 =	vadd.f32 $1.000000000e+00, v37;
	v28 =	vadd.f32 $1.000000000e+00, v28  }
0x249: {  	v20 =	vadd.f32 v20, v20;
	v35 =	vmul.f32 v38, v39;
	v36 =	vadd.f32 $1.000000000e+00, v39;
	[tilespmem:v13+s23+$0x0] =	vst.idx.add.f32.msk $0xffff, v1  }
0x24a: {  	v13 =	vadd.f32 v33, v33;
	v33 =	vmul.f32 v40, v17;
	v28 =	vclamp.gez.f32 v28, $1.024000000e+03;
	[tilespmem:v14+s23+$0x0] =	vst.idx.add.f32.msk $0xffff, v1  }
0x24b: {  	v14 =	vadd.f32 v35, v35;
	v27 =	vmul.f32 v27, v18;
	v28 =	vtrunc.f32 v28;
	[tilespmem:v15+s23+$0x0] =	vst.idx.add.f32.msk $0xffff, v1  }
0x24c: {  	v15 =	vadd.f32 v33, v33;
	v21 =	vmul.f32 v21, v32;
	v28 =	vcvt.f32.s32 v28;
	[tilespmem:v24+s23+$0x0] =	vst.idx.add.f32.msk $0xffff, v1  }
0x24d: {  	v24 =	vmul.f32 v30, v16;
	v16 =	vadd.f32 $1.000000000e+00, v16;
	v27 =	vadd.f32 v27, v27;
	[tilespmem:v25+s23+$0x0] =	vst.idx.add.f32.msk $0xffff, v1  }
0x24e: {  	v17 =	vadd.f32 $1.000000000e+00, v17;
	v21 =	vadd.f32 v21, v21;
	v25 =	vshll.u32 v28, $0x1;
	[tilespmem:v26+s23+$0x0] =	vst.idx.add.f32.msk $0xffff, v1  }
0x24f: {  	v18 =	vadd.f32 $1.000000000e+00, v18;
	v24 =	vadd.f32 v24, v24;
	v23 =	vsub.s32 v23, v25  }
0x250: {  	v20 =	vsub.f32 v31, v20;
	v25 =	vadd.f32 $1.000000000e+00, v32;
	v23 =	vadd.s32 $0x800, v23  }
0x251: {  	v22 =	vadd.s32 $0x800, v22;
	v13 =	vsub.f32 v34, v13;
	v16 =	vsub.f32 v16, v24  }
0x252: {  	v20 =	vmul.f32 $1.280000000e+02, v20;
	v14 =	vsub.f32 v36, v14;
	v15 =	vsub.f32 v17, v15  }
0x253: {  	v17 =	vsub.f32 v18, v27;
	v18 =	vsub.f32 v25, v21;
	v16 =	vmul.f32 $1.280000000e+02, v16  }
0x254: {  	v13 =	vmul.f32 $1.280000000e+02, v13;
	v20 =	vadd.f32 $1.000000000e+00, v20;
	v14 =	vmul.f32 $1.280000000e+02, v14  }
0x255: {  	v15 =	vmul.f32 $1.280000000e+02, v15;
	v17 =	vmul.f32 $1.280000000e+02, v17;
	v16 =	vadd.f32 $1.000000000e+00, v16;
	[tilespmem:v23+s23+$0x0] =	vst.idx.add.f32.msk $0xffff, v1  }
0x256: {  	v13 =	vadd.f32 $1.000000000e+00, v13;
	v14 =	vadd.f32 $1.000000000e+00, v14;
	v18 =	vmul.f32 $1.280000000e+02, v18;
	[tilespmem:v22+s23+$0x0] =	vst.idx.add.f32.msk $0xffff, v1  }
.Ltmp14:
0x257: {  	v15 =	vadd.f32 $1.000000000e+00, v15;
	v22 =	vclamp.gez.f32 v16, $1.024000000e+03;
	v16 =	vadd.f32 $1.000000000e+00, v17;
	(pc) =	sbr.rel @p0 .LBB2_30-.Ltmp14, $4  }
0x258: {  	v23 =	vclamp.gez.f32 v20, $1.024000000e+03;
	v24 =	vadd.f32 $1.000000000e+00, v18;
	v17 =	vclamp.gez.f32 v13, $1.024000000e+03  }
0x259: {  	v21 =	vclamp.gez.f32 v14, $1.024000000e+03;
	v18 =	vclamp.gez.f32 v15, $1.024000000e+03;
	v13 =	vadd.s32 $0x800, v19  }
0x25a: {  	v14 =	vadd.s32 $0x800, v29;
	v20 =	vclamp.gez.f32 v16, $1.024000000e+03;
	v16 =	vclamp.gez.f32 v24, $1.024000000e+03  }
0x25b: {  	s1 =	sadd.s32 $0x100, s1;
	v15 =	vadd.s32 $0x800, v41;
	v19 =	vtrunc.f32 v23;
	v22 =	vtrunc.f32 v22  }
0x25c: {  	v17 =	vtrunc.f32 v17  }
0x25d: {  	v21 =	vtrunc.f32 v21;
	v18 =	vtrunc.f32 v18  }
0x25e: {  	v10 =	vadd.s32 $0x800, v10;
	v20 =	vtrunc.f32 v20;
	v22 =	vcvt.f32.s32 v22  }
0x25f: {  	v11 =	vadd.s32 $0x800, v11;
	v16 =	vtrunc.f32 v16;
	v19 =	vcvt.f32.s32 v19  }
0x260: {  	v12 =	vadd.s32 $0x800, v12;
	v17 =	vcvt.f32.s32 v17;
	v21 =	vcvt.f32.s32 v21  }
0x261: {  	v18 =	vcvt.f32.s32 v18;
	v20 =	vcvt.f32.s32 v20;
	v22 =	vshll.u32 v22, $0x1  }
0x262: {  	[tilespmem:v13+s23+$0x0] =	vst.idx.add.f32.msk $0xffff, v1;
	v58 =	vcvt.f32.s32 v16;
	v19 =	vshll.u32 v19, $0x1;
	v3 =	vsub.s32 v3, v22  }
0x263: {  	[tilespmem:v14+s23+$0x0] =	vst.idx.add.f32.msk $0xffff, v1;
	v17 =	vshll.u32 v17, $0x1;
	v6 =	vsub.s32 v6, v19;
	v3 =	vadd.s32 $0x800, v3  }
0x264: {  	[tilespmem:v15+s23+$0x0] =	vst.idx.add.f32.msk $0xffff, v1;
	v59 =	vshll.u32 v21, $0x1;
	v4 =	vsub.s32 v4, v17;
	v6 =	vadd.s32 $0x800, v6  }
0x265: {  	v60 =	vshll.u32 v18, $0x1;
	v7 =	vsub.s32 v7, v59;
	[tilespmem:v10+s23+$0x0] =	vst.idx.add.f32.msk $0xffff, v1;
	v4 =	vadd.s32 $0x800, v4  }
0x266: {  	v62 =	vshll.u32 v58, $0x1;
	v8 =	vsub.s32 v8, v60;
	[tilespmem:v11+s23+$0x0] =	vst.idx.add.f32.msk $0xffff, v1;
	v7 =	vadd.s32 $0x800, v7  }
0x267: {  	v61 =	vshll.u32 v20, $0x1;
	v9 =	vsub.s32 v9, v62;
	[tilespmem:v12+s23+$0x0] =	vst.idx.add.f32.msk $0xffff, v1;
	v8 =	vadd.s32 $0x800, v8  }
0x268: {  	v5 =	vsub.s32 v5, v61;
	v63 =	vadd.s32 $0x800, v9;
	[tilespmem:v3+s23+$0x0] =	vst.idx.add.f32.msk $0xffff, v1  }
0x269: {  	v3 =	vadd.s32 $0x800, v5;
	[tilespmem:v6+s23+$0x0] =	vst.idx.add.f32.msk $0xffff, v1  }
0x26a: {  	[tilespmem:v4+s23+$0x0] =	vst.idx.add.f32.msk $0xffff, v1  }
0x26b: {  	[tilespmem:v7+s23+$0x0] =	vst.idx.add.f32.msk $0xffff, v1  }
0x26c: {  	[tilespmem:v8+s23+$0x0] =	vst.idx.add.f32.msk $0xffff, v1  }
0x26d: {  	s0 =	simm.s32 $0x80;
	[tilespmem:v63+s23+$0x0] =	vst.idx.add.f32.msk $0xffff, v1  }
0x26e: {  	s1 =	simm.s32 $0x80;
	s30 =	sadd.s32 $0x0, s14;
	s29 =	simm.s32 $0x180;
	[tilespmem:v3+s23+$0x0] =	vst.idx.add.f32.msk $0xffff, v1  }
.LBB2_32:
0x26f: {  	[tilespmem:s0], [sflag:$0x2] =	stream.linear.gather [hbm4b:s30+s2], $0x80, $0x38;
	[tilespmem:$0x10900] =	vst v63  }
0x270: {  	s30 =	smov.u32 s1;
	s0 =	smov.u32 s29;
	p0 =	sne.s32 s1, $0x3F80  }
.Ltmp15:
0x271: {  	s1 =	sadd.s32 $0x80, s1;
	(pc) =	sbr.rel @p0 .LBB2_32-.Ltmp15, $2  }
0x272: {  	_ =	sdelay $0x2  }
0x273: {  	s29 =	sadd.s32 $0x100, s29;
	s30 =	sadd.s32 s30, s14  }
0x274: {  	[tilespmem:s0], [sflag:$0x2] =	stream.linear.gather [hbm4b:s30+s2], $0x80, $0x38;
	[tilespmem:$0x10900] =	vst v63  }
0x275: {  	s0 =	simm.s32 $0x8080  }
0x276: {  	s1 =	simm.s32 $0x80;
	s30 =	sadd.s32 $0x0, s15;
	s29 =	simm.s32 $0x8180  }
.LBB2_34:
0x277: {  	[tilespmem:s0], [sflag:$0x2] =	stream.linear.gather [hbm4b:s30+s2], $0x80, $0x38;
	[tilespmem:$0x10900] =	vst v63  }
0x278: {  	s30 =	smov.u32 s1;
	s0 =	smov.u32 s29;
	p0 =	sne.s32 s1, $0x3F80  }
.Ltmp16:
0x279: {  	s1 =	sadd.s32 $0x80, s1;
	(pc) =	sbr.rel @p0 .LBB2_34-.Ltmp16, $2  }
0x27a: {  	_ =	sdelay $0x2  }
0x27b: {  	s29 =	sadd.s32 $0x100, s29;
	s30 =	sadd.s32 s30, s15  }
0x27c: {  	[tilespmem:s0], [sflag:$0x2] =	stream.linear.gather [hbm4b:s30+s2], $0x80, $0x38;
	[tilespmem:$0x10900] =	vst v63  }
0x27d: {  	_ =	swait.ge [sflag:s22], $0x4000  }
0x27e: {  	[sflag:s22] =	ssyncset.done $0x0  }
0x27f: {  	[sflag:s22] =	ssyncadd.s32 $0xFFFFC000  }
0x280: {  	_ =	swait.ge [sflag:s22], $0x4000  }
0x281: {  	[sflag:s22] =	ssyncset.done $0x0  }
0x282: {  	s25 =	simm.s32 $0x8040;
	[sflag:s22] =	ssyncadd.s32 $0xFFFFC000  }
0x283: {  	v4 =	vld [tilespmem:s25+$0x30]  }
0x284: {  	s1 =	simm.s32 $0x40;
	v13 =	vld [tilespmem:s25+$0xFFFFFFC0]  }
0x285: {  	v3 =	vld [tilespmem:s1+$0x30]  }
0x286: {  	v14 =	vld [tilespmem:s25+$0xFFFFFFD0]  }
0x287: {  	v15 =	vld [tilespmem:s25+$0xFFFFFFE0]  }
0x288: {  	v10 =	vld [tilespmem:s25+$0xFFFFFFF0]  }
0x289: {  	v6 =	vld [tilespmem:s1+$0xFFFFFFD0]  }
0x28a: {  	v7 =	vld [tilespmem:s1+$0xFFFFFFE0]  }
0x28b: {  	v9 =	vld [tilespmem:s1+$0xFFFFFFF0]  }
0x28c: {  	v23 =	vld [tilespmem:s1+$0xFFFFFFC0];
	v5 =	vcvt.s32.f32 v4  }
0x28d: {  	v16 =	vld [tilespmem:s25+$0x0];
	v8 =	vcvt.s32.f32 v13;
	v17 =	vcvt.s32.f32 v14  }
0x28e: {  	v11 =	vld [tilespmem:s25+$0x10];
	v18 =	vcvt.s32.f32 v15;
	v19 =	vcvt.s32.f32 v10  }
0x28f: {  	v12 =	vld [tilespmem:s25+$0x20];
	v5 =	vmul.f32 v5, v3;
	v3 =	vadd.f32 $1.000000000e+00, v3;
	v17 =	vmul.f32 v17, v6  }
0x290: {  	v21 =	vld [tilespmem:s1+$0x10];
	v6 =	vadd.f32 $1.000000000e+00, v6;
	v18 =	vmul.f32 v18, v7;
	v7 =	vadd.f32 $1.000000000e+00, v7  }
0x291: {  	v25 =	vld [tilespmem:s1+$0x20];
	v19 =	vmul.f32 v19, v9;
	v9 =	vadd.f32 $1.000000000e+00, v9;
	v8 =	vmul.f32 v8, v23  }
0x292: {  	v20 =	vcvt.s32.f32 v16;
	v23 =	vadd.f32 $1.000000000e+00, v23;
	v5 =	vadd.f32 v5, v5  }
0x293: {  	v22 =	vcvt.s32.f32 v11;
	v17 =	vadd.f32 v17, v17;
	v8 =	vadd.f32 v8, v8  }
0x294: {  	v24 =	vcvt.s32.f32 v12;
	v18 =	vadd.f32 v18, v18;
	v19 =	vadd.f32 v19, v19  }
0x295: {  	v22 =	vmul.f32 v22, v21;
	v3 =	vsub.f32 v3, v5;
	v5 =	vld [tilespmem:s1+$0x0];
	v8 =	vsub.f32 v23, v8  }
0x296: {  	v24 =	vmul.f32 v24, v25;
	v6 =	vsub.f32 v6, v17;
	v7 =	vsub.f32 v7, v18  }
0x297: {  	v9 =	vsub.f32 v9, v19;
	v3 =	vmul.f32 $1.280000000e+02, v3;
	v8 =	vmul.f32 $1.280000000e+02, v8  }
0x298: {  	v6 =	vmul.f32 $1.280000000e+02, v6;
	v7 =	vmul.f32 $1.280000000e+02, v7  }
0x299: {  	v9 =	vmul.f32 $1.280000000e+02, v9;
	v3 =	vadd.f32 $1.000000000e+00, v3;
	v8 =	vadd.f32 $1.000000000e+00, v8  }
0x29a: {  	v6 =	vadd.f32 $1.000000000e+00, v6;
	v7 =	vadd.f32 $1.000000000e+00, v7;
	v20 =	vmul.f32 v20, v5  }
0x29b: {  	v9 =	vadd.f32 $1.000000000e+00, v9;
	v3 =	vclamp.gez.f32 v3, $1.024000000e+03;
	v8 =	vclamp.gez.f32 v8, $1.024000000e+03  }
0x29c: {  	s29 =	simm.s32 $0x140;
	v22 =	vadd.f32 v22, v22;
	v6 =	vclamp.gez.f32 v6, $1.024000000e+03;
	v7 =	vclamp.gez.f32 v7, $1.024000000e+03  }
0x29d: {  	v58 =	vld [tilespmem:s29+$0x20];
	v24 =	vadd.f32 v24, v24;
	v9 =	vclamp.gez.f32 v9, $1.024000000e+03;
	v3 =	vtrunc.f32 v3  }
0x29e: {  	v5 =	vadd.f32 $1.000000000e+00, v5;
	v8 =	vtrunc.f32 v8;
	v7 =	vtrunc.f32 v7  }
0x29f: {  	s31 =	simm.s32 $0x8140;
	v20 =	vadd.f32 v20, v20;
	v9 =	vtrunc.f32 v9;
	v17 =	vcvt.f32.s32 v3  }
0x2a0: {  	v3 =	vadd.f32 $1.000000000e+00, v21;
	v21 =	vadd.f32 $1.000000000e+00, v25;
	v23 =	vcvt.f32.s32 v7;
	v7 =	vld [tilespmem:s31+$0xFFFFFFF0]  }
0x2a1: {  	v8 =	vcvt.f32.s32 v8;
	v5 =	vsub.f32 v5, v20;
	v20 =	vtrunc.f32 v6;
	v6 =	vld [tilespmem:s31+$0xFFFFFFD0]  }
0x2a2: {  	v60 =	vadd.f32 $1.000000000e+00, v58;
	v9 =	vcvt.f32.s32 v9;
	v18 =	vsub.f32 v21, v24;
	v21 =	vld [tilespmem:s31+$0x30]  }
0x2a3: {  	v3 =	vsub.f32 v3, v22;
	v17 =	vshll.u32 v17, $0x1;
	v53 =	vshll.u32 v8, $0x1;
	v8 =	vld [tilespmem:s31+$0x0]  }
0x2a4: {  	v20 =	vcvt.f32.s32 v20;
	v28 =	vshll.u32 v9, $0x1;
	v9 =	vld [tilespmem:s31+$0x20];
	v5 =	vmul.f32 $1.280000000e+02, v5  }
0x2a5: {  	v23 =	vshll.u32 v23, $0x1;
	v17 =	vsub.s32 v4, v17;
	v3 =	vmul.f32 $1.280000000e+02, v3  }
0x2a6: {  	v4 =	vld [tilespmem:s31+$0xFFFFFFE0];
	v13 =	vsub.s32 v13, v53;
	v18 =	vmul.f32 $1.280000000e+02, v18;
	v5 =	vadd.f32 $1.000000000e+00, v5  }
0x2a7: {  	v33 =	vcvt.s32.f32 v7;
	v3 =	vadd.f32 $1.000000000e+00, v3;
	v29 =	vcvt.s32.f32 v6  }
0x2a8: {  	v22 =	vld [tilespmem:s29+$0x30];
	v18 =	vadd.f32 $1.000000000e+00, v18;
	v5 =	vclamp.gez.f32 v5, $1.024000000e+03;
	v26 =	vcvt.s32.f32 v21  }
0x2a9: {  	v15 =	vsub.s32 v15, v23;
	v23 =	vld [tilespmem:s29+$0x0];
	v55 =	vcvt.s32.f32 v8;
	v57 =	vcvt.s32.f32 v9  }
0x2aa: {  	v32 =	vld [tilespmem:s29+$0xFFFFFFE0];
	v20 =	vshll.u32 v20, $0x1;
	v19 =	vclamp.gez.f32 v3, $1.024000000e+03;
	v18 =	vclamp.gez.f32 v18, $1.024000000e+03  }
0x2ab: {  	v14 =	vsub.s32 v14, v20;
	v20 =	vld [tilespmem:s29+$0xFFFFFFF0];
	v5 =	vtrunc.f32 v5;
	v31 =	vcvt.s32.f32 v4  }
0x2ac: {  	v28 =	vsub.s32 v10, v28;
	v19 =	vtrunc.f32 v19;
	v18 =	vtrunc.f32 v18  }
0x2ad: {  	v59 =	vadd.s32 $0x800, v17;
	v54 =	vcvt.f32.s32 v5;
	v26 =	vmul.f32 v26, v22  }
0x2ae: {  	v30 =	vld [tilespmem:s29+$0xFFFFFFD0];
	v62 =	vadd.s32 $0x800, v13;
	v24 =	vmul.f32 v55, v23;
	v19 =	vcvt.f32.s32 v19  }
0x2af: {  	v22 =	vadd.f32 $1.000000000e+00, v22;
	v18 =	vcvt.f32.s32 v18;
	v31 =	vmul.f32 v31, v32  }
0x2b0: {  	v5 =	vld [tilespmem:s31+$0x10];
	v32 =	vadd.f32 $1.000000000e+00, v32;
	v33 =	vmul.f32 v33, v20;
	v26 =	vadd.f32 v26, v26  }
0x2b1: {  	v3 =	vld [tilespmem:s31+$0xFFFFFFC0];
	v20 =	vadd.f32 $1.000000000e+00, v20;
	v25 =	vshll.u32 v54, $0x1;
	v19 =	vshll.u32 v19, $0x1  }
0x2b2: {  	v18 =	vshll.u32 v18, $0x1;
	v10 =	vsub.s32 v16, v25;
	v16 =	vld [tilespmem:s29+$0x10];
	v22 =	vsub.f32 v22, v26  }
0x2b3: {  	v11 =	vsub.s32 v11, v19;
	v19 =	vmul.f32 v29, v30;
	v12 =	vsub.s32 v12, v18;
	v18 =	vld [tilespmem:s29+$0xFFFFFFC0]  }
0x2b4: {  	v24 =	vadd.f32 v24, v24;
	v31 =	vadd.f32 v31, v31;
	v22 =	vmul.f32 $1.280000000e+02, v22  }
0x2b5: {  	v30 =	vadd.f32 $1.000000000e+00, v30;
	v56 =	vcvt.s32.f32 v5;
	v19 =	vadd.f32 v19, v19  }
0x2b6: {  	v33 =	vadd.f32 v33, v33;
	v27 =	vcvt.s32.f32 v3;
	v22 =	vadd.f32 $1.000000000e+00, v22  }
0x2b7: {  	v26 =	vmul.f32 v56, v16;
	v16 =	vadd.f32 $1.000000000e+00, v16;
	v19 =	vsub.f32 v30, v19  }
0x2b8: {  	v27 =	vmul.f32 v27, v18;
	v18 =	vadd.f32 $1.000000000e+00, v18;
	v22 =	vclamp.gez.f32 v22, $1.024000000e+03  }
0x2b9: {  	v26 =	vadd.f32 v26, v26;
	v13 =	vmul.f32 $1.280000000e+02, v19;
	v22 =	vtrunc.f32 v22  }
0x2ba: {  	v19 =	vsub.f32 v20, v33;
	v17 =	vadd.f32 v27, v27;
	v22 =	vcvt.f32.s32 v22  }
0x2bb: {  	v25 =	vmul.f32 v57, v58;
	v16 =	vsub.f32 v16, v26;
	v13 =	vadd.f32 $1.000000000e+00, v13  }
0x2bc: {  	v19 =	vmul.f32 $1.280000000e+02, v19;
	v17 =	vsub.f32 v18, v17;
	v22 =	vshll.u32 v22, $0x1  }
0x2bd: {  	v18 =	vsub.f32 v32, v31;
	v21 =	vsub.s32 v21, v22;
	v22 =	vadd.f32 $1.000000000e+00, v23  }
0x2be: {  	v16 =	vmul.f32 $1.280000000e+02, v16;
	v19 =	vadd.f32 $1.000000000e+00, v19;
	v23 =	vadd.f32 v25, v25  }
0x2bf: {  	v17 =	vmul.f32 $1.280000000e+02, v17;
	v18 =	vmul.f32 $1.280000000e+02, v18;
	v20 =	vsub.f32 v22, v24  }
0x2c0: {  	v61 =	vadd.s32 $0x800, v21;
	v16 =	vadd.f32 $1.000000000e+00, v16;
	v21 =	vsub.f32 v60, v23  }
0x2c1: {  	v17 =	vadd.f32 $1.000000000e+00, v17;
	v18 =	vadd.f32 $1.000000000e+00, v18;
	v20 =	vmul.f32 $1.280000000e+02, v20  }
0x2c2: {  	v23 =	vclamp.gez.f32 v13, $1.024000000e+03;
	v13 =	vadd.s32 $0x800, v14;
	v21 =	vmul.f32 $1.280000000e+02, v21  }
0x2c3: {  	v22 =	vclamp.gez.f32 v17, $1.024000000e+03;
	v17 =	vclamp.gez.f32 v18, $1.024000000e+03;
	v20 =	vadd.f32 $1.000000000e+00, v20  }
0x2c4: {  	[tilespmem:v59+s23+$0x0] =	vst.idx.add.f32.msk $0xffff, v1;
	v22 =	vtrunc.f32 v22;
	v63 =	vadd.f32 $1.000000000e+00, v21;
	v21 =	vclamp.gez.f32 v19, $1.024000000e+03  }
0x2c5: {  	[tilespmem:v62+s23+$0x0] =	vst.idx.add.f32.msk $0xffff, v1;
	v14 =	vadd.s32 $0x800, v15;
	v19 =	vtrunc.f32 v23;
	v18 =	vclamp.gez.f32 v20, $1.024000000e+03  }
0x2c6: {  	s30 =	simm.s32 $0x8;
	s1 =	simm.s32 $0x8240;
	v15 =	vadd.s32 $0x800, v28;
	[tilespmem:v61+s23+$0x0] =	vst.idx.add.f32.msk $0xffff, v1;
	v20 =	vclamp.gez.f32 v16, $1.024000000e+03;
	v16 =	vclamp.gez.f32 v63, $1.024000000e+03  }
.LBB2_36:
0x2c7: {  	v23 =	vld [tilespmem:s1+$0x30];
	s30 =	sadd.s32 $0x8, s30;
	v17 =	vtrunc.f32 v17;
	v21 =	vtrunc.f32 v21;
	v24 =	vadd.s32 $0x800, v10  }
0x2c8: {  	v18 =	vtrunc.f32 v18;
	v20 =	vtrunc.f32 v20;
	s29 =	sadd.s32 $0x100, s29;
	v25 =	vadd.s32 $0x800, v11;
	v10 =	vld [tilespmem:s1+$0xFFFFFFC0];
	p0 =	slt.u32 s30, $0x3F8  }
0x2c9: {  	v22 =	vcvt.f32.s32 v22;
	v16 =	vtrunc.f32 v16;
	v26 =	vadd.s32 $0x800, v12;
	v11 =	vld [tilespmem:s29+$0x30]  }
0x2ca: {  	v19 =	vcvt.f32.s32 v19;
	v17 =	vcvt.f32.s32 v17;
	v12 =	vld [tilespmem:s1+$0xFFFFFFD0]  }
0x2cb: {  	v21 =	vcvt.f32.s32 v21;
	v18 =	vcvt.f32.s32 v18;
	v22 =	vshll.u32 v22, $0x1;
	v27 =	vld [tilespmem:s1+$0xFFFFFFE0]  }
0x2cc: {  	v20 =	vcvt.f32.s32 v20;
	v19 =	vshll.u32 v19, $0x1;
	v28 =	vld [tilespmem:s1+$0xFFFFFFF0];
	v29 =	vcvt.s32.f32 v23  }
0x2cd: {  	v16 =	vcvt.f32.s32 v16;
	v17 =	vshll.u32 v17, $0x1;
	v30 =	vcvt.s32.f32 v10;
	v31 =	vld [tilespmem:s1+$0x0]  }
0x2ce: {  	v21 =	vshll.u32 v21, $0x1;
	v18 =	vshll.u32 v18, $0x1;
	v32 =	vld [tilespmem:s1+$0x10];
	v29 =	vmul.f32 v29, v11  }
0x2cf: {  	v20 =	vshll.u32 v20, $0x1;
	v16 =	vshll.u32 v16, $0x1;
	v33 =	vcvt.s32.f32 v12;
	v34 =	vld [tilespmem:s1+$0x20]  }
0x2d0: {  	v11 =	vadd.f32 $1.000000000e+00, v11;
	v35 =	vld [tilespmem:s29+$0xFFFFFFD0];
	v36 =	vcvt.s32.f32 v27;
	v29 =	vadd.f32 v29, v29  }
0x2d1: {  	v22 =	vsub.s32 v3, v22;
	v19 =	vsub.s32 v6, v19;
	v3 =	vmovc v10;
	v6 =	vmovc v12;
	v37 =	vld [tilespmem:s29+$0xFFFFFFE0];
	v38 =	vcvt.s32.f32 v28  }
0x2d2: {  	v39 =	vld [tilespmem:s29+$0xFFFFFFF0];
	v40 =	vcvt.s32.f32 v31;
	v11 =	vsub.f32 v11, v29;
	v29 =	vsub.s32 v4, v17;
	v4 =	vmovc v27  }
0x2d3: {  	v41 =	vsub.s32 v7, v21;
	v10 =	vsub.s32 v8, v18;
	v7 =	vmovc v28;
	v8 =	vmovc v31;
	v17 =	vld [tilespmem:s29+$0x0];
	v27 =	vcvt.s32.f32 v32  }
0x2d4: {  	v18 =	vld [tilespmem:s29+$0x10];
	v21 =	vcvt.s32.f32 v34;
	v28 =	vmul.f32 $1.280000000e+02, v11;
	v11 =	vsub.s32 v5, v20;
	v5 =	vmovc v32  }
0x2d5: {  	v12 =	vsub.s32 v9, v16;
	v9 =	vmovc v34;
	v20 =	vmul.f32 v33, v35;
	v31 =	vadd.f32 $1.000000000e+00, v35;
	v32 =	vld [tilespmem:s29+$0x20]  }
0x2d6: {  	v16 =	vld [tilespmem:s29+$0xFFFFFFC0];
	v33 =	vmul.f32 v36, v37;
	v34 =	vadd.f32 $1.000000000e+00, v37;
	v28 =	vadd.f32 $1.000000000e+00, v28  }
0x2d7: {  	v20 =	vadd.f32 v20, v20;
	v35 =	vmul.f32 v38, v39;
	v36 =	vadd.f32 $1.000000000e+00, v39;
	[tilespmem:v13+s23+$0x0] =	vst.idx.add.f32.msk $0xffff, v1  }
0x2d8: {  	v13 =	vadd.f32 v33, v33;
	v33 =	vmul.f32 v40, v17;
	v28 =	vclamp.gez.f32 v28, $1.024000000e+03;
	[tilespmem:v14+s23+$0x0] =	vst.idx.add.f32.msk $0xffff, v1  }
0x2d9: {  	v14 =	vadd.f32 v35, v35;
	v27 =	vmul.f32 v27, v18;
	v28 =	vtrunc.f32 v28;
	[tilespmem:v15+s23+$0x0] =	vst.idx.add.f32.msk $0xffff, v1  }
0x2da: {  	v15 =	vadd.f32 v33, v33;
	v21 =	vmul.f32 v21, v32;
	v28 =	vcvt.f32.s32 v28;
	[tilespmem:v24+s23+$0x0] =	vst.idx.add.f32.msk $0xffff, v1  }
0x2db: {  	v24 =	vmul.f32 v30, v16;
	v16 =	vadd.f32 $1.000000000e+00, v16;
	v27 =	vadd.f32 v27, v27;
	[tilespmem:v25+s23+$0x0] =	vst.idx.add.f32.msk $0xffff, v1  }
0x2dc: {  	v17 =	vadd.f32 $1.000000000e+00, v17;
	v21 =	vadd.f32 v21, v21;
	v25 =	vshll.u32 v28, $0x1;
	[tilespmem:v26+s23+$0x0] =	vst.idx.add.f32.msk $0xffff, v1  }
0x2dd: {  	v18 =	vadd.f32 $1.000000000e+00, v18;
	v24 =	vadd.f32 v24, v24;
	v23 =	vsub.s32 v23, v25  }
0x2de: {  	v20 =	vsub.f32 v31, v20;
	v25 =	vadd.f32 $1.000000000e+00, v32;
	v23 =	vadd.s32 $0x800, v23  }
0x2df: {  	v22 =	vadd.s32 $0x800, v22;
	v13 =	vsub.f32 v34, v13;
	v16 =	vsub.f32 v16, v24  }
0x2e0: {  	v20 =	vmul.f32 $1.280000000e+02, v20;
	v14 =	vsub.f32 v36, v14;
	v15 =	vsub.f32 v17, v15  }
0x2e1: {  	v17 =	vsub.f32 v18, v27;
	v18 =	vsub.f32 v25, v21;
	v16 =	vmul.f32 $1.280000000e+02, v16  }
0x2e2: {  	v13 =	vmul.f32 $1.280000000e+02, v13;
	v20 =	vadd.f32 $1.000000000e+00, v20;
	v14 =	vmul.f32 $1.280000000e+02, v14  }
0x2e3: {  	v15 =	vmul.f32 $1.280000000e+02, v15;
	v17 =	vmul.f32 $1.280000000e+02, v17;
	v16 =	vadd.f32 $1.000000000e+00, v16;
	[tilespmem:v23+s23+$0x0] =	vst.idx.add.f32.msk $0xffff, v1  }
0x2e4: {  	v13 =	vadd.f32 $1.000000000e+00, v13;
	v14 =	vadd.f32 $1.000000000e+00, v14;
	v18 =	vmul.f32 $1.280000000e+02, v18;
	[tilespmem:v22+s23+$0x0] =	vst.idx.add.f32.msk $0xffff, v1  }
.Ltmp17:
0x2e5: {  	v15 =	vadd.f32 $1.000000000e+00, v15;
	v22 =	vclamp.gez.f32 v16, $1.024000000e+03;
	v16 =	vadd.f32 $1.000000000e+00, v17;
	(pc) =	sbr.rel @p0 .LBB2_36-.Ltmp17, $4  }
0x2e6: {  	v23 =	vclamp.gez.f32 v20, $1.024000000e+03;
	v24 =	vadd.f32 $1.000000000e+00, v18;
	v17 =	vclamp.gez.f32 v13, $1.024000000e+03  }
0x2e7: {  	v21 =	vclamp.gez.f32 v14, $1.024000000e+03;
	v18 =	vclamp.gez.f32 v15, $1.024000000e+03;
	v13 =	vadd.s32 $0x800, v19  }
0x2e8: {  	v14 =	vadd.s32 $0x800, v29;
	v20 =	vclamp.gez.f32 v16, $1.024000000e+03;
	v16 =	vclamp.gez.f32 v24, $1.024000000e+03  }
0x2e9: {  	s1 =	sadd.s32 $0x100, s1;
	v15 =	vadd.s32 $0x800, v41;
	v19 =	vtrunc.f32 v23;
	v22 =	vtrunc.f32 v22  }
0x2ea: {  	v17 =	vtrunc.f32 v17  }
0x2eb: {  	v21 =	vtrunc.f32 v21;
	v18 =	vtrunc.f32 v18  }
0x2ec: {  	v10 =	vadd.s32 $0x800, v10;
	v20 =	vtrunc.f32 v20;
	v22 =	vcvt.f32.s32 v22  }
0x2ed: {  	v11 =	vadd.s32 $0x800, v11;
	v16 =	vtrunc.f32 v16;
	v19 =	vcvt.f32.s32 v19  }
0x2ee: {  	v12 =	vadd.s32 $0x800, v12;
	v17 =	vcvt.f32.s32 v17;
	v21 =	vcvt.f32.s32 v21  }
0x2ef: {  	v18 =	vcvt.f32.s32 v18;
	v20 =	vcvt.f32.s32 v20;
	v22 =	vshll.u32 v22, $0x1  }
0x2f0: {  	[tilespmem:v13+s23+$0x0] =	vst.idx.add.f32.msk $0xffff, v1;
	v58 =	vcvt.f32.s32 v16;
	v19 =	vshll.u32 v19, $0x1;
	v3 =	vsub.s32 v3, v22  }
0x2f1: {  	[tilespmem:v14+s23+$0x0] =	vst.idx.add.f32.msk $0xffff, v1;
	v17 =	vshll.u32 v17, $0x1;
	v6 =	vsub.s32 v6, v19;
	v3 =	vadd.s32 $0x800, v3  }
0x2f2: {  	[tilespmem:v15+s23+$0x0] =	vst.idx.add.f32.msk $0xffff, v1;
	v59 =	vshll.u32 v21, $0x1;
	v4 =	vsub.s32 v4, v17;
	v6 =	vadd.s32 $0x800, v6  }
0x2f3: {  	v60 =	vshll.u32 v18, $0x1;
	v7 =	vsub.s32 v7, v59;
	[tilespmem:v10+s23+$0x0] =	vst.idx.add.f32.msk $0xffff, v1;
	v4 =	vadd.s32 $0x800, v4  }
0x2f4: {  	v62 =	vshll.u32 v58, $0x1;
	v8 =	vsub.s32 v8, v60;
	[tilespmem:v11+s23+$0x0] =	vst.idx.add.f32.msk $0xffff, v1;
	v7 =	vadd.s32 $0x800, v7  }
0x2f5: {  	v61 =	vshll.u32 v20, $0x1;
	v9 =	vsub.s32 v9, v62;
	[tilespmem:v12+s23+$0x0] =	vst.idx.add.f32.msk $0xffff, v1;
	v8 =	vadd.s32 $0x800, v8  }
0x2f6: {  	v5 =	vsub.s32 v5, v61;
	v63 =	vadd.s32 $0x800, v9;
	[tilespmem:v3+s23+$0x0] =	vst.idx.add.f32.msk $0xffff, v1  }
0x2f7: {  	v3 =	vadd.s32 $0x800, v5;
	[tilespmem:v6+s23+$0x0] =	vst.idx.add.f32.msk $0xffff, v1  }
0x2f8: {  	[tilespmem:v4+s23+$0x0] =	vst.idx.add.f32.msk $0xffff, v1  }
0x2f9: {  	[tilespmem:v7+s23+$0x0] =	vst.idx.add.f32.msk $0xffff, v1  }
0x2fa: {  	[tilespmem:v8+s23+$0x0] =	vst.idx.add.f32.msk $0xffff, v1  }
0x2fb: {  	s0 =	simm.s32 $0x0;
	[tilespmem:v63+s23+$0x0] =	vst.idx.add.f32.msk $0xffff, v1  }
0x2fc: {  	s1 =	simm.s32 $0x80;
	s30 =	sadd.s32 $0x0, s16;
	s29 =	simm.s32 $0x100;
	[tilespmem:v3+s23+$0x0] =	vst.idx.add.f32.msk $0xffff, v1  }
.LBB2_38:
0x2fd: {  	[tilespmem:s0], [sflag:$0x1] =	stream.linear.gather [hbm4b:s30+s2], $0x80, $0x38;
	[tilespmem:$0x10900] =	vst v63  }
0x2fe: {  	s30 =	smov.u32 s1;
	s0 =	smov.u32 s29;
	p0 =	sne.s32 s1, $0x3F80  }
.Ltmp18:
0x2ff: {  	s1 =	sadd.s32 $0x80, s1;
	(pc) =	sbr.rel @p0 .LBB2_38-.Ltmp18, $2  }
0x300: {  	_ =	sdelay $0x2  }
0x301: {  	s29 =	sadd.s32 $0x100, s29;
	s30 =	sadd.s32 s30, s16  }
0x302: {  	[tilespmem:s0], [sflag:$0x1] =	stream.linear.gather [hbm4b:s30+s2], $0x80, $0x38;
	[tilespmem:$0x10900] =	vst v63  }
0x303: {  	s0 =	simm.s32 $0x8000  }
0x304: {  	s1 =	simm.s32 $0x80;
	s30 =	sadd.s32 $0x0, s17;
	s29 =	simm.s32 $0x8100  }
.LBB2_40:
0x305: {  	[tilespmem:s0], [sflag:$0x1] =	stream.linear.gather [hbm4b:s30+s2], $0x80, $0x38;
	[tilespmem:$0x10900] =	vst v63  }
0x306: {  	s30 =	smov.u32 s1;
	s0 =	smov.u32 s29;
	p0 =	sne.s32 s1, $0x3F80  }
.Ltmp19:
0x307: {  	s1 =	sadd.s32 $0x80, s1;
	(pc) =	sbr.rel @p0 .LBB2_40-.Ltmp19, $2  }
0x308: {  	_ =	sdelay $0x2  }
0x309: {  	s29 =	sadd.s32 $0x100, s29;
	s30 =	sadd.s32 s30, s17  }
0x30a: {  	[tilespmem:s0], [sflag:$0x1] =	stream.linear.gather [hbm4b:s30+s2], $0x80, $0x38;
	[tilespmem:$0x10900] =	vst v63  }
0x30b: {  	_ =	swait.ge [sflag:s24], $0x4000  }
0x30c: {  	[sflag:s24] =	ssyncset.done $0x0  }
0x30d: {  	[sflag:s24] =	ssyncadd.s32 $0xFFFFC000  }
0x30e: {  	_ =	swait.ge [sflag:s24], $0x4000  }
0x30f: {  	[sflag:s24] =	ssyncset.done $0x0  }
0x310: {  	s25 =	simm.s32 $0x80F0;
	[sflag:s24] =	ssyncadd.s32 $0xFFFFC000  }
0x311: {  	v4 =	vld [tilespmem:s25+$0x0]  }
0x312: {  	s1 =	simm.s32 $0xF0;
	v13 =	vld [tilespmem:s25+$0xFFFFFF90]  }
0x313: {  	v3 =	vld [tilespmem:s1+$0x0]  }
0x314: {  	v14 =	vld [tilespmem:s25+$0xFFFFFFA0]  }
0x315: {  	v15 =	vld [tilespmem:s25+$0xFFFFFFB0]  }
0x316: {  	v10 =	vld [tilespmem:s25+$0xFFFFFFC0]  }
0x317: {  	v6 =	vld [tilespmem:s1+$0xFFFFFFA0]  }
0x318: {  	v7 =	vld [tilespmem:s1+$0xFFFFFFB0]  }
0x319: {  	v9 =	vld [tilespmem:s1+$0xFFFFFFC0]  }
0x31a: {  	v23 =	vld [tilespmem:s1+$0xFFFFFF90];
	v5 =	vcvt.s32.f32 v4  }
0x31b: {  	v16 =	vld [tilespmem:s25+$0xFFFFFFD0];
	v8 =	vcvt.s32.f32 v13;
	v17 =	vcvt.s32.f32 v14  }
0x31c: {  	v11 =	vld [tilespmem:s25+$0xFFFFFFE0];
	v18 =	vcvt.s32.f32 v15;
	v19 =	vcvt.s32.f32 v10  }
0x31d: {  	v12 =	vld [tilespmem:s25+$0xFFFFFFF0];
	v5 =	vmul.f32 v5, v3;
	v3 =	vadd.f32 $1.000000000e+00, v3;
	v17 =	vmul.f32 v17, v6  }
0x31e: {  	v21 =	vld [tilespmem:s1+$0xFFFFFFE0];
	v6 =	vadd.f32 $1.000000000e+00, v6;
	v18 =	vmul.f32 v18, v7;
	v7 =	vadd.f32 $1.000000000e+00, v7  }
0x31f: {  	v25 =	vld [tilespmem:s1+$0xFFFFFFF0];
	v19 =	vmul.f32 v19, v9;
	v9 =	vadd.f32 $1.000000000e+00, v9;
	v8 =	vmul.f32 v8, v23  }
0x320: {  	v20 =	vcvt.s32.f32 v16;
	v23 =	vadd.f32 $1.000000000e+00, v23;
	v5 =	vadd.f32 v5, v5  }
0x321: {  	v22 =	vcvt.s32.f32 v11;
	v17 =	vadd.f32 v17, v17;
	v8 =	vadd.f32 v8, v8  }
0x322: {  	v24 =	vcvt.s32.f32 v12;
	v18 =	vadd.f32 v18, v18;
	v19 =	vadd.f32 v19, v19  }
0x323: {  	v22 =	vmul.f32 v22, v21;
	v3 =	vsub.f32 v3, v5;
	v5 =	vld [tilespmem:s1+$0xFFFFFFD0];
	v8 =	vsub.f32 v23, v8  }
0x324: {  	v24 =	vmul.f32 v24, v25;
	v6 =	vsub.f32 v6, v17;
	v7 =	vsub.f32 v7, v18  }
0x325: {  	v9 =	vsub.f32 v9, v19;
	v3 =	vmul.f32 $1.280000000e+02, v3;
	v8 =	vmul.f32 $1.280000000e+02, v8  }
0x326: {  	v6 =	vmul.f32 $1.280000000e+02, v6;
	v7 =	vmul.f32 $1.280000000e+02, v7  }
0x327: {  	v9 =	vmul.f32 $1.280000000e+02, v9;
	v3 =	vadd.f32 $1.000000000e+00, v3;
	v8 =	vadd.f32 $1.000000000e+00, v8  }
0x328: {  	v6 =	vadd.f32 $1.000000000e+00, v6;
	v7 =	vadd.f32 $1.000000000e+00, v7;
	v20 =	vmul.f32 v20, v5  }
0x329: {  	v9 =	vadd.f32 $1.000000000e+00, v9;
	v3 =	vclamp.gez.f32 v3, $1.024000000e+03;
	v8 =	vclamp.gez.f32 v8, $1.024000000e+03  }
0x32a: {  	s29 =	simm.s32 $0x1F0;
	v22 =	vadd.f32 v22, v22;
	v6 =	vclamp.gez.f32 v6, $1.024000000e+03;
	v7 =	vclamp.gez.f32 v7, $1.024000000e+03  }
0x32b: {  	v58 =	vld [tilespmem:s29+$0xFFFFFFF0];
	v24 =	vadd.f32 v24, v24;
	v9 =	vclamp.gez.f32 v9, $1.024000000e+03;
	v3 =	vtrunc.f32 v3  }
0x32c: {  	v5 =	vadd.f32 $1.000000000e+00, v5;
	v8 =	vtrunc.f32 v8;
	v7 =	vtrunc.f32 v7  }
0x32d: {  	s31 =	simm.s32 $0x81F0;
	v20 =	vadd.f32 v20, v20;
	v9 =	vtrunc.f32 v9;
	v17 =	vcvt.f32.s32 v3  }
0x32e: {  	v3 =	vadd.f32 $1.000000000e+00, v21;
	v21 =	vadd.f32 $1.000000000e+00, v25;
	v23 =	vcvt.f32.s32 v7;
	v7 =	vld [tilespmem:s31+$0xFFFFFFC0]  }
0x32f: {  	v8 =	vcvt.f32.s32 v8;
	v5 =	vsub.f32 v5, v20;
	v20 =	vtrunc.f32 v6;
	v6 =	vld [tilespmem:s31+$0xFFFFFFA0]  }
0x330: {  	v60 =	vadd.f32 $1.000000000e+00, v58;
	v9 =	vcvt.f32.s32 v9;
	v18 =	vsub.f32 v21, v24;
	v21 =	vld [tilespmem:s31+$0x0]  }
0x331: {  	v3 =	vsub.f32 v3, v22;
	v17 =	vshll.u32 v17, $0x1;
	v53 =	vshll.u32 v8, $0x1;
	v8 =	vld [tilespmem:s31+$0xFFFFFFD0]  }
0x332: {  	v20 =	vcvt.f32.s32 v20;
	v28 =	vshll.u32 v9, $0x1;
	v9 =	vld [tilespmem:s31+$0xFFFFFFF0];
	v5 =	vmul.f32 $1.280000000e+02, v5  }
0x333: {  	v23 =	vshll.u32 v23, $0x1;
	v17 =	vsub.s32 v4, v17;
	v3 =	vmul.f32 $1.280000000e+02, v3  }
0x334: {  	v4 =	vld [tilespmem:s31+$0xFFFFFFB0];
	v13 =	vsub.s32 v13, v53;
	v18 =	vmul.f32 $1.280000000e+02, v18;
	v5 =	vadd.f32 $1.000000000e+00, v5  }
0x335: {  	v33 =	vcvt.s32.f32 v7;
	v3 =	vadd.f32 $1.000000000e+00, v3;
	v29 =	vcvt.s32.f32 v6  }
0x336: {  	v22 =	vld [tilespmem:s29+$0x0];
	v18 =	vadd.f32 $1.000000000e+00, v18;
	v5 =	vclamp.gez.f32 v5, $1.024000000e+03;
	v26 =	vcvt.s32.f32 v21  }
0x337: {  	v15 =	vsub.s32 v15, v23;
	v23 =	vld [tilespmem:s29+$0xFFFFFFD0];
	v55 =	vcvt.s32.f32 v8;
	v57 =	vcvt.s32.f32 v9  }
0x338: {  	v32 =	vld [tilespmem:s29+$0xFFFFFFB0];
	v20 =	vshll.u32 v20, $0x1;
	v19 =	vclamp.gez.f32 v3, $1.024000000e+03;
	v18 =	vclamp.gez.f32 v18, $1.024000000e+03  }
0x339: {  	v14 =	vsub.s32 v14, v20;
	v20 =	vld [tilespmem:s29+$0xFFFFFFC0];
	v5 =	vtrunc.f32 v5;
	v31 =	vcvt.s32.f32 v4  }
0x33a: {  	v28 =	vsub.s32 v10, v28;
	v19 =	vtrunc.f32 v19;
	v18 =	vtrunc.f32 v18  }
0x33b: {  	v59 =	vadd.s32 $0x800, v17;
	v54 =	vcvt.f32.s32 v5;
	v26 =	vmul.f32 v26, v22  }
0x33c: {  	v30 =	vld [tilespmem:s29+$0xFFFFFFA0];
	v62 =	vadd.s32 $0x800, v13;
	v24 =	vmul.f32 v55, v23;
	v19 =	vcvt.f32.s32 v19  }
0x33d: {  	v22 =	vadd.f32 $1.000000000e+00, v22;
	v18 =	vcvt.f32.s32 v18;
	v31 =	vmul.f32 v31, v32  }
0x33e: {  	v5 =	vld [tilespmem:s31+$0xFFFFFFE0];
	v32 =	vadd.f32 $1.000000000e+00, v32;
	v33 =	vmul.f32 v33, v20;
	v26 =	vadd.f32 v26, v26  }
0x33f: {  	v3 =	vld [tilespmem:s31+$0xFFFFFF90];
	v20 =	vadd.f32 $1.000000000e+00, v20;
	v25 =	vshll.u32 v54, $0x1;
	v19 =	vshll.u32 v19, $0x1  }
0x340: {  	v18 =	vshll.u32 v18, $0x1;
	v10 =	vsub.s32 v16, v25;
	v16 =	vld [tilespmem:s29+$0xFFFFFFE0];
	v22 =	vsub.f32 v22, v26  }
0x341: {  	v11 =	vsub.s32 v11, v19;
	v19 =	vmul.f32 v29, v30;
	v12 =	vsub.s32 v12, v18;
	v18 =	vld [tilespmem:s29+$0xFFFFFF90]  }
0x342: {  	v24 =	vadd.f32 v24, v24;
	v31 =	vadd.f32 v31, v31;
	v22 =	vmul.f32 $1.280000000e+02, v22  }
0x343: {  	v30 =	vadd.f32 $1.000000000e+00, v30;
	v56 =	vcvt.s32.f32 v5;
	v19 =	vadd.f32 v19, v19  }
0x344: {  	v33 =	vadd.f32 v33, v33;
	v27 =	vcvt.s32.f32 v3;
	v22 =	vadd.f32 $1.000000000e+00, v22  }
0x345: {  	v26 =	vmul.f32 v56, v16;
	v16 =	vadd.f32 $1.000000000e+00, v16;
	v19 =	vsub.f32 v30, v19  }
0x346: {  	v27 =	vmul.f32 v27, v18;
	v18 =	vadd.f32 $1.000000000e+00, v18;
	v22 =	vclamp.gez.f32 v22, $1.024000000e+03  }
0x347: {  	v26 =	vadd.f32 v26, v26;
	v13 =	vmul.f32 $1.280000000e+02, v19;
	v22 =	vtrunc.f32 v22  }
0x348: {  	v19 =	vsub.f32 v20, v33;
	v17 =	vadd.f32 v27, v27;
	v22 =	vcvt.f32.s32 v22  }
0x349: {  	v25 =	vmul.f32 v57, v58;
	v16 =	vsub.f32 v16, v26;
	v13 =	vadd.f32 $1.000000000e+00, v13  }
0x34a: {  	v19 =	vmul.f32 $1.280000000e+02, v19;
	v17 =	vsub.f32 v18, v17;
	v22 =	vshll.u32 v22, $0x1  }
0x34b: {  	v18 =	vsub.f32 v32, v31;
	v21 =	vsub.s32 v21, v22;
	v22 =	vadd.f32 $1.000000000e+00, v23  }
0x34c: {  	v16 =	vmul.f32 $1.280000000e+02, v16;
	v19 =	vadd.f32 $1.000000000e+00, v19;
	v23 =	vadd.f32 v25, v25  }
0x34d: {  	v17 =	vmul.f32 $1.280000000e+02, v17;
	v18 =	vmul.f32 $1.280000000e+02, v18;
	v20 =	vsub.f32 v22, v24  }
0x34e: {  	v61 =	vadd.s32 $0x800, v21;
	v16 =	vadd.f32 $1.000000000e+00, v16;
	v21 =	vsub.f32 v60, v23  }
0x34f: {  	v17 =	vadd.f32 $1.000000000e+00, v17;
	v18 =	vadd.f32 $1.000000000e+00, v18;
	v20 =	vmul.f32 $1.280000000e+02, v20  }
0x350: {  	v23 =	vclamp.gez.f32 v13, $1.024000000e+03;
	v13 =	vadd.s32 $0x800, v14;
	v21 =	vmul.f32 $1.280000000e+02, v21  }
0x351: {  	v22 =	vclamp.gez.f32 v17, $1.024000000e+03;
	v17 =	vclamp.gez.f32 v18, $1.024000000e+03;
	v20 =	vadd.f32 $1.000000000e+00, v20  }
0x352: {  	[tilespmem:v59+s23+$0x0] =	vst.idx.add.f32.msk $0xffff, v1;
	v22 =	vtrunc.f32 v22;
	v63 =	vadd.f32 $1.000000000e+00, v21;
	v21 =	vclamp.gez.f32 v19, $1.024000000e+03  }
0x353: {  	[tilespmem:v62+s23+$0x0] =	vst.idx.add.f32.msk $0xffff, v1;
	v14 =	vadd.s32 $0x800, v15;
	v19 =	vtrunc.f32 v23;
	v18 =	vclamp.gez.f32 v20, $1.024000000e+03  }
0x354: {  	s30 =	simm.s32 $0x8;
	s1 =	simm.s32 $0x82F0;
	v15 =	vadd.s32 $0x800, v28;
	[tilespmem:v61+s23+$0x0] =	vst.idx.add.f32.msk $0xffff, v1;
	v20 =	vclamp.gez.f32 v16, $1.024000000e+03;
	v16 =	vclamp.gez.f32 v63, $1.024000000e+03  }
.LBB2_42:
0x355: {  	v23 =	vld [tilespmem:s1+$0x0];
	s30 =	sadd.s32 $0x8, s30;
	v17 =	vtrunc.f32 v17;
	v21 =	vtrunc.f32 v21;
	v24 =	vadd.s32 $0x800, v10  }
0x356: {  	v18 =	vtrunc.f32 v18;
	v20 =	vtrunc.f32 v20;
	s29 =	sadd.s32 $0x100, s29;
	v25 =	vadd.s32 $0x800, v11;
	v10 =	vld [tilespmem:s1+$0xFFFFFF90];
	p0 =	slt.u32 s30, $0x3F8  }
0x357: {  	v22 =	vcvt.f32.s32 v22;
	v16 =	vtrunc.f32 v16;
	v26 =	vadd.s32 $0x800, v12;
	v11 =	vld [tilespmem:s29+$0x0]  }
0x358: {  	v19 =	vcvt.f32.s32 v19;
	v17 =	vcvt.f32.s32 v17;
	v12 =	vld [tilespmem:s1+$0xFFFFFFA0]  }
0x359: {  	v21 =	vcvt.f32.s32 v21;
	v18 =	vcvt.f32.s32 v18;
	v22 =	vshll.u32 v22, $0x1;
	v27 =	vld [tilespmem:s1+$0xFFFFFFB0]  }
0x35a: {  	v20 =	vcvt.f32.s32 v20;
	v19 =	vshll.u32 v19, $0x1;
	v28 =	vld [tilespmem:s1+$0xFFFFFFC0];
	v29 =	vcvt.s32.f32 v23  }
0x35b: {  	v16 =	vcvt.f32.s32 v16;
	v17 =	vshll.u32 v17, $0x1;
	v30 =	vcvt.s32.f32 v10;
	v31 =	vld [tilespmem:s1+$0xFFFFFFD0]  }
0x35c: {  	v21 =	vshll.u32 v21, $0x1;
	v18 =	vshll.u32 v18, $0x1;
	v32 =	vld [tilespmem:s1+$0xFFFFFFE0];
	v29 =	vmul.f32 v29, v11  }
0x35d: {  	v20 =	vshll.u32 v20, $0x1;
	v16 =	vshll.u32 v16, $0x1;
	v33 =	vcvt.s32.f32 v12;
	v34 =	vld [tilespmem:s1+$0xFFFFFFF0]  }
0x35e: {  	v11 =	vadd.f32 $1.000000000e+00, v11;
	v35 =	vld [tilespmem:s29+$0xFFFFFFA0];
	v36 =	vcvt.s32.f32 v27;
	v29 =	vadd.f32 v29, v29  }
0x35f: {  	v22 =	vsub.s32 v3, v22;
	v19 =	vsub.s32 v6, v19;
	v3 =	vmovc v10;
	v6 =	vmovc v12;
	v37 =	vld [tilespmem:s29+$0xFFFFFFB0];
	v38 =	vcvt.s32.f32 v28  }
0x360: {  	v39 =	vld [tilespmem:s29+$0xFFFFFFC0];
	v40 =	vcvt.s32.f32 v31;
	v11 =	vsub.f32 v11, v29;
	v29 =	vsub.s32 v4, v17;
	v4 =	vmovc v27  }
0x361: {  	v41 =	vsub.s32 v7, v21;
	v10 =	vsub.s32 v8, v18;
	v7 =	vmovc v28;
	v8 =	vmovc v31;
	v17 =	vld [tilespmem:s29+$0xFFFFFFD0];
	v27 =	vcvt.s32.f32 v32  }
0x362: {  	v18 =	vld [tilespmem:s29+$0xFFFFFFE0];
	v21 =	vcvt.s32.f32 v34;
	v28 =	vmul.f32 $1.280000000e+02, v11;
	v11 =	vsub.s32 v5, v20;
	v5 =	vmovc v32  }
0x363: {  	v12 =	vsub.s32 v9, v16;
	v9 =	vmovc v34;
	v20 =	vmul.f32 v33, v35;
	v31 =	vadd.f32 $1.000000000e+00, v35;
	v32 =	vld [tilespmem:s29+$0xFFFFFFF0]  }
0x364: {  	v16 =	vld [tilespmem:s29+$0xFFFFFF90];
	v33 =	vmul.f32 v36, v37;
	v34 =	vadd.f32 $1.000000000e+00, v37;
	v28 =	vadd.f32 $1.000000000e+00, v28  }
0x365: {  	v20 =	vadd.f32 v20, v20;
	v35 =	vmul.f32 v38, v39;
	v36 =	vadd.f32 $1.000000000e+00, v39;
	[tilespmem:v13+s23+$0x0] =	vst.idx.add.f32.msk $0xffff, v1  }
0x366: {  	v13 =	vadd.f32 v33, v33;
	v33 =	vmul.f32 v40, v17;
	v28 =	vclamp.gez.f32 v28, $1.024000000e+03;
	[tilespmem:v14+s23+$0x0] =	vst.idx.add.f32.msk $0xffff, v1  }
0x367: {  	v14 =	vadd.f32 v35, v35;
	v27 =	vmul.f32 v27, v18;
	v28 =	vtrunc.f32 v28;
	[tilespmem:v15+s23+$0x0] =	vst.idx.add.f32.msk $0xffff, v1  }
0x368: {  	v15 =	vadd.f32 v33, v33;
	v21 =	vmul.f32 v21, v32;
	v28 =	vcvt.f32.s32 v28;
	[tilespmem:v24+s23+$0x0] =	vst.idx.add.f32.msk $0xffff, v1  }
0x369: {  	v24 =	vmul.f32 v30, v16;
	v16 =	vadd.f32 $1.000000000e+00, v16;
	v27 =	vadd.f32 v27, v27;
	[tilespmem:v25+s23+$0x0] =	vst.idx.add.f32.msk $0xffff, v1  }
0x36a: {  	v17 =	vadd.f32 $1.000000000e+00, v17;
	v21 =	vadd.f32 v21, v21;
	v25 =	vshll.u32 v28, $0x1;
	[tilespmem:v26+s23+$0x0] =	vst.idx.add.f32.msk $0xffff, v1  }
0x36b: {  	v18 =	vadd.f32 $1.000000000e+00, v18;
	v24 =	vadd.f32 v24, v24;
	v23 =	vsub.s32 v23, v25  }
0x36c: {  	v20 =	vsub.f32 v31, v20;
	v25 =	vadd.f32 $1.000000000e+00, v32;
	v23 =	vadd.s32 $0x800, v23  }
0x36d: {  	v22 =	vadd.s32 $0x800, v22;
	v13 =	vsub.f32 v34, v13;
	v16 =	vsub.f32 v16, v24  }
0x36e: {  	v20 =	vmul.f32 $1.280000000e+02, v20;
	v14 =	vsub.f32 v36, v14;
	v15 =	vsub.f32 v17, v15  }
0x36f: {  	v17 =	vsub.f32 v18, v27;
	v18 =	vsub.f32 v25, v21;
	v16 =	vmul.f32 $1.280000000e+02, v16  }
0x370: {  	v13 =	vmul.f32 $1.280000000e+02, v13;
	v20 =	vadd.f32 $1.000000000e+00, v20;
	v14 =	vmul.f32 $1.280000000e+02, v14  }
0x371: {  	v15 =	vmul.f32 $1.280000000e+02, v15;
	v17 =	vmul.f32 $1.280000000e+02, v17;
	v16 =	vadd.f32 $1.000000000e+00, v16;
	[tilespmem:v23+s23+$0x0] =	vst.idx.add.f32.msk $0xffff, v1  }
0x372: {  	v13 =	vadd.f32 $1.000000000e+00, v13;
	v14 =	vadd.f32 $1.000000000e+00, v14;
	v18 =	vmul.f32 $1.280000000e+02, v18;
	[tilespmem:v22+s23+$0x0] =	vst.idx.add.f32.msk $0xffff, v1  }
.Ltmp20:
0x373: {  	v15 =	vadd.f32 $1.000000000e+00, v15;
	v22 =	vclamp.gez.f32 v16, $1.024000000e+03;
	v16 =	vadd.f32 $1.000000000e+00, v17;
	(pc) =	sbr.rel @p0 .LBB2_42-.Ltmp20, $4  }
0x374: {  	v23 =	vclamp.gez.f32 v20, $1.024000000e+03;
	v24 =	vadd.f32 $1.000000000e+00, v18;
	v17 =	vclamp.gez.f32 v13, $1.024000000e+03  }
0x375: {  	v21 =	vclamp.gez.f32 v14, $1.024000000e+03;
	v18 =	vclamp.gez.f32 v15, $1.024000000e+03;
	v13 =	vadd.s32 $0x800, v19  }
0x376: {  	v14 =	vadd.s32 $0x800, v29;
	v20 =	vclamp.gez.f32 v16, $1.024000000e+03;
	v16 =	vclamp.gez.f32 v24, $1.024000000e+03  }
0x377: {  	s1 =	sadd.s32 $0x100, s1;
	v15 =	vadd.s32 $0x800, v41;
	v19 =	vtrunc.f32 v23;
	v22 =	vtrunc.f32 v22  }
0x378: {  	v17 =	vtrunc.f32 v17  }
0x379: {  	v21 =	vtrunc.f32 v21;
	v18 =	vtrunc.f32 v18  }
0x37a: {  	v10 =	vadd.s32 $0x800, v10;
	v20 =	vtrunc.f32 v20;
	v22 =	vcvt.f32.s32 v22  }
0x37b: {  	v11 =	vadd.s32 $0x800, v11;
	v16 =	vtrunc.f32 v16;
	v19 =	vcvt.f32.s32 v19  }
0x37c: {  	v12 =	vadd.s32 $0x800, v12;
	v17 =	vcvt.f32.s32 v17;
	v21 =	vcvt.f32.s32 v21  }
0x37d: {  	v18 =	vcvt.f32.s32 v18;
	v20 =	vcvt.f32.s32 v20;
	v22 =	vshll.u32 v22, $0x1  }
0x37e: {  	[tilespmem:v13+s23+$0x0] =	vst.idx.add.f32.msk $0xffff, v1;
	v58 =	vcvt.f32.s32 v16;
	v19 =	vshll.u32 v19, $0x1;
	v3 =	vsub.s32 v3, v22  }
0x37f: {  	[tilespmem:v14+s23+$0x0] =	vst.idx.add.f32.msk $0xffff, v1;
	v17 =	vshll.u32 v17, $0x1;
	v6 =	vsub.s32 v6, v19;
	v3 =	vadd.s32 $0x800, v3  }
0x380: {  	[tilespmem:v15+s23+$0x0] =	vst.idx.add.f32.msk $0xffff, v1;
	v59 =	vshll.u32 v21, $0x1;
	v4 =	vsub.s32 v4, v17;
	v6 =	vadd.s32 $0x800, v6  }
0x381: {  	v60 =	vshll.u32 v18, $0x1;
	v7 =	vsub.s32 v7, v59;
	[tilespmem:v10+s23+$0x0] =	vst.idx.add.f32.msk $0xffff, v1;
	v4 =	vadd.s32 $0x800, v4  }
0x382: {  	v62 =	vshll.u32 v58, $0x1;
	v8 =	vsub.s32 v8, v60;
	[tilespmem:v11+s23+$0x0] =	vst.idx.add.f32.msk $0xffff, v1;
	v7 =	vadd.s32 $0x800, v7  }
0x383: {  	v61 =	vshll.u32 v20, $0x1;
	v9 =	vsub.s32 v9, v62;
	[tilespmem:v12+s23+$0x0] =	vst.idx.add.f32.msk $0xffff, v1;
	v8 =	vadd.s32 $0x800, v8  }
0x384: {  	v5 =	vsub.s32 v5, v61;
	v63 =	vadd.s32 $0x800, v9;
	[tilespmem:v3+s23+$0x0] =	vst.idx.add.f32.msk $0xffff, v1  }
0x385: {  	v3 =	vadd.s32 $0x800, v5;
	[tilespmem:v6+s23+$0x0] =	vst.idx.add.f32.msk $0xffff, v1  }
0x386: {  	[tilespmem:v4+s23+$0x0] =	vst.idx.add.f32.msk $0xffff, v1  }
0x387: {  	[tilespmem:v7+s23+$0x0] =	vst.idx.add.f32.msk $0xffff, v1  }
0x388: {  	[tilespmem:v8+s23+$0x0] =	vst.idx.add.f32.msk $0xffff, v1  }
0x389: {  	s0 =	simm.s32 $0x80;
	[tilespmem:v63+s23+$0x0] =	vst.idx.add.f32.msk $0xffff, v1  }
0x38a: {  	s1 =	simm.s32 $0x80;
	s30 =	sadd.s32 $0x0, s18;
	s29 =	simm.s32 $0x180;
	[tilespmem:v3+s23+$0x0] =	vst.idx.add.f32.msk $0xffff, v1  }
.LBB2_44:
0x38b: {  	[tilespmem:s0], [sflag:$0x2] =	stream.linear.gather [hbm4b:s30+s2], $0x80, $0x38;
	[tilespmem:$0x10900] =	vst v63  }
0x38c: {  	s30 =	smov.u32 s1;
	s0 =	smov.u32 s29;
	p0 =	sne.s32 s1, $0x3F80  }
.Ltmp21:
0x38d: {  	s1 =	sadd.s32 $0x80, s1;
	(pc) =	sbr.rel @p0 .LBB2_44-.Ltmp21, $2  }
0x38e: {  	_ =	sdelay $0x2  }
0x38f: {  	s29 =	sadd.s32 $0x100, s29;
	s30 =	sadd.s32 s30, s18  }
0x390: {  	[tilespmem:s0], [sflag:$0x2] =	stream.linear.gather [hbm4b:s30+s2], $0x80, $0x38;
	[tilespmem:$0x10900] =	vst v63  }
0x391: {  	s0 =	simm.s32 $0x8080  }
0x392: {  	s1 =	simm.s32 $0x80;
	s30 =	sadd.s32 $0x0, s19;
	s29 =	simm.s32 $0x8180  }
.LBB2_46:
0x393: {  	[tilespmem:s0], [sflag:$0x2] =	stream.linear.gather [hbm4b:s30+s2], $0x80, $0x38;
	[tilespmem:$0x10900] =	vst v63  }
0x394: {  	s30 =	smov.u32 s1;
	s0 =	smov.u32 s29;
	p0 =	sne.s32 s1, $0x3F80  }
.Ltmp22:
0x395: {  	s1 =	sadd.s32 $0x80, s1;
	(pc) =	sbr.rel @p0 .LBB2_46-.Ltmp22, $2  }
0x396: {  	_ =	sdelay $0x2  }
0x397: {  	s29 =	sadd.s32 $0x100, s29;
	s30 =	sadd.s32 s30, s19  }
0x398: {  	[tilespmem:s0], [sflag:$0x2] =	stream.linear.gather [hbm4b:s30+s2], $0x80, $0x38;
	[tilespmem:$0x10900] =	vst v63  }
0x399: {  	_ =	swait.ge [sflag:s22], $0x4000  }
0x39a: {  	[sflag:s22] =	ssyncset.done $0x0  }
0x39b: {  	[sflag:s22] =	ssyncadd.s32 $0xFFFFC000  }
0x39c: {  	_ =	swait.ge [sflag:s22], $0x4000  }
0x39d: {  	[sflag:s22] =	ssyncset.done $0x0  }
0x39e: {  	s25 =	simm.s32 $0x8040;
	[sflag:s22] =	ssyncadd.s32 $0xFFFFC000  }
0x39f: {  	v4 =	vld [tilespmem:s25+$0x30]  }
0x3a0: {  	s1 =	simm.s32 $0x40;
	v13 =	vld [tilespmem:s25+$0xFFFFFFC0]  }
0x3a1: {  	v3 =	vld [tilespmem:s1+$0x30]  }
0x3a2: {  	v14 =	vld [tilespmem:s25+$0xFFFFFFD0]  }
0x3a3: {  	v15 =	vld [tilespmem:s25+$0xFFFFFFE0]  }
0x3a4: {  	v10 =	vld [tilespmem:s25+$0xFFFFFFF0]  }
0x3a5: {  	v6 =	vld [tilespmem:s1+$0xFFFFFFD0]  }
0x3a6: {  	v7 =	vld [tilespmem:s1+$0xFFFFFFE0]  }
0x3a7: {  	v9 =	vld [tilespmem:s1+$0xFFFFFFF0]  }
0x3a8: {  	v23 =	vld [tilespmem:s1+$0xFFFFFFC0];
	v5 =	vcvt.s32.f32 v4  }
0x3a9: {  	v16 =	vld [tilespmem:s25+$0x0];
	v8 =	vcvt.s32.f32 v13;
	v17 =	vcvt.s32.f32 v14  }
0x3aa: {  	v11 =	vld [tilespmem:s25+$0x10];
	v18 =	vcvt.s32.f32 v15;
	v19 =	vcvt.s32.f32 v10  }
0x3ab: {  	v12 =	vld [tilespmem:s25+$0x20];
	v5 =	vmul.f32 v5, v3;
	v3 =	vadd.f32 $1.000000000e+00, v3;
	v17 =	vmul.f32 v17, v6  }
0x3ac: {  	v21 =	vld [tilespmem:s1+$0x10];
	v6 =	vadd.f32 $1.000000000e+00, v6;
	v18 =	vmul.f32 v18, v7;
	v7 =	vadd.f32 $1.000000000e+00, v7  }
0x3ad: {  	v25 =	vld [tilespmem:s1+$0x20];
	v19 =	vmul.f32 v19, v9;
	v9 =	vadd.f32 $1.000000000e+00, v9;
	v8 =	vmul.f32 v8, v23  }
0x3ae: {  	v20 =	vcvt.s32.f32 v16;
	v23 =	vadd.f32 $1.000000000e+00, v23;
	v5 =	vadd.f32 v5, v5  }
0x3af: {  	v22 =	vcvt.s32.f32 v11;
	v17 =	vadd.f32 v17, v17;
	v8 =	vadd.f32 v8, v8  }
0x3b0: {  	v24 =	vcvt.s32.f32 v12;
	v18 =	vadd.f32 v18, v18;
	v19 =	vadd.f32 v19, v19  }
0x3b1: {  	v22 =	vmul.f32 v22, v21;
	v3 =	vsub.f32 v3, v5;
	v5 =	vld [tilespmem:s1+$0x0];
	v8 =	vsub.f32 v23, v8  }
0x3b2: {  	v24 =	vmul.f32 v24, v25;
	v6 =	vsub.f32 v6, v17;
	v7 =	vsub.f32 v7, v18  }
0x3b3: {  	v9 =	vsub.f32 v9, v19;
	v3 =	vmul.f32 $1.280000000e+02, v3;
	v8 =	vmul.f32 $1.280000000e+02, v8  }
0x3b4: {  	v6 =	vmul.f32 $1.280000000e+02, v6;
	v7 =	vmul.f32 $1.280000000e+02, v7  }
0x3b5: {  	v9 =	vmul.f32 $1.280000000e+02, v9;
	v3 =	vadd.f32 $1.000000000e+00, v3;
	v8 =	vadd.f32 $1.000000000e+00, v8  }
0x3b6: {  	v6 =	vadd.f32 $1.000000000e+00, v6;
	v7 =	vadd.f32 $1.000000000e+00, v7;
	v20 =	vmul.f32 v20, v5  }
0x3b7: {  	v9 =	vadd.f32 $1.000000000e+00, v9;
	v3 =	vclamp.gez.f32 v3, $1.024000000e+03;
	v8 =	vclamp.gez.f32 v8, $1.024000000e+03  }
0x3b8: {  	s29 =	simm.s32 $0x140;
	v22 =	vadd.f32 v22, v22;
	v6 =	vclamp.gez.f32 v6, $1.024000000e+03;
	v7 =	vclamp.gez.f32 v7, $1.024000000e+03  }
0x3b9: {  	v58 =	vld [tilespmem:s29+$0x20];
	v24 =	vadd.f32 v24, v24;
	v9 =	vclamp.gez.f32 v9, $1.024000000e+03;
	v3 =	vtrunc.f32 v3  }
0x3ba: {  	v5 =	vadd.f32 $1.000000000e+00, v5;
	v8 =	vtrunc.f32 v8;
	v7 =	vtrunc.f32 v7  }
0x3bb: {  	s31 =	simm.s32 $0x8140;
	v20 =	vadd.f32 v20, v20;
	v9 =	vtrunc.f32 v9;
	v17 =	vcvt.f32.s32 v3  }
0x3bc: {  	v3 =	vadd.f32 $1.000000000e+00, v21;
	v21 =	vadd.f32 $1.000000000e+00, v25;
	v23 =	vcvt.f32.s32 v7;
	v7 =	vld [tilespmem:s31+$0xFFFFFFF0]  }
0x3bd: {  	v8 =	vcvt.f32.s32 v8;
	v5 =	vsub.f32 v5, v20;
	v20 =	vtrunc.f32 v6;
	v6 =	vld [tilespmem:s31+$0xFFFFFFD0]  }
0x3be: {  	v60 =	vadd.f32 $1.000000000e+00, v58;
	v9 =	vcvt.f32.s32 v9;
	v18 =	vsub.f32 v21, v24;
	v21 =	vld [tilespmem:s31+$0x30]  }
0x3bf: {  	v3 =	vsub.f32 v3, v22;
	v17 =	vshll.u32 v17, $0x1;
	v53 =	vshll.u32 v8, $0x1;
	v8 =	vld [tilespmem:s31+$0x0]  }
0x3c0: {  	v20 =	vcvt.f32.s32 v20;
	v28 =	vshll.u32 v9, $0x1;
	v9 =	vld [tilespmem:s31+$0x20];
	v5 =	vmul.f32 $1.280000000e+02, v5  }
0x3c1: {  	v23 =	vshll.u32 v23, $0x1;
	v17 =	vsub.s32 v4, v17;
	v3 =	vmul.f32 $1.280000000e+02, v3  }
0x3c2: {  	v4 =	vld [tilespmem:s31+$0xFFFFFFE0];
	v13 =	vsub.s32 v13, v53;
	v18 =	vmul.f32 $1.280000000e+02, v18;
	v5 =	vadd.f32 $1.000000000e+00, v5  }
0x3c3: {  	v33 =	vcvt.s32.f32 v7;
	v3 =	vadd.f32 $1.000000000e+00, v3;
	v29 =	vcvt.s32.f32 v6  }
0x3c4: {  	v22 =	vld [tilespmem:s29+$0x30];
	v18 =	vadd.f32 $1.000000000e+00, v18;
	v5 =	vclamp.gez.f32 v5, $1.024000000e+03;
	v26 =	vcvt.s32.f32 v21  }
0x3c5: {  	v15 =	vsub.s32 v15, v23;
	v23 =	vld [tilespmem:s29+$0x0];
	v55 =	vcvt.s32.f32 v8;
	v57 =	vcvt.s32.f32 v9  }
0x3c6: {  	v32 =	vld [tilespmem:s29+$0xFFFFFFE0];
	v20 =	vshll.u32 v20, $0x1;
	v19 =	vclamp.gez.f32 v3, $1.024000000e+03;
	v18 =	vclamp.gez.f32 v18, $1.024000000e+03  }
0x3c7: {  	v14 =	vsub.s32 v14, v20;
	v20 =	vld [tilespmem:s29+$0xFFFFFFF0];
	v5 =	vtrunc.f32 v5;
	v31 =	vcvt.s32.f32 v4  }
0x3c8: {  	v28 =	vsub.s32 v10, v28;
	v19 =	vtrunc.f32 v19;
	v18 =	vtrunc.f32 v18  }
0x3c9: {  	v59 =	vadd.s32 $0x800, v17;
	v54 =	vcvt.f32.s32 v5;
	v26 =	vmul.f32 v26, v22  }
0x3ca: {  	v30 =	vld [tilespmem:s29+$0xFFFFFFD0];
	v62 =	vadd.s32 $0x800, v13;
	v24 =	vmul.f32 v55, v23;
	v19 =	vcvt.f32.s32 v19  }
0x3cb: {  	v22 =	vadd.f32 $1.000000000e+00, v22;
	v18 =	vcvt.f32.s32 v18;
	v31 =	vmul.f32 v31, v32  }
0x3cc: {  	v5 =	vld [tilespmem:s31+$0x10];
	v32 =	vadd.f32 $1.000000000e+00, v32;
	v33 =	vmul.f32 v33, v20;
	v26 =	vadd.f32 v26, v26  }
0x3cd: {  	v3 =	vld [tilespmem:s31+$0xFFFFFFC0];
	v20 =	vadd.f32 $1.000000000e+00, v20;
	v25 =	vshll.u32 v54, $0x1;
	v19 =	vshll.u32 v19, $0x1  }
0x3ce: {  	v18 =	vshll.u32 v18, $0x1;
	v10 =	vsub.s32 v16, v25;
	v16 =	vld [tilespmem:s29+$0x10];
	v22 =	vsub.f32 v22, v26  }
0x3cf: {  	v11 =	vsub.s32 v11, v19;
	v19 =	vmul.f32 v29, v30;
	v12 =	vsub.s32 v12, v18;
	v18 =	vld [tilespmem:s29+$0xFFFFFFC0]  }
0x3d0: {  	v24 =	vadd.f32 v24, v24;
	v31 =	vadd.f32 v31, v31;
	v22 =	vmul.f32 $1.280000000e+02, v22  }
0x3d1: {  	v30 =	vadd.f32 $1.000000000e+00, v30;
	v56 =	vcvt.s32.f32 v5;
	v19 =	vadd.f32 v19, v19  }
0x3d2: {  	v33 =	vadd.f32 v33, v33;
	v27 =	vcvt.s32.f32 v3;
	v22 =	vadd.f32 $1.000000000e+00, v22  }
0x3d3: {  	v26 =	vmul.f32 v56, v16;
	v16 =	vadd.f32 $1.000000000e+00, v16;
	v19 =	vsub.f32 v30, v19  }
0x3d4: {  	v27 =	vmul.f32 v27, v18;
	v18 =	vadd.f32 $1.000000000e+00, v18;
	v22 =	vclamp.gez.f32 v22, $1.024000000e+03  }
0x3d5: {  	v26 =	vadd.f32 v26, v26;
	v13 =	vmul.f32 $1.280000000e+02, v19;
	v22 =	vtrunc.f32 v22  }
0x3d6: {  	v19 =	vsub.f32 v20, v33;
	v17 =	vadd.f32 v27, v27;
	v22 =	vcvt.f32.s32 v22  }
0x3d7: {  	v25 =	vmul.f32 v57, v58;
	v16 =	vsub.f32 v16, v26;
	v13 =	vadd.f32 $1.000000000e+00, v13  }
0x3d8: {  	v19 =	vmul.f32 $1.280000000e+02, v19;
	v17 =	vsub.f32 v18, v17;
	v22 =	vshll.u32 v22, $0x1  }
0x3d9: {  	v18 =	vsub.f32 v32, v31;
	v21 =	vsub.s32 v21, v22;
	v22 =	vadd.f32 $1.000000000e+00, v23  }
0x3da: {  	v16 =	vmul.f32 $1.280000000e+02, v16;
	v19 =	vadd.f32 $1.000000000e+00, v19;
	v23 =	vadd.f32 v25, v25  }
0x3db: {  	v17 =	vmul.f32 $1.280000000e+02, v17;
	v18 =	vmul.f32 $1.280000000e+02, v18;
	v20 =	vsub.f32 v22, v24  }
0x3dc: {  	v61 =	vadd.s32 $0x800, v21;
	v16 =	vadd.f32 $1.000000000e+00, v16;
	v21 =	vsub.f32 v60, v23  }
0x3dd: {  	v17 =	vadd.f32 $1.000000000e+00, v17;
	v18 =	vadd.f32 $1.000000000e+00, v18;
	v20 =	vmul.f32 $1.280000000e+02, v20  }
0x3de: {  	v23 =	vclamp.gez.f32 v13, $1.024000000e+03;
	v13 =	vadd.s32 $0x800, v14;
	v21 =	vmul.f32 $1.280000000e+02, v21  }
0x3df: {  	v22 =	vclamp.gez.f32 v17, $1.024000000e+03;
	v17 =	vclamp.gez.f32 v18, $1.024000000e+03;
	v20 =	vadd.f32 $1.000000000e+00, v20  }
0x3e0: {  	[tilespmem:v59+s23+$0x0] =	vst.idx.add.f32.msk $0xffff, v1;
	v22 =	vtrunc.f32 v22;
	v63 =	vadd.f32 $1.000000000e+00, v21;
	v21 =	vclamp.gez.f32 v19, $1.024000000e+03  }
0x3e1: {  	[tilespmem:v62+s23+$0x0] =	vst.idx.add.f32.msk $0xffff, v1;
	v14 =	vadd.s32 $0x800, v15;
	v19 =	vtrunc.f32 v23;
	v18 =	vclamp.gez.f32 v20, $1.024000000e+03  }
0x3e2: {  	s30 =	simm.s32 $0x8;
	s1 =	simm.s32 $0x8240;
	v15 =	vadd.s32 $0x800, v28;
	[tilespmem:v61+s23+$0x0] =	vst.idx.add.f32.msk $0xffff, v1;
	v20 =	vclamp.gez.f32 v16, $1.024000000e+03;
	v16 =	vclamp.gez.f32 v63, $1.024000000e+03  }
.LBB2_48:
0x3e3: {  	v23 =	vld [tilespmem:s1+$0x30];
	s30 =	sadd.s32 $0x8, s30;
	v17 =	vtrunc.f32 v17;
	v21 =	vtrunc.f32 v21;
	v24 =	vadd.s32 $0x800, v10  }
0x3e4: {  	v18 =	vtrunc.f32 v18;
	v20 =	vtrunc.f32 v20;
	s29 =	sadd.s32 $0x100, s29;
	v25 =	vadd.s32 $0x800, v11;
	v10 =	vld [tilespmem:s1+$0xFFFFFFC0];
	p0 =	slt.u32 s30, $0x3F8  }
0x3e5: {  	v22 =	vcvt.f32.s32 v22;
	v16 =	vtrunc.f32 v16;
	v26 =	vadd.s32 $0x800, v12;
	v11 =	vld [tilespmem:s29+$0x30]  }
0x3e6: {  	v19 =	vcvt.f32.s32 v19;
	v17 =	vcvt.f32.s32 v17;
	v12 =	vld [tilespmem:s1+$0xFFFFFFD0]  }
0x3e7: {  	v21 =	vcvt.f32.s32 v21;
	v18 =	vcvt.f32.s32 v18;
	v22 =	vshll.u32 v22, $0x1;
	v27 =	vld [tilespmem:s1+$0xFFFFFFE0]  }
0x3e8: {  	v20 =	vcvt.f32.s32 v20;
	v19 =	vshll.u32 v19, $0x1;
	v28 =	vld [tilespmem:s1+$0xFFFFFFF0];
	v29 =	vcvt.s32.f32 v23  }
0x3e9: {  	v16 =	vcvt.f32.s32 v16;
	v17 =	vshll.u32 v17, $0x1;
	v30 =	vcvt.s32.f32 v10;
	v31 =	vld [tilespmem:s1+$0x0]  }
0x3ea: {  	v21 =	vshll.u32 v21, $0x1;
	v18 =	vshll.u32 v18, $0x1;
	v32 =	vld [tilespmem:s1+$0x10];
	v29 =	vmul.f32 v29, v11  }
0x3eb: {  	v20 =	vshll.u32 v20, $0x1;
	v16 =	vshll.u32 v16, $0x1;
	v33 =	vcvt.s32.f32 v12;
	v34 =	vld [tilespmem:s1+$0x20]  }
0x3ec: {  	v11 =	vadd.f32 $1.000000000e+00, v11;
	v35 =	vld [tilespmem:s29+$0xFFFFFFD0];
	v36 =	vcvt.s32.f32 v27;
	v29 =	vadd.f32 v29, v29  }
0x3ed: {  	v22 =	vsub.s32 v3, v22;
	v19 =	vsub.s32 v6, v19;
	v3 =	vmovc v10;
	v6 =	vmovc v12;
	v37 =	vld [tilespmem:s29+$0xFFFFFFE0];
	v38 =	vcvt.s32.f32 v28  }
0x3ee: {  	v39 =	vld [tilespmem:s29+$0xFFFFFFF0];
	v40 =	vcvt.s32.f32 v31;
	v11 =	vsub.f32 v11, v29;
	v29 =	vsub.s32 v4, v17;
	v4 =	vmovc v27  }
0x3ef: {  	v41 =	vsub.s32 v7, v21;
	v10 =	vsub.s32 v8, v18;
	v7 =	vmovc v28;
	v8 =	vmovc v31;
	v17 =	vld [tilespmem:s29+$0x0];
	v27 =	vcvt.s32.f32 v32  }
0x3f0: {  	v18 =	vld [tilespmem:s29+$0x10];
	v21 =	vcvt.s32.f32 v34;
	v28 =	vmul.f32 $1.280000000e+02, v11;
	v11 =	vsub.s32 v5, v20;
	v5 =	vmovc v32  }
0x3f1: {  	v12 =	vsub.s32 v9, v16;
	v9 =	vmovc v34;
	v20 =	vmul.f32 v33, v35;
	v31 =	vadd.f32 $1.000000000e+00, v35;
	v32 =	vld [tilespmem:s29+$0x20]  }
0x3f2: {  	v16 =	vld [tilespmem:s29+$0xFFFFFFC0];
	v33 =	vmul.f32 v36, v37;
	v34 =	vadd.f32 $1.000000000e+00, v37;
	v28 =	vadd.f32 $1.000000000e+00, v28  }
0x3f3: {  	v20 =	vadd.f32 v20, v20;
	v35 =	vmul.f32 v38, v39;
	v36 =	vadd.f32 $1.000000000e+00, v39;
	[tilespmem:v13+s23+$0x0] =	vst.idx.add.f32.msk $0xffff, v1  }
0x3f4: {  	v13 =	vadd.f32 v33, v33;
	v33 =	vmul.f32 v40, v17;
	v28 =	vclamp.gez.f32 v28, $1.024000000e+03;
	[tilespmem:v14+s23+$0x0] =	vst.idx.add.f32.msk $0xffff, v1  }
0x3f5: {  	v14 =	vadd.f32 v35, v35;
	v27 =	vmul.f32 v27, v18;
	v28 =	vtrunc.f32 v28;
	[tilespmem:v15+s23+$0x0] =	vst.idx.add.f32.msk $0xffff, v1  }
0x3f6: {  	v15 =	vadd.f32 v33, v33;
	v21 =	vmul.f32 v21, v32;
	v28 =	vcvt.f32.s32 v28;
	[tilespmem:v24+s23+$0x0] =	vst.idx.add.f32.msk $0xffff, v1  }
0x3f7: {  	v24 =	vmul.f32 v30, v16;
	v16 =	vadd.f32 $1.000000000e+00, v16;
	v27 =	vadd.f32 v27, v27;
	[tilespmem:v25+s23+$0x0] =	vst.idx.add.f32.msk $0xffff, v1  }
0x3f8: {  	v17 =	vadd.f32 $1.000000000e+00, v17;
	v21 =	vadd.f32 v21, v21;
	v25 =	vshll.u32 v28, $0x1;
	[tilespmem:v26+s23+$0x0] =	vst.idx.add.f32.msk $0xffff, v1  }
0x3f9: {  	v18 =	vadd.f32 $1.000000000e+00, v18;
	v24 =	vadd.f32 v24, v24;
	v23 =	vsub.s32 v23, v25  }
0x3fa: {  	v20 =	vsub.f32 v31, v20;
	v25 =	vadd.f32 $1.000000000e+00, v32;
	v23 =	vadd.s32 $0x800, v23  }
0x3fb: {  	v22 =	vadd.s32 $0x800, v22;
	v13 =	vsub.f32 v34, v13;
	v16 =	vsub.f32 v16, v24  }
0x3fc: {  	v20 =	vmul.f32 $1.280000000e+02, v20;
	v14 =	vsub.f32 v36, v14;
	v15 =	vsub.f32 v17, v15  }
0x3fd: {  	v17 =	vsub.f32 v18, v27;
	v18 =	vsub.f32 v25, v21;
	v16 =	vmul.f32 $1.280000000e+02, v16  }
0x3fe: {  	v13 =	vmul.f32 $1.280000000e+02, v13;
	v20 =	vadd.f32 $1.000000000e+00, v20;
	v14 =	vmul.f32 $1.280000000e+02, v14  }
0x3ff: {  	v15 =	vmul.f32 $1.280000000e+02, v15;
	v17 =	vmul.f32 $1.280000000e+02, v17;
	v16 =	vadd.f32 $1.000000000e+00, v16;
	[tilespmem:v23+s23+$0x0] =	vst.idx.add.f32.msk $0xffff, v1  }
0x400: {  	v13 =	vadd.f32 $1.000000000e+00, v13;
	v14 =	vadd.f32 $1.000000000e+00, v14;
	v18 =	vmul.f32 $1.280000000e+02, v18;
	[tilespmem:v22+s23+$0x0] =	vst.idx.add.f32.msk $0xffff, v1  }
.Ltmp23:
0x401: {  	v15 =	vadd.f32 $1.000000000e+00, v15;
	v22 =	vclamp.gez.f32 v16, $1.024000000e+03;
	v16 =	vadd.f32 $1.000000000e+00, v17;
	(pc) =	sbr.rel @p0 .LBB2_48-.Ltmp23, $4  }
0x402: {  	v23 =	vclamp.gez.f32 v20, $1.024000000e+03;
	v24 =	vadd.f32 $1.000000000e+00, v18;
	v17 =	vclamp.gez.f32 v13, $1.024000000e+03  }
0x403: {  	v21 =	vclamp.gez.f32 v14, $1.024000000e+03;
	v18 =	vclamp.gez.f32 v15, $1.024000000e+03;
	v13 =	vadd.s32 $0x800, v19  }
0x404: {  	v14 =	vadd.s32 $0x800, v29;
	v20 =	vclamp.gez.f32 v16, $1.024000000e+03;
	v16 =	vclamp.gez.f32 v24, $1.024000000e+03  }
0x405: {  	s1 =	sadd.s32 $0x100, s1;
	v15 =	vadd.s32 $0x800, v41;
	v19 =	vtrunc.f32 v23;
	v22 =	vtrunc.f32 v22  }
0x406: {  	v17 =	vtrunc.f32 v17  }
0x407: {  	v21 =	vtrunc.f32 v21;
	v18 =	vtrunc.f32 v18  }
0x408: {  	v10 =	vadd.s32 $0x800, v10;
	v20 =	vtrunc.f32 v20;
	v22 =	vcvt.f32.s32 v22  }
0x409: {  	v11 =	vadd.s32 $0x800, v11;
	v16 =	vtrunc.f32 v16;
	v19 =	vcvt.f32.s32 v19  }
0x40a: {  	v12 =	vadd.s32 $0x800, v12;
	v17 =	vcvt.f32.s32 v17;
	v21 =	vcvt.f32.s32 v21  }
0x40b: {  	v18 =	vcvt.f32.s32 v18;
	v20 =	vcvt.f32.s32 v20;
	v22 =	vshll.u32 v22, $0x1  }
0x40c: {  	[tilespmem:v13+s23+$0x0] =	vst.idx.add.f32.msk $0xffff, v1;
	v13 =	vcvt.f32.s32 v16;
	v19 =	vshll.u32 v19, $0x1;
	v3 =	vsub.s32 v3, v22  }
0x40d: {  	[tilespmem:v14+s23+$0x0] =	vst.idx.add.f32.msk $0xffff, v1;
	v17 =	vshll.u32 v17, $0x1;
	v6 =	vsub.s32 v6, v19;
	v3 =	vadd.s32 $0x800, v3  }
0x40e: {  	[tilespmem:v15+s23+$0x0] =	vst.idx.add.f32.msk $0xffff, v1;
	v14 =	vshll.u32 v21, $0x1;
	v4 =	vsub.s32 v4, v17;
	v6 =	vadd.s32 $0x800, v6  }
0x40f: {  	v15 =	vshll.u32 v18, $0x1;
	v7 =	vsub.s32 v7, v14;
	[tilespmem:v10+s23+$0x0] =	vst.idx.add.f32.msk $0xffff, v1;
	v4 =	vadd.s32 $0x800, v4  }
0x410: {  	v8 =	vsub.s32 v8, v15;
	v10 =	vshll.u32 v20, $0x1;
	[tilespmem:v11+s23+$0x0] =	vst.idx.add.f32.msk $0xffff, v1;
	v7 =	vadd.s32 $0x800, v7  }
0x411: {  	v11 =	vshll.u32 v13, $0x1;
	[tilespmem:v12+s23+$0x0] =	vst.idx.add.f32.msk $0xffff, v1;
	v8 =	vadd.s32 $0x800, v8;
	v5 =	vsub.s32 v5, v10  }
0x412: {  	v9 =	vsub.s32 v9, v11;
	[tilespmem:v3+s23+$0x0] =	vst.idx.add.f32.msk $0xffff, v1;
	v3 =	vadd.s32 $0x800, v5  }
0x413: {  	v5 =	vadd.s32 $0x800, v9;
	[tilespmem:v6+s23+$0x0] =	vst.idx.add.f32.msk $0xffff, v1  }
0x414: {  	[tilespmem:v4+s23+$0x0] =	vst.idx.add.f32.msk $0xffff, v1  }
0x415: {  	[tilespmem:v7+s23+$0x0] =	vst.idx.add.f32.msk $0xffff, v1  }
0x416: {  	[tilespmem:v8+s23+$0x0] =	vst.idx.add.f32.msk $0xffff, v1  }
0x417: {  	[tilespmem:v3+s23+$0x0] =	vst.idx.add.f32.msk $0xffff, v1  }
0x418: {  	[tilespmem:v5+s23+$0x0] =	vst.idx.add.f32.msk $0xffff, v1  }
0x419: {  	_ =	swait.ge [sflag:s24], $0x4000  }
0x41a: {  	[sflag:s24] =	ssyncset.done $0x0  }
0x41b: {  	[sflag:s24] =	ssyncadd.s32 $0xFFFFC000  }
0x41c: {  	_ =	swait.ge [sflag:s24], $0x4000  }
0x41d: {  	[sflag:s24] =	ssyncset.done $0x0  }
0x41e: {  	s0 =	simm.s32 $0x80F0;
	[sflag:s24] =	ssyncadd.s32 $0xFFFFC000  }
0x41f: {  	v4 =	vld [tilespmem:s0+$0x0]  }
0x420: {  	s1 =	simm.s32 $0xF0;
	v13 =	vld [tilespmem:s0+$0xFFFFFF90]  }
0x421: {  	v3 =	vld [tilespmem:s1+$0x0]  }
0x422: {  	v14 =	vld [tilespmem:s0+$0xFFFFFFA0]  }
0x423: {  	v15 =	vld [tilespmem:s0+$0xFFFFFFB0]  }
0x424: {  	v11 =	vld [tilespmem:s0+$0xFFFFFFC0]  }
0x425: {  	v6 =	vld [tilespmem:s1+$0xFFFFFFA0]  }
0x426: {  	v7 =	vld [tilespmem:s1+$0xFFFFFFB0]  }
0x427: {  	v9 =	vld [tilespmem:s1+$0xFFFFFFC0]  }
0x428: {  	v23 =	vld [tilespmem:s1+$0xFFFFFF90];
	v5 =	vcvt.s32.f32 v4;
	v8 =	vcvt.s32.f32 v13  }
0x429: {  	v16 =	vld [tilespmem:s0+$0xFFFFFFD0];
	v17 =	vcvt.s32.f32 v14;
	v18 =	vcvt.s32.f32 v15  }
0x42a: {  	v12 =	vld [tilespmem:s0+$0xFFFFFFE0];
	v19 =	vcvt.s32.f32 v11;
	v5 =	vmul.f32 v5, v3;
	v3 =	vadd.f32 $1.000000000e+00, v3  }
0x42b: {  	v10 =	vld [tilespmem:s0+$0xFFFFFFF0];
	v17 =	vmul.f32 v17, v6;
	v6 =	vadd.f32 $1.000000000e+00, v6;
	v18 =	vmul.f32 v18, v7  }
0x42c: {  	v21 =	vld [tilespmem:s1+$0xFFFFFFE0];
	v7 =	vadd.f32 $1.000000000e+00, v7;
	v19 =	vmul.f32 v19, v9;
	v9 =	vadd.f32 $1.000000000e+00, v9  }
0x42d: {  	s29 =	simm.s32 $0x1F0;
	v8 =	vmul.f32 v8, v23;
	v23 =	vadd.f32 $1.000000000e+00, v23;
	v5 =	vadd.f32 v5, v5  }
0x42e: {  	v32 =	vld [tilespmem:s29+$0xFFFFFFB0];
	v20 =	vcvt.s32.f32 v16;
	v17 =	vadd.f32 v17, v17;
	v18 =	vadd.f32 v18, v18  }
0x42f: {  	v22 =	vcvt.s32.f32 v12;
	v19 =	vadd.f32 v19, v19;
	v8 =	vadd.f32 v8, v8  }
0x430: {  	v25 =	vld [tilespmem:s1+$0xFFFFFFF0];
	v24 =	vcvt.s32.f32 v10;
	v3 =	vsub.f32 v3, v5;
	v6 =	vsub.f32 v6, v17  }
0x431: {  	v22 =	vmul.f32 v22, v21;
	v5 =	vld [tilespmem:s1+$0xFFFFFFD0];
	v8 =	vsub.f32 v23, v8;
	v7 =	vsub.f32 v7, v18  }
0x432: {  	v9 =	vsub.f32 v9, v19;
	v3 =	vmul.f32 $1.280000000e+02, v3;
	v6 =	vmul.f32 $1.280000000e+02, v6  }
0x433: {  	v59 =	vadd.f32 $1.000000000e+00, v32;
	v8 =	vmul.f32 $1.280000000e+02, v8;
	v7 =	vmul.f32 $1.280000000e+02, v7  }
0x434: {  	v9 =	vmul.f32 $1.280000000e+02, v9;
	v3 =	vadd.f32 $1.000000000e+00, v3;
	v6 =	vadd.f32 $1.000000000e+00, v6  }
0x435: {  	v24 =	vmul.f32 v24, v25;
	v8 =	vadd.f32 $1.000000000e+00, v8;
	v7 =	vadd.f32 $1.000000000e+00, v7  }
0x436: {  	v9 =	vadd.f32 $1.000000000e+00, v9;
	v20 =	vmul.f32 v20, v5;
	v3 =	vclamp.gez.f32 v3, $1.024000000e+03  }
0x437: {  	v22 =	vadd.f32 v22, v22;
	v8 =	vclamp.gez.f32 v8, $1.024000000e+03;
	v6 =	vclamp.gez.f32 v6, $1.024000000e+03  }
0x438: {  	v24 =	vadd.f32 v24, v24;
	v7 =	vclamp.gez.f32 v7, $1.024000000e+03;
	v9 =	vclamp.gez.f32 v9, $1.024000000e+03  }
0x439: {  	v5 =	vadd.f32 $1.000000000e+00, v5;
	v3 =	vtrunc.f32 v3;
	v8 =	vtrunc.f32 v8  }
0x43a: {  	v20 =	vadd.f32 v20, v20;
	v7 =	vtrunc.f32 v7;
	v9 =	vtrunc.f32 v9  }
0x43b: {  	s25 =	simm.s32 $0x81F0;
	v17 =	vcvt.f32.s32 v3;
	v3 =	vadd.f32 $1.000000000e+00, v21;
	v8 =	vcvt.f32.s32 v8  }
0x43c: {  	v21 =	vadd.f32 $1.000000000e+00, v25;
	v23 =	vcvt.f32.s32 v7;
	v9 =	vcvt.f32.s32 v9;
	v7 =	vld [tilespmem:s25+$0xFFFFFFC0]  }
0x43d: {  	v5 =	vsub.f32 v5, v20;
	v20 =	vtrunc.f32 v6;
	v6 =	vld [tilespmem:s25+$0xFFFFFFA0];
	v3 =	vsub.f32 v3, v22  }
0x43e: {  	v18 =	vsub.f32 v21, v24;
	v21 =	vld [tilespmem:s25+$0x0];
	v17 =	vshll.u32 v17, $0x1;
	v20 =	vcvt.f32.s32 v20  }
0x43f: {  	v53 =	vshll.u32 v8, $0x1;
	v28 =	vshll.u32 v9, $0x1;
	v9 =	vld [tilespmem:s25+$0xFFFFFFF0];
	v5 =	vmul.f32 $1.280000000e+02, v5  }
0x440: {  	v23 =	vshll.u32 v23, $0x1;
	v17 =	vsub.s32 v4, v17;
	v3 =	vmul.f32 $1.280000000e+02, v3  }
0x441: {  	v4 =	vld [tilespmem:s25+$0xFFFFFFB0];
	v24 =	vsub.s32 v13, v53;
	v18 =	vmul.f32 $1.280000000e+02, v18;
	v5 =	vadd.f32 $1.000000000e+00, v5  }
0x442: {  	v15 =	vsub.s32 v15, v23;
	v33 =	vcvt.s32.f32 v7;
	v3 =	vadd.f32 $1.000000000e+00, v3  }
0x443: {  	v22 =	vld [tilespmem:s29+$0x0];
	v18 =	vadd.f32 $1.000000000e+00, v18;
	v29 =	vcvt.s32.f32 v6;
	v5 =	vclamp.gez.f32 v5, $1.024000000e+03  }
0x444: {  	v57 =	vld [tilespmem:s29+$0xFFFFFFF0];
	v28 =	vsub.s32 v11, v28;
	v26 =	vcvt.s32.f32 v21;
	v34 =	vcvt.s32.f32 v9  }
0x445: {  	v20 =	vshll.u32 v20, $0x1;
	v19 =	vclamp.gez.f32 v3, $1.024000000e+03;
	v18 =	vclamp.gez.f32 v18, $1.024000000e+03  }
0x446: {  	v14 =	vsub.s32 v14, v20;
	v20 =	vld [tilespmem:s29+$0xFFFFFFC0];
	v5 =	vtrunc.f32 v5;
	v31 =	vcvt.s32.f32 v4  }
0x447: {  	v17 =	vadd.s32 $0x800, v17;
	v19 =	vtrunc.f32 v19;
	v18 =	vtrunc.f32 v18  }
0x448: {  	v30 =	vld [tilespmem:s29+$0xFFFFFFA0];
	v24 =	vadd.s32 $0x800, v24;
	v54 =	vcvt.f32.s32 v5;
	v26 =	vmul.f32 v26, v22  }
0x449: {  	v8 =	vld [tilespmem:s25+$0xFFFFFFD0];
	v22 =	vadd.f32 $1.000000000e+00, v22;
	v61 =	vmul.f32 v34, v57;
	v19 =	vcvt.f32.s32 v19  }
0x44a: {  	v23 =	vld [tilespmem:s29+$0xFFFFFFD0];
	v18 =	vcvt.f32.s32 v18;
	v58 =	vmul.f32 v31, v32;
	v26 =	vadd.f32 v26, v26  }
0x44b: {  	v5 =	vld [tilespmem:s25+$0xFFFFFFE0];
	v60 =	vmul.f32 v33, v20;
	v20 =	vadd.f32 $1.000000000e+00, v20;
	v25 =	vshll.u32 v54, $0x1  }
0x44c: {  	v3 =	vld [tilespmem:s25+$0xFFFFFF90];
	v19 =	vshll.u32 v19, $0x1;
	v18 =	vshll.u32 v18, $0x1;
	v13 =	vsub.f32 v22, v26  }
0x44d: {  	v11 =	vsub.s32 v16, v25;
	v16 =	vld [tilespmem:s29+$0xFFFFFFE0];
	v25 =	vadd.f32 v58, v58;
	v12 =	vsub.s32 v12, v19  }
0x44e: {  	v19 =	vmul.f32 v29, v30;
	v56 =	vmul.f32 $1.280000000e+02, v13;
	v13 =	vsub.s32 v10, v18;
	v10 =	vld [tilespmem:s29+$0xFFFFFF90]  }
0x44f: {  	v32 =	vadd.f32 v60, v60;
	v22 =	vcvt.s32.f32 v8;
	v30 =	vadd.f32 $1.000000000e+00, v30  }
0x450: {  	v29 =	vadd.f32 $1.000000000e+00, v57;
	v55 =	vcvt.s32.f32 v5;
	v19 =	vadd.f32 v19, v19  }
0x451: {  	v27 =	vcvt.s32.f32 v3;
	v20 =	vsub.f32 v20, v32;
	v18 =	vadd.f32 $1.000000000e+00, v56  }
0x452: {  	v22 =	vmul.f32 v22, v23;
	v26 =	vmul.f32 v55, v16;
	v19 =	vsub.f32 v30, v19  }
0x453: {  	v16 =	vadd.f32 $1.000000000e+00, v16;
	v18 =	vclamp.gez.f32 v18, $1.024000000e+03;
	v27 =	vmul.f32 v27, v10  }
0x454: {  	v26 =	vadd.f32 v26, v26;
	v19 =	vmul.f32 $1.280000000e+02, v19;
	v18 =	vtrunc.f32 v18  }
0x455: {  	v10 =	vadd.f32 $1.000000000e+00, v10;
	v18 =	vcvt.f32.s32 v18;
	v27 =	vadd.f32 v27, v27  }
0x456: {  	v20 =	vmul.f32 $1.280000000e+02, v20;
	v22 =	vadd.f32 v22, v22;
	v16 =	vsub.f32 v16, v26  }
0x457: {  	v19 =	vadd.f32 $1.000000000e+00, v19;
	v18 =	vshll.u32 v18, $0x1;
	v10 =	vsub.f32 v10, v27  }
0x458: {  	v18 =	vsub.s32 v21, v18;
	v21 =	vadd.f32 $1.000000000e+00, v23;
	v23 =	vadd.f32 v61, v61  }
0x459: {  	v62 =	vadd.s32 $0x800, v18;
	v18 =	vsub.f32 v59, v25;
	v10 =	vmul.f32 $1.280000000e+02, v10  }
0x45a: {  	v16 =	vmul.f32 $1.280000000e+02, v16;
	v21 =	vsub.f32 v21, v22;
	v22 =	vsub.f32 v29, v23  }
0x45b: {  	v63 =	vclamp.gez.f32 v19, $1.024000000e+03;
	v18 =	vmul.f32 $1.280000000e+02, v18;
	v10 =	vadd.f32 $1.000000000e+00, v10  }
0x45c: {  	v20 =	vadd.f32 $1.000000000e+00, v20;
	v21 =	vmul.f32 $1.280000000e+02, v21;
	v22 =	vmul.f32 $1.280000000e+02, v22  }
0x45d: {  	v16 =	vadd.f32 $1.000000000e+00, v16;
	v18 =	vadd.f32 $1.000000000e+00, v18;
	v10 =	vclamp.gez.f32 v10, $1.024000000e+03  }
0x45e: {  	v21 =	vadd.f32 $1.000000000e+00, v21;
	v23 =	vadd.f32 $1.000000000e+00, v22;
	v22 =	vclamp.gez.f32 v20, $1.024000000e+03  }
0x45f: {  	v15 =	vadd.s32 $0x800, v15;
	[tilespmem:v17+s23+$0x0] =	vst.idx.add.f32.msk $0xffff, v1;
	v20 =	vtrunc.f32 v63;
	v18 =	vclamp.gez.f32 v18, $1.024000000e+03  }
0x460: {  	v14 =	vadd.s32 $0x800, v14;
	[tilespmem:v24+s23+$0x0] =	vst.idx.add.f32.msk $0xffff, v1;
	v19 =	vclamp.gez.f32 v21, $1.024000000e+03;
	v21 =	vclamp.gez.f32 v16, $1.024000000e+03  }
0x461: {  	s30 =	simm.s32 $0x10020;
	s31 =	simm.s32 $0x8;
	s1 =	simm.s32 $0x82F0;
	[tilespmem:v62+s23+$0x0] =	vst.idx.add.f32.msk $0xffff, v1;
	v17 =	vclamp.gez.f32 v23, $1.024000000e+03;
	v23 =	vtrunc.f32 v10;
	v16 =	vadd.s32 $0x800, v28  }
.LBB2_50:
0x462: {  	v24 =	vld [tilespmem:s1+$0x0];
	s31 =	sadd.s32 $0x8, s31;
	v18 =	vtrunc.f32 v18;
	v22 =	vtrunc.f32 v22;
	v25 =	vadd.s32 $0x800, v11  }
0x463: {  	v19 =	vtrunc.f32 v19;
	v21 =	vtrunc.f32 v21;
	s29 =	sadd.s32 $0x100, s29;
	v26 =	vadd.s32 $0x800, v12;
	v11 =	vld [tilespmem:s1+$0xFFFFFF90];
	p0 =	slt.u32 s31, $0x3F8  }
0x464: {  	v23 =	vcvt.f32.s32 v23;
	v17 =	vtrunc.f32 v17;
	v27 =	vadd.s32 $0x800, v13;
	v12 =	vld [tilespmem:s29+$0x0]  }
0x465: {  	v10 =	vimm.f32 $0.0e+00;
	v20 =	vcvt.f32.s32 v20;
	v18 =	vcvt.f32.s32 v18;
	v13 =	vld [tilespmem:s1+$0xFFFFFFA0]  }
0x466: {  	v22 =	vcvt.f32.s32 v22;
	v19 =	vcvt.f32.s32 v19;
	v23 =	vshll.u32 v23, $0x1;
	v28 =	vld [tilespmem:s1+$0xFFFFFFB0]  }
0x467: {  	v21 =	vcvt.f32.s32 v21;
	v20 =	vshll.u32 v20, $0x1;
	v29 =	vld [tilespmem:s1+$0xFFFFFFC0];
	v30 =	vcvt.s32.f32 v24  }
0x468: {  	v17 =	vcvt.f32.s32 v17;
	v18 =	vshll.u32 v18, $0x1;
	v31 =	vcvt.s32.f32 v11;
	v32 =	vld [tilespmem:s1+$0xFFFFFFD0]  }
0x469: {  	v22 =	vshll.u32 v22, $0x1;
	v19 =	vshll.u32 v19, $0x1;
	v33 =	vld [tilespmem:s1+$0xFFFFFFE0];
	v30 =	vmul.f32 v30, v12  }
0x46a: {  	v21 =	vshll.u32 v21, $0x1;
	v17 =	vshll.u32 v17, $0x1;
	v34 =	vcvt.s32.f32 v13;
	v35 =	vld [tilespmem:s1+$0xFFFFFFF0]  }
0x46b: {  	v12 =	vadd.f32 $1.000000000e+00, v12;
	v36 =	vld [tilespmem:s29+$0xFFFFFFA0];
	v37 =	vcvt.s32.f32 v28;
	v30 =	vadd.f32 v30, v30  }
0x46c: {  	v23 =	vsub.s32 v3, v23;
	v20 =	vsub.s32 v6, v20;
	v3 =	vmovc v11;
	v6 =	vmovc v13;
	v38 =	vld [tilespmem:s29+$0xFFFFFFB0];
	v39 =	vcvt.s32.f32 v29  }
0x46d: {  	v40 =	vld [tilespmem:s29+$0xFFFFFFC0];
	v41 =	vcvt.s32.f32 v32;
	v12 =	vsub.f32 v12, v30;
	v30 =	vsub.s32 v4, v18;
	v4 =	vmovc v28  }
0x46e: {  	v42 =	vsub.s32 v7, v22;
	v11 =	vsub.s32 v8, v19;
	v7 =	vmovc v29;
	v8 =	vmovc v32;
	v18 =	vld [tilespmem:s29+$0xFFFFFFD0];
	v28 =	vcvt.s32.f32 v33  }
0x46f: {  	v19 =	vld [tilespmem:s29+$0xFFFFFFE0];
	v22 =	vcvt.s32.f32 v35;
	v29 =	vmul.f32 $1.280000000e+02, v12;
	v12 =	vsub.s32 v5, v21;
	v5 =	vmovc v33  }
0x470: {  	v13 =	vsub.s32 v9, v17;
	v9 =	vmovc v35;
	v21 =	vmul.f32 v34, v36;
	v32 =	vadd.f32 $1.000000000e+00, v36;
	v33 =	vld [tilespmem:s29+$0xFFFFFFF0]  }
0x471: {  	v17 =	vld [tilespmem:s29+$0xFFFFFF90];
	v34 =	vmul.f32 v37, v38;
	v35 =	vadd.f32 $1.000000000e+00, v38;
	v29 =	vadd.f32 $1.000000000e+00, v29  }
0x472: {  	v21 =	vadd.f32 v21, v21;
	v36 =	vmul.f32 v39, v40;
	v37 =	vadd.f32 $1.000000000e+00, v40;
	[tilespmem:v14+s23+$0x0] =	vst.idx.add.f32.msk $0xffff, v1  }
0x473: {  	v14 =	vadd.f32 v34, v34;
	v34 =	vmul.f32 v41, v18;
	v29 =	vclamp.gez.f32 v29, $1.024000000e+03;
	[tilespmem:v15+s23+$0x0] =	vst.idx.add.f32.msk $0xffff, v1  }
0x474: {  	v15 =	vadd.f32 v36, v36;
	v28 =	vmul.f32 v28, v19;
	v29 =	vtrunc.f32 v29;
	[tilespmem:v16+s23+$0x0] =	vst.idx.add.f32.msk $0xffff, v1  }
0x475: {  	v16 =	vadd.f32 v34, v34;
	v22 =	vmul.f32 v22, v33;
	v29 =	vcvt.f32.s32 v29;
	[tilespmem:v25+s23+$0x0] =	vst.idx.add.f32.msk $0xffff, v1  }
0x476: {  	v25 =	vmul.f32 v31, v17;
	v17 =	vadd.f32 $1.000000000e+00, v17;
	v28 =	vadd.f32 v28, v28;
	[tilespmem:v26+s23+$0x0] =	vst.idx.add.f32.msk $0xffff, v1  }
0x477: {  	v18 =	vadd.f32 $1.000000000e+00, v18;
	v22 =	vadd.f32 v22, v22;
	v26 =	vshll.u32 v29, $0x1;
	[tilespmem:v27+s23+$0x0] =	vst.idx.add.f32.msk $0xffff, v1  }
0x478: {  	v19 =	vadd.f32 $1.000000000e+00, v19;
	v25 =	vadd.f32 v25, v25;
	v24 =	vsub.s32 v24, v26  }
0x479: {  	v21 =	vsub.f32 v32, v21;
	v26 =	vadd.f32 $1.000000000e+00, v33;
	v24 =	vadd.s32 $0x800, v24  }
0x47a: {  	v23 =	vadd.s32 $0x800, v23;
	v14 =	vsub.f32 v35, v14;
	v17 =	vsub.f32 v17, v25  }
0x47b: {  	v21 =	vmul.f32 $1.280000000e+02, v21;
	v15 =	vsub.f32 v37, v15;
	v16 =	vsub.f32 v18, v16  }
0x47c: {  	v18 =	vsub.f32 v19, v28;
	v19 =	vsub.f32 v26, v22;
	v17 =	vmul.f32 $1.280000000e+02, v17  }
0x47d: {  	v14 =	vmul.f32 $1.280000000e+02, v14;
	v21 =	vadd.f32 $1.000000000e+00, v21;
	v15 =	vmul.f32 $1.280000000e+02, v15  }
0x47e: {  	v16 =	vmul.f32 $1.280000000e+02, v16;
	v18 =	vmul.f32 $1.280000000e+02, v18;
	v17 =	vadd.f32 $1.000000000e+00, v17;
	[tilespmem:v24+s23+$0x0] =	vst.idx.add.f32.msk $0xffff, v1  }
0x47f: {  	v14 =	vadd.f32 $1.000000000e+00, v14;
	v15 =	vadd.f32 $1.000000000e+00, v15;
	v19 =	vmul.f32 $1.280000000e+02, v19;
	[tilespmem:v23+s23+$0x0] =	vst.idx.add.f32.msk $0xffff, v1  }
.Ltmp24:
0x480: {  	v16 =	vadd.f32 $1.000000000e+00, v16;
	v23 =	vclamp.gez.f32 v17, $1.024000000e+03;
	v17 =	vadd.f32 $1.000000000e+00, v18;
	(pc) =	sbr.rel @p0 .LBB2_50-.Ltmp24, $4  }
0x481: {  	v24 =	vclamp.gez.f32 v21, $1.024000000e+03;
	v25 =	vadd.f32 $1.000000000e+00, v19;
	v18 =	vclamp.gez.f32 v14, $1.024000000e+03  }
0x482: {  	v22 =	vclamp.gez.f32 v15, $1.024000000e+03;
	v19 =	vclamp.gez.f32 v16, $1.024000000e+03;
	v14 =	vadd.s32 $0x800, v20  }
0x483: {  	v15 =	vadd.s32 $0x800, v30;
	v21 =	vclamp.gez.f32 v17, $1.024000000e+03;
	v17 =	vclamp.gez.f32 v25, $1.024000000e+03  }
0x484: {  	s1 =	sadd.s32 $0x100, s1;
	v16 =	vadd.s32 $0x800, v42;
	v20 =	vtrunc.f32 v24;
	v23 =	vtrunc.f32 v23  }
0x485: {  	v18 =	vtrunc.f32 v18  }
0x486: {  	v22 =	vtrunc.f32 v22;
	v19 =	vtrunc.f32 v19  }
0x487: {  	v11 =	vadd.s32 $0x800, v11;
	v21 =	vtrunc.f32 v21;
	v23 =	vcvt.f32.s32 v23  }
0x488: {  	v12 =	vadd.s32 $0x800, v12;
	v17 =	vtrunc.f32 v17;
	v20 =	vcvt.f32.s32 v20  }
0x489: {  	v13 =	vadd.s32 $0x800, v13;
	v18 =	vcvt.f32.s32 v18;
	v22 =	vcvt.f32.s32 v22  }
0x48a: {  	v19 =	vcvt.f32.s32 v19;
	v21 =	vcvt.f32.s32 v21;
	v23 =	vshll.u32 v23, $0x1  }
0x48b: {  	[tilespmem:v14+s23+$0x0] =	vst.idx.add.f32.msk $0xffff, v1;
	v60 =	vcvt.f32.s32 v17;
	v20 =	vshll.u32 v20, $0x1;
	v3 =	vsub.s32 v3, v23  }
0x48c: {  	[tilespmem:v15+s23+$0x0] =	vst.idx.add.f32.msk $0xffff, v1;
	v18 =	vshll.u32 v18, $0x1;
	v6 =	vsub.s32 v6, v20;
	v3 =	vadd.s32 $0x800, v3  }
0x48d: {  	[tilespmem:v16+s23+$0x0] =	vst.idx.add.f32.msk $0xffff, v1;
	v61 =	vshll.u32 v22, $0x1;
	v4 =	vsub.s32 v4, v18;
	v6 =	vadd.s32 $0x800, v6  }
0x48e: {  	v62 =	vshll.u32 v19, $0x1;
	v7 =	vsub.s32 v7, v61;
	[tilespmem:v11+s23+$0x0] =	vst.idx.add.f32.msk $0xffff, v1;
	v4 =	vadd.s32 $0x800, v4  }
0x48f: {  	v8 =	vsub.s32 v8, v62;
	v11 =	vshll.u32 v21, $0x1;
	[tilespmem:v12+s23+$0x0] =	vst.idx.add.f32.msk $0xffff, v1;
	v7 =	vadd.s32 $0x800, v7  }
0x490: {  	v63 =	vshll.u32 v60, $0x1;
	[tilespmem:v13+s23+$0x0] =	vst.idx.add.f32.msk $0xffff, v1;
	v8 =	vadd.s32 $0x800, v8;
	v5 =	vsub.s32 v5, v11  }
0x491: {  	v9 =	vsub.s32 v9, v63;
	[tilespmem:v3+s23+$0x0] =	vst.idx.add.f32.msk $0xffff, v1;
	v3 =	vadd.s32 $0x800, v5  }
0x492: {  	v5 =	vadd.s32 $0x800, v9;
	[tilespmem:v6+s23+$0x0] =	vst.idx.add.f32.msk $0xffff, v1  }
0x493: {  	[tilespmem:v4+s23+$0x0] =	vst.idx.add.f32.msk $0xffff, v1  }
0x494: {  	[tilespmem:v7+s23+$0x0] =	vst.idx.add.f32.msk $0xffff, v1  }
0x495: {  	[tilespmem:v8+s23+$0x0] =	vst.idx.add.f32.msk $0xffff, v1;
	v4 =	vsel vm0, $0x0, v1  }
0x496: {  	[tilespmem:v3+s23+$0x0] =	vst.idx.add.f32.msk $0xffff, v1;
	v3 =	vsel vm1, $0x0, v4  }
0x497: {  	[tilespmem:v5+s23+$0x0] =	vst.idx.add.f32.msk $0xffff, v1;
	v3 =	vsel vm2, $0x0, v3  }
0x498: {  	v4 =	vld [tilespmem:s30+$0xFFFFFFE0];
	v3 =	vsel vm3, $0x0, v3  }
0x499: {  	v3 =	vsel vm4, $0x0, v3  }
0x49a: {  	v5 =	vld [tilespmem:s30+$0xFFFFFFF0];
	v3 =	vsel vm5, $0x0, v3  }
0x49b: {  	v3 =	vsel vm6, $0x0, v3  }
0x49c: {  	v7 =	vld [tilespmem:s30+$0x0];
	v3 =	vsel vm7, $0x0, v3  }
0x49d: {  	v4 =	vmul.f32 v3, v4  }
0x49e: {  	v8 =	vld [tilespmem:s30+$0x10]  }
0x49f: {  	s1 =	simm.s32 $0x10060;
	v5 =	vmul.f32 v3, v5;
	v4 =	vadd.f32 v4, v10  }
0x4a0: {  	v6 =	vld [tilespmem:s1+$0xFFFFFFE0]  }
0x4a1: {  	v7 =	vmul.f32 v3, v7;
	v5 =	vadd.f32 v5, v4  }
0x4a2: {  	v4 =	vld [tilespmem:s1+$0xFFFFFFF0]  }
0x4a3: {  	v8 =	vmul.f32 v3, v8;
	v7 =	vadd.f32 v7, v5  }
0x4a4: {  	s29 =	simm.s32 $0x4;
	v5 =	vld [tilespmem:s1+$0x0]  }
.LBB2_52:
0x4a5: {  	s29 =	sadd.s32 $0x4, s29;
	v6 =	vmul.f32 v3, v6;
	v7 =	vadd.f32 v8, v7  }
0x4a6: {  	p0 =	slt.u32 s29, $0x7C;
	v8 =	vld [tilespmem:s1+$0x10]  }
0x4a7: {  	s1 =	sadd.s32 $0x40, s1;
	v7 =	vadd.f32 v6, v7;
	v4 =	vmul.f32 v3, v4  }
.Ltmp25:
0x4a8: {  	v6 =	vld [tilespmem:s1+$0xFFFFFFE0];
	(pc) =	sbr.rel @p0 .LBB2_52-.Ltmp25, $4  }
0x4a9: {  	v7 =	vadd.f32 v4, v7;
	v5 =	vmul.f32 v3, v5  }
0x4aa: {  	v4 =	vld [tilespmem:s1+$0xFFFFFFF0]  }
0x4ab: {  	v7 =	vadd.f32 v5, v7;
	v8 =	vmul.f32 v3, v8  }
0x4ac: {  	v5 =	vld [tilespmem:s1+$0x0]  }
0x4ad: {  	v6 =	vmul.f32 v3, v6;
	v7 =	vadd.f32 v8, v7  }
0x4ae: {  	v8 =	vld [tilespmem:s1+$0x10]  }
0x4af: {  	v6 =	vadd.f32 v6, v7;
	v4 =	vmul.f32 v3, v4  }
0x4b0: {  	v9 =	vld [tilespmem:$0x10800]  }
0x4b1: {  	v4 =	vadd.f32 v4, v6;
	v5 =	vmul.f32 v3, v5;
	_ =	sdelay $0x1  }
0x4b2: {  	v4 =	vadd.f32 v5, v4;
	v5 =	vmul.f32 v3, v8  }
0x4b3: {  	v7 =	vmul.u32 $0x2, v2  }
0x4b4: {  	s29 =	simm.s32 $0x0;
	v3 =	vmul.f32 v3, v9;
	v4 =	vadd.f32 v5, v4  }
0x4b5: {  	v5 =	vor.u32 s29, v7  }
0x4b6: {  	v3 =	vadd.f32 v3, v4  }
0x4b7: {  	v8 =	vor.u32 $0x1, v7  }
0x4b8: {  	v4 =	vor.u32 s29, v8;
	(xrf2) =	vadd.scan.msk.f32 $0xffff, v3;
	_ =	sdelay $0x1  }
0x4b9: {  	v5 =	vld.idx.msk [tilespmem:v5+s23+$0x0], $0xffff;
	_ =	sdelay $0x2  }
0x4ba: {  	s0 =	simm.s32 $0x20;
	v9 =	vld.idx.msk [tilespmem:v4+s23+$0x0], $0xffff  }
0x4bb: {  	v3 =	vor.u32 s0, v7  }
0x4bc: {  	(xrf2) =	vadd.scan.msk.f32 $0xffff, v5;
	_ =	sdelay $0x2  }
0x4bd: {  	(xrf2) =	vadd.scan.msk.f32 $0xffff, v9;
	v4, _, _ =	vpop (xrf2)  }
0x4be: {  	v16 =	vld.idx.msk [tilespmem:v3+s23+$0x0], $0xffff;
	(v2sf) =	vpush v4, $0xF;
	_ =	sdelay $0x1  }
0x4bf: {  	v6 =	vor.u32 s0, v8;
	_ =	sdelay $0x2  }
0x4c0: {  	(xrf2) =	vadd.scan.msk.f32 $0xffff, v16  }
0x4c1: {  	v3, _, _ =	vpop (xrf2)  }
0x4c2: {  	v14 =	vld.idx.msk [tilespmem:v6+s23+$0x0], $0xffff;
	(v2sf) =	vpush v3, $0xF;
	_ =	sdelay $0x1  }
0x4c3: {  	v6, _, _ =	vpop (xrf2)  }
0x4c4: {  	s25 =	simm.s32 $0x40;
	(v2sf) =	vpush v6, $0xF  }
0x4c5: {  	v10 =	vor.u32 s25, v7  }
0x4c6: {  	s1 =	simm.f32 $0.0e+00;
	(xrf2) =	vadd.scan.msk.f32 $0xffff, v14  }
0x4c7: {  	v11 =	vadd.f32 s1, v3  }
0x4c8: {  	v12 =	vor.u32 s25, v8  }
0x4c9: {  	v3 =	vbroadcast v4, $0xF;
	v11 =	vsub.f32 v11, v5;
	v4 =	vadd.f32 s1, v6;
	v17, _, _ =	vpop (xrf2);
	s25 =	spop (v2sf)  }
0x4ca: {  	v6 =	vld.idx.msk [tilespmem:v10+s23+$0x0], $0xffff;
	(v2sf) =	vpush v17, $0xF;
	s0 =	ssub.f32 $1.310720000e+05, s25  }
0x4cb: {  	v13 =	vadd.f32 v11, v3;
	v15 =	vsub.f32 v4, v9  }
0x4cc: {  	v4 =	vmov s0  }
0x4cd: {  	v10 =	vld.idx.msk [tilespmem:v12+s23+$0x0], $0xffff;
	v18 =	vadd.f32 v13, v5;
	v12 =	vadd.f32 v15, v4;
	_ =	sdelay $0x1  }
0x4ce: {  	(xrf2) =	vadd.scan.msk.f32 $0xffff, v6;
	v18 =	vmul.f32 v18, v13;
	v19 =	vadd.f32 v12, v9  }
0x4cf: {  	v13 =	vmul.f32 v13, v9;
	v20, _, _ =	vpop (xrf2);
	v15 =	vsub.f32 v3, v15;
	s25 =	spop (v2sf)  }
0x4d0: {  	(v2sf) =	vpush v20, $0xF;
	v18 =	vmax.f32 v18, $1.000000000e+00;
	s0 =	sadd.f32 s25, s1;
	v19 =	vmul.f32 v19, v12  }
0x4d1: {  	s31 =	simm.s32 $0x60;
	(erf) = vrcp.f32 v18;
	v11 =	vsub.f32 v4, v11;
	v15 =	vmul.f32 v15, v5  }
0x4d2: {  	(xrf2) =	vadd.scan.msk.f32 $0xffff, v10;
	s30 =	spop (v2sf);
	v17 =	vadd.f32 s0, v17;
	v18 =	vmax.f32 v19, $1.000000000e+00;
	v19 =	vor.u32 s31, v7  }
0x4d3: {  	v9 =	vmul.f32 v11, v9;
	s1 =	sadd.f32 s30, s1  }
0x4d4: {  	v5 =	vmul.f32 v12, v5;
	v21 =	vadd.f32 v15, v13;
	v17 =	vsub.f32 v17, v16  }
0x4d5: {  	(erf) = vrcp.f32 v18;
	v18 =	vor.u32 s31, v8;
	v20 =	vadd.f32 s1, v20  }
0x4d6: {  	v13 =	vadd.f32 v17, v3;
	v12 =	vsub.f32 v4, v17  }
0x4d7: {  	v15 =	vsub.f32 v20, v14;
	v20 =	vadd.f32 v5, v9;
	v5 =	vld.idx.msk [tilespmem:v19+s23+$0x0], $0xffff  }
0x4d8: {  	v11 =	vimm.f32 $0.0e+00;
	v22, _, _ =	vpop (xrf2);
	s30 =	spop (v2sf);
	v9 =	vor.u32 s29, v2;
	v17 =	vadd.f32 v13, v16  }
0x4d9: {  	(v2sf) =	vpush v22, $0xF;
	s30 =	sadd.f32 s30, s0;
	v12 =	vmul.f32 v12, v14;
	v19 =	vcvt.s32.f32 v9  }
0x4da: {  	v23 =	vadd.f32 v15, v4;
	v9 =	vld.idx.msk [tilespmem:v18+s23+$0x0], $0xffff;
	v18 =	vsub.f32 v3, v15;
	v17 =	vmul.f32 v17, v13  }
0x4db: {  	v22 =	vadd.f32 s30, v22;
	v13 =	vmul.f32 v13, v14;
	v24 =	vmul.f32 $-7.812500000e-03, v19  }
0x4dc: {  	s31 =	simm.s32 $0x80;
	v25 =	vadd.f32 v23, v14;
	v14 =	vmul.f32 v23, v16;
	v15, _, _ =	vpop (xrf2);
	v16 =	vmul.f32 v18, v16;
	(xrf2) =	vadd.scan.msk.f32 $0xffff, v5  }
0x4dd: {  	(v2sf) =	vpush v15, $0xF;
	v19 =	vpop (erf);
	v26 =	vmax.f32 v17, $1.000000000e+00;
	v17 =	vor.u32 s31, v7  }
0x4de: {  	v23 =	vmul.f32 v25, v23;
	v18 =	vmul.f32 v19, v21;
	v21 =	vpop (erf);
	v19 =	vor.u32 s31, v8  }
0x4df: {  	s0 =	simm.s32 $0xA0;
	(erf) = vrcp.f32 v26;
	s31 =	spop (v2sf);
	v21 =	vmul.f32 v21, v20;
	(xrf2) =	vadd.scan.msk.f32 $0xffff, v9;
	v20 =	vadd.f32 $7.996093750e+00, v24  }
.LBB2_54:
0x4e0: {  	s1 =	sadd.f32 s31, s1  }
0x4e1: {  	v24 =	vadd.f32 v16, v13;
	v13 =	vmax.f32 v23, $1.000000000e+00;
	v16 =	vadd.f32 v21, v18;
	s29 =	sadd.s32 $0x10, s29;
	v25 =	vmovc v9;
	s31 =	smov.u32 s0;
	s25 =	sadd.s32 $0x20, s0  }
0x4e2: {  	p0 =	sne.s32 s0, $0x7E0;
	v21 =	vadd.f32 v14, v12;
	v18 =	vsub.f32 v22, v6;
	(erf) = vrcp.f32 v13  }
0x4e3: {  	v22 =	vld.idx.msk [tilespmem:v17+s23+$0x0], $0xffff;
	v12 =	vadd.f32 s1, v15;
	v13 =	vmul.f32 v16, v20  }
0x4e4: {  	v9 =	vld.idx.msk [tilespmem:v19+s23+$0x0], $0xffff;
	v14 =	vadd.f32 v18, v3;
	v15 =	vsub.f32 v4, v18  }
0x4e5: {  	v17 =	vor.u32 s29, v2;
	v16 =	vsub.f32 v12, v10;
	v11 =	vadd.f32 v13, v11  }
0x4e6: {  	v20, _, _ =	vpop (xrf2);
	v19 =	vadd.f32 v14, v6;
	v12 =	vmul.f32 v15, v10;
	v15 =	vcvt.s32.f32 v17  }
0x4e7: {  	v13 =	vmul.f32 v14, v10;
	(v2sf) =	vpush v20, $0xF;
	v23 =	vadd.f32 v16, v4  }
0x4e8: {  	v16 =	vsub.f32 v3, v16;
	v17 =	vmul.f32 v19, v14;
	v26 =	vmul.f32 $-7.812500000e-03, v15  }
.Ltmp26:
0x4e9: {  	(xrf2) =	vadd.scan.msk.f32 $0xffff, v22;
	v10 =	vadd.f32 v23, v10;
	v14 =	vmul.f32 v23, v6;
	s0 =	spop (v2sf);
	v18 =	vpop (erf);
	(pc) =	sbr.rel @p0 .LBB2_54-.Ltmp26, $4  }
0x4ea: {  	v16 =	vmul.f32 v16, v6;
	v15, _, _ =	vpop (xrf2);
	v27 =	vmax.f32 v17, $1.000000000e+00;
	s30 =	sadd.f32 s0, s30;
	v18 =	vmul.f32 v18, v24  }
0x4eb: {  	v17 =	vor.u32 s31, v7;
	(v2sf) =	vpush v15, $0xF;
	v6 =	vpop (erf)  }
0x4ec: {  	v19 =	vor.u32 s31, v8;
	v23 =	vmul.f32 v10, v23;
	v21 =	vmul.f32 v6, v21;
	v6 =	vmovc v5;
	v5 =	vmovc v22  }
0x4ed: {  	s0 =	smov.u32 s25;
	v22 =	vadd.f32 s30, v20;
	v20 =	vadd.f32 $7.996093750e+00, v26;
	(xrf2) =	vadd.scan.msk.f32 $0xffff, v9;
	(erf) = vrcp.f32 v27;
	s31 =	spop (v2sf);
	v10 =	vmovc v25  }
0x4ee: {  	_ =	sdelay $0x7  }
0x4ef: {  	v7, _, _ =	vpop (xrf2)  }
0x4f0: {  	(v2sf) =	vpush v7, $0xF;
	v8, _, _ =	vpop (xrf2)  }
0x4f1: {  	(v2sf) =	vpush v8, $0xF  }
0x4f2: {  	v17 =	vld.idx.msk [tilespmem:v17+s23+$0x0], $0xffff  }
0x4f3: {  	v19 =	vld.idx.msk [tilespmem:v19+s23+$0x0], $0xffff  }
0x4f4: {  	v23 =	vmax.f32 v23, $1.000000000e+00  }
0x4f5: {  	s0 =	sadd.f32 s31, s1;
	(erf) = vrcp.f32 v23  }
0x4f6: {  	v18 =	vadd.f32 v21, v18;
	v54 =	vsub.f32 v22, v6  }
0x4f7: {  	v13 =	vadd.f32 v16, v13;
	s1 =	sadd.s32 $0x10, s29;
	v15 =	vadd.f32 s0, v15;
	(xrf2) =	vadd.scan.msk.f32 $0xffff, v17  }
0x4f8: {  	v12 =	vadd.f32 v14, v12;
	v58 =	vor.u32 s1, v2;
	v56 =	vadd.f32 v54, v3;
	(xrf2) =	vadd.scan.msk.f32 $0xffff, v19  }
0x4f9: {  	v55 =	vmul.f32 v18, v20;
	v20 =	vcvt.s32.f32 v58;
	v15 =	vsub.f32 v15, v10  }
0x4fa: {  	v57 =	vsub.f32 v4, v54;
	v59 =	vadd.f32 v56, v6  }
0x4fb: {  	v20 =	vmul.f32 $-7.812500000e-03, v20;
	v60 =	vadd.f32 v15, v4;
	v15 =	vsub.f32 v3, v15;
	s25 =	spop (v2sf)  }
0x4fc: {  	v11 =	vadd.f32 v55, v11;
	v18 =	vmul.f32 v57, v10;
	v61 =	vmul.f32 v56, v10;
	s25 =	sadd.f32 s25, s30  }
0x4fd: {  	v31 =	vadd.f32 $7.996093750e+00, v20;
	v14 =	vmul.f32 v59, v56;
	v62 =	vpop (erf);
	v32 =	vmul.f32 v15, v6  }
0x4fe: {  	v63 =	vmul.f32 v60, v6;
	v30 =	vadd.f32 v60, v10;
	v24 =	vpop (erf);
	v7 =	vadd.f32 s25, v7;
	s31 =	spop (v2sf)  }
0x4ff: {  	v13 =	vmul.f32 v62, v13;
	v6 =	vadd.f32 v32, v61;
	v12 =	vmul.f32 v24, v12;
	s0 =	sadd.f32 s31, s0;
	s30 =	spop (v2sf)  }
0x500: {  	v18 =	vadd.f32 v63, v18;
	v7 =	vsub.f32 v7, v5;
	s25 =	sadd.f32 s30, s25;
	s31 =	spop (v2sf)  }
0x501: {  	v14 =	vmax.f32 v14, $1.000000000e+00;
	v12 =	vadd.f32 v12, v13;
	v8 =	vadd.f32 s0, v8;
	v33, _, _ =	vpop (xrf2);
	s0 =	sadd.f32 s31, s0  }
0x502: {  	v10 =	vmul.f32 v30, v60;
	v34 =	vadd.f32 v7, v3;
	v35, _, _ =	vpop (xrf2);
	v36 =	vadd.f32 s25, v33  }
0x503: {  	(erf) = vrcp.f32 v14;
	v8 =	vsub.f32 v8, v9;
	v37 =	vadd.f32 s0, v35  }
0x504: {  	v7 =	vsub.f32 v4, v7;
	v21 =	vsub.f32 v36, v17  }
0x505: {  	v10 =	vmax.f32 v10, $1.000000000e+00;
	v39 =	vadd.f32 v8, v4;
	v14 =	vsub.f32 v37, v19  }
0x506: {  	(erf) = vrcp.f32 v10;
	v38 =	vadd.f32 v34, v5;
	v40 =	vadd.f32 v21, v3  }
0x507: {  	v25 =	vadd.f32 v39, v9;
	v26 =	vadd.f32 v14, v4  }
0x508: {  	v12 =	vmul.f32 v12, v31;
	v24 =	vmul.f32 v38, v34;
	v42 =	vadd.f32 v40, v17  }
0x509: {  	v7 =	vmul.f32 v7, v9;
	v25 =	vmul.f32 v25, v39;
	v27 =	vadd.f32 v26, v19  }
0x50a: {  	v41 =	vmul.f32 v34, v9;
	v24 =	vmax.f32 v24, $1.000000000e+00;
	v15 =	vmul.f32 v42, v40  }
0x50b: {  	(erf) = vrcp.f32 v24;
	v44 =	vmax.f32 v25, $1.000000000e+00;
	v45 =	vmul.f32 v27, v26  }
0x50c: {  	v8 =	vsub.f32 v3, v8;
	v47 =	vpop (erf);
	(erf) = vrcp.f32 v44;
	v15 =	vmax.f32 v15, $1.000000000e+00  }
0x50d: {  	v6 =	vmul.f32 v47, v6;
	s25 =	sadd.s32 $0x10, s1;
	(erf) = vrcp.f32 v15;
	v46 =	vmax.f32 v45, $1.000000000e+00  }
0x50e: {  	v48 =	vmul.f32 v8, v5;
	v43 =	vor.u32 s25, v2;
	(erf) = vrcp.f32 v46  }
0x50f: {  	v11 =	vadd.f32 v12, v11;
	v10 =	vmul.f32 v39, v5;
	v49 =	vpop (erf);
	v22 =	vcvt.s32.f32 v43;
	s0 =	sadd.s32 $0x10, s25  }
0x510: {  	v8 =	vmul.f32 v49, v18;
	v5 =	vadd.f32 v48, v41;
	v51 =	vor.u32 s0, v2  }
0x511: {  	v22 =	vmul.f32 $-7.812500000e-03, v22;
	v50 =	vsub.f32 v4, v21;
	s0 =	sadd.s32 $0x10, s0;
	v12 =	vcvt.s32.f32 v51  }
0x512: {  	v53 =	vmul.f32 v40, v19;
	v57 =	vor.u32 s0, v2;
	v3 =	vsub.f32 v3, v14  }
0x513: {  	v7 =	vadd.f32 v10, v7;
	v59 =	vcvt.s32.f32 v57;
	v4 =	vmul.f32 v50, v19  }
0x514: {  	v6 =	vadd.f32 v8, v6;
	v55 =	vpop (erf);
	v56 =	vmul.f32 v26, v17;
	v3 =	vmul.f32 v3, v17  }
0x515: {  	v52 =	vadd.f32 $7.996093750e+00, v22;
	v54 =	vmul.f32 $-7.812500000e-03, v12;
	v5 =	vmul.f32 v55, v5;
	v58 =	vpop (erf)  }
0x516: {  	v7 =	vmul.f32 v58, v7;
	v3 =	vadd.f32 v3, v53;
	v4 =	vadd.f32 v56, v4;
	v60 =	vpop (erf)  }
0x517: {  	v6 =	vmul.f32 v6, v52;
	v8 =	vmul.f32 $-7.812500000e-03, v59;
	v10 =	vadd.f32 $7.996093750e+00, v54;
	v61 =	vpop (erf)  }
0x518: {  	v5 =	vadd.f32 v7, v5;
	v3 =	vmul.f32 v60, v3;
	v4 =	vmul.f32 v61, v4  }
0x519: {  	v6 =	vadd.f32 v6, v11  }
0x51a: {  	v62 =	vadd.f32 $7.996093750e+00, v8;
	v5 =	vmul.f32 v5, v10;
	v3 =	vadd.f32 v4, v3;
	_ =	sdelay $0x1  }
0x51b: {  	v63 =	vadd.f32 v5, v6;
	v3 =	vmul.f32 v3, v62;
	_ =	sdelay $0x1  }
0x51c: {  	v3 =	vadd.f32 v3, v63;
	_ =	sdelay $0x1  }
0x51d: {  	(xrf2) =	vadd.scan.msk.f32 $0xffff, v3;
	_ =	sdelay $0x8  }
0x51e: {  	(v2sf) =	vpush v33, $0xF  }
0x51f: {  	(v2sf) =	vpush v35, $0xF;
	v3, _, _ =	vpop (xrf2)  }
0x520: {  	(v2sf) =	vpush v3, $0xF;
	_ =	sdelay $0xc  }
0x521: {  	s29 =	spop (v2sf)  }
0x522: {  	s30 =	spop (v2sf)  }
0x523: {  	s0 =	spop (v2sf)  }
0x524: {  	s0 =	smul.f32 s3, s0;
	_ =	sdelay $0x1  }
0x525: {  	s0 =	smul.f32 $1.785714370e-02, s0;
	_ =	sdelay $0x1  }
0x526: {  	s28 =	sadd.s32 $0x1, s28;
	v3 =	vmov s0  }
0x527: {  	p0 =	sne.s32 s28, s21;
	v3 =	vnsel vm0, $0x0, v3  }
.Ltmp27:
0x528: {  	s31 =	simm.s32 $0x10880;
	[tilespmem:$0x10880] =	vst v3;
	(pc) =	sbr.rel @p0 .LBB2_1-.Ltmp27, $4  }
0x529: {  	[hbm4b:s20+s2] =	stream.linear.scatter [tilespmem:s31], [sflag:$0x3], $0x80, $0x38;
	[tilespmem:$0x10900] =	vst v63  }
0x52a: {  	_ =	swait.ge [sflag:s26], $0x80  }
0x52b: {  	[sflag:s26] =	ssyncset.done $0x0  }
0x52c: {  	[sflag:s26] =	ssyncadd.s32 $0xFFFFFF80  }
0x52d: {  	_ =	sfence.sel $0x180000  }
0x52e: {  	[bflag:$0x0] =	sbarrier.arrive $0xFFFF  }
0x52f: {  	_ =	strace $0x90000047  }
0x530: {  	s0 =	stileid.u32;
	[bflag:$0x2] =	sbarrier.arrive $0xFFFF  }
0x531: {  	p0 =	sne.s32 s0, $0x0;
	s0 =	rddreg [dreg:$0x3]  }
0x532: {  	s0 =	sadd.s32 @!p0 $0x100000, s0  }
0x533: {  	[sflag:s0] =	ssyncadd.tile.s32 @!p0 $0x1;
	_ =	shalt  }
.Lfunc_end2:
_tile_overlayer_lowered:
.L_overlay_start_2:
0x534: {  	(tag) =	ssettag $0x2  }
0x535: {  	s0 =	rddreg [dreg:$0x0];
	s2 =	stileid.u32  }
0x536: {  	s1 =	rddreg [dreg:$0x1];
	p0 =	sne.s32 s2, $0x0  }
0x537: {  	s3 =	rddreg [dreg:$0x2];
	[bflag:$0x3] =	sbarrier.arrive $0xFFFF;
	s2 =	simm.s32 @!p0 $0x1C03  }
0x538: {  	[timem:s3], [sflag:s2] =	dma.local @!p0 [hbm:s0], s1  }
0x539: {  	s0 =	simm.s32 @!p0 $0x3  }
0x53a: {  	_ =	swait.ge @!p0 [sflag:s0], s1  }
0x53b: {  	s1 =	ssub.s32 @!p0 $0x0, s1;
	[sflag:s0] =	ssyncset.done @!p0 $0x0  }
0x53c: {  	[sflag:s0] =	ssyncadd.s32 @!p0 s1  }
0x53d: {  	[bflag:$0x3] =	sbarrier.arrive $0xFFFF  }
0x53e: {  	_ =	shalt  }

</sc_bundles>
